<compile_context>
chip_gen: v7x
topology: tpu7x:2x2x1
jax: 0.10.2.dev20260603
libtpu: 0.0.44.dev20260713+nightly
codegen_flags: <defaults>
</compile_context>

<pallas_src>
import functools

import jax
import jax.numpy as jnp
from jax import lax
from jax.experimental import pallas as pl
from jax.experimental.pallas import tpu as pltpu
from jax.experimental.pallas import tpu_sc as plsc

NC = 2
NS = 16
NW = NC * NS

BATCH = 16384
NUM = 1000000
D = 64
DP = 128
BPW = BATCH // NW
GROUP = 64
NGROUP = BPW // GROUP
L = 16
NSLOT = 10
TAIL = (NUM // DP) * DP
LASTA = TAIL - DP


def _extract_col(src_ref, col, rowbuf, row):
  lanes = lax.iota(jnp.int32, L)
  colv = jnp.full((L,), col, jnp.int32)
  rowv = jnp.full((L,), row, jnp.int32)
  for q in range(D // L):
    jvec = lanes + (q * L)
    vals = plsc.load_gather(src_ref, [jvec, colv])
    plsc.store_scatter(rowbuf, [rowv, lanes + (q * L)], vals)


def _sc_gather_body(uidx_hbm, iidx_hbm, ug_hbm, ig_hbm, um_hbm, im_hbm,
                    tails_hbm,
                    ug_out, ig_out, um_out, im_out,
                    uidx_s, iidx_s, slots, rowbuf, tails, sems):
  c = lax.axis_index("c")
  s = lax.axis_index("s")
  wid = s * NC + c
  base = wid * BPW

  pltpu.sync_copy(uidx_hbm.at[wid], uidx_s.at[pl.ds(0, BPW)])
  pltpu.sync_copy(iidx_hbm.at[wid], iidx_s.at[pl.ds(0, BPW)])
  pltpu.sync_copy(tails_hbm, tails)

  for tnum, (table, is_user, out) in enumerate((
      (ug_hbm, True, ug_out), (ig_hbm, False, ig_out),
      (um_hbm, True, um_out), (im_hbm, False, im_out))):
    idx_s = uidx_s if is_user else iidx_s
    tail_col0 = tnum * D

    def _blk(idx):
      return pl.multiple_of(
          jnp.minimum(idx & jnp.int32(~(DP - 1)), jnp.int32(LASTA)), DP)

    def _idx_at(p):
      return idx_s[pl.ds(p, L)][0]

    def group_body(h, _):
      off = h * GROUP

      for r in range(NSLOT):
        pltpu.async_copy(
            table.at[:, pl.ds(_blk(_idx_at(off + r)), DP)],
            slots.at[r], sems.at[r])

      def row_body(r, _):
        rm = lax.rem(r, NSLOT)
        u = _idx_at(off + r)
        st = _blk(u)
        pltpu.make_async_copy(
            table.at[:, pl.ds(st, DP)], slots.at[rm], sems.at[rm]).wait()

        @pl.when(u < TAIL)
        def _():
          _extract_col(slots.at[rm], u - st, rowbuf, r)

        @pl.when(u >= TAIL)
        def _():
          _extract_col(tails, tail_col0 + (u - TAIL), rowbuf, r)

        @pl.when(r + NSLOT < GROUP)
        def _():
          nu = _idx_at(off + r + NSLOT)
          pltpu.async_copy(
              table.at[:, pl.ds(_blk(nu), DP)], slots.at[rm], sems.at[rm])
        return 0

      lax.fori_loop(0, GROUP, row_body, 0)
      pltpu.sync_copy(
          rowbuf, out.at[pl.ds(pl.multiple_of(base + off, 8), GROUP)])
      return 0

    lax.fori_loop(0, NGROUP, group_body, 0)


@jax.jit
def _sc_gather(uidx, iidx, ue_gmf, ie_gmf, ue_mlp, ie_mlp):
  mesh = plsc.VectorSubcoreMesh(core_axis_name="c", subcore_axis_name="s")
  f32 = jnp.float32
  out_type = [jax.ShapeDtypeStruct((BATCH, DP), f32) for _ in range(4)]
  scratch = [
      pltpu.VMEM((BPW + L,), jnp.int32),
      pltpu.VMEM((BPW + L,), jnp.int32),
      pltpu.VMEM((NSLOT, D, DP), f32),
      pltpu.VMEM((GROUP, DP), f32),
      pltpu.VMEM((D, 4 * D), f32),
      pltpu.SemaphoreType.DMA((NSLOT,)),
  ]
  fn = functools.partial(
      pl.kernel, mesh=mesh, out_type=out_type, scratch_types=scratch,
      compiler_params=pltpu.CompilerParams(use_tc_tiling_on_sc=True,
                                           needs_layout_passes=False),
  )(_sc_gather_body)
  tts = [jnp.swapaxes(t, 0, 1) for t in (ue_gmf, ie_gmf, ue_mlp, ie_mlp)]
  tails = jnp.concatenate(
      [lax.slice(t, (0, TAIL), (D, NUM)) for t in tts], axis=1)
  return fn(uidx.reshape(NW, BPW), iidx.reshape(NW, BPW), *tts, tails)


def _tc_mlp_body(ug_ref, ig_ref, um_ref, im_ref, w1u_ref, w1i_ref, b1_ref,
                 w2_ref, b2_ref, w3_ref, b3_ref, wpg_ref, wph_ref, bp_ref,
                 out_ref):
  hp = jax.lax.Precision.HIGHEST
  um = um_ref[:, :D]
  im = im_ref[:, :D]
  h = jnp.dot(um, w1u_ref[...], precision=hp) + jnp.dot(
      im, w1i_ref[...], precision=hp) + b1_ref[...]
  h = jnp.maximum(h, 0.0)
  h = jnp.maximum(jnp.dot(h, w2_ref[...], precision=hp) + b2_ref[...], 0.0)
  h = jnp.maximum(jnp.dot(h, w3_ref[...], precision=hp) + b3_ref[...], 0.0)
  gmf = ug_ref[:, :D] * ig_ref[:, :D]
  pred = (jnp.dot(gmf, wpg_ref[...], precision=hp)
          + jnp.dot(h, wph_ref[...], precision=hp) + bp_ref[...])
  out_ref[...] = pred


BLK = 2048


@jax.jit
def _tc_mlp(ug, ig, um, im, W1, b1, W2, b2, W3, b3, Wp, bp):
  w1u = W1[:D]
  w1i = W1[D:]
  wpg = Wp[:D]
  wph = Wp[D:]
  b1r = b1.reshape(1, -1)
  b2r = b2.reshape(1, -1)
  b3r = b3.reshape(1, -1)
  bpr = bp.reshape(1, 1)
  grid = (BATCH // BLK,)
  gath_spec = pl.BlockSpec((BLK, DP), lambda i: (i, 0))
  full = lambda a: pl.BlockSpec(a.shape, lambda i: (0,) * a.ndim)
  out = pl.pallas_call(
      _tc_mlp_body,
      grid=grid,
      in_specs=[
          gath_spec, gath_spec, gath_spec, gath_spec,
          full(w1u), full(w1i), full(b1r),
          full(W2), full(b2r), full(W3), full(b3r),
          full(wpg), full(wph), full(bpr),
      ],
      out_specs=pl.BlockSpec((BLK, 1), lambda i: (i, 0)),
      out_shape=jax.ShapeDtypeStruct((BATCH, 1), jnp.float32),
  )(ug, ig, um, im, w1u, w1i, b1r, W2, b2r, W3, b3r, wpg, wph, bpr)
  return out


def kernel(user_indices, item_indices, ue_gmf, ie_gmf, ue_mlp, ie_mlp,
           W1, b1, W2, b2, W3, b3, Wp, bp):
  ug, ig, um, im = _sc_gather(user_indices, item_indices,
                              ue_gmf, ie_gmf, ue_mlp, ie_mlp)
  out = _tc_mlp(ug, ig, um, im, W1, b1, W2, b2, W3, b3, Wp, bp)
  return jnp.squeeze(out, axis=-1)

# --- scband reference (transcript-rebuilt; emitter-appended) ---
"""Pipeline reference for scband-neural-collaborative-filtering-41231686041680 (READ-ONLY COPY).

The authoritative reference and input builder live on the scoring server;
editing this copy changes nothing except your own understanding.
"""

import jax, jax.numpy as jnp
import numpy as np

NUM_USERS = 1000000
NUM_ITEMS = 1000000
EMBED_DIM = 64
HIDDEN = [128, 64, 32]
BATCH = 16384


def setup_inputs(seed: int = 0) -> dict:
    key = jax.random.key(seed)
    ks = jax.random.split(key, 16)
    user_indices = jax.random.randint(ks[0], (BATCH,), 0, NUM_USERS, dtype=jnp.int32)
    item_indices = jax.random.randint(ks[1], (BATCH,), 0, NUM_ITEMS, dtype=jnp.int32)
    ue_gmf = jax.random.normal(ks[2], (NUM_USERS, EMBED_DIM), dtype=jnp.float32) * 0.01
    ie_gmf = jax.random.normal(ks[3], (NUM_ITEMS, EMBED_DIM), dtype=jnp.float32) * 0.01
    ue_mlp = jax.random.normal(ks[4], (NUM_USERS, EMBED_DIM), dtype=jnp.float32) * 0.01
    ie_mlp = jax.random.normal(ks[5], (NUM_ITEMS, EMBED_DIM), dtype=jnp.float32) * 0.01
    in_size = EMBED_DIM * 2
    W1 = jax.random.normal(ks[6], (in_size, HIDDEN[0]), dtype=jnp.float32) * (1.0 / np.sqrt(in_size))
    b1 = jnp.zeros((HIDDEN[0],), dtype=jnp.float32)
    W2 = jax.random.normal(ks[7], (HIDDEN[0], HIDDEN[1]), dtype=jnp.float32) * (1.0 / np.sqrt(HIDDEN[0]))
    b2 = jnp.zeros((HIDDEN[1],), dtype=jnp.float32)
    W3 = jax.random.normal(ks[8], (HIDDEN[1], HIDDEN[2]), dtype=jnp.float32) * (1.0 / np.sqrt(HIDDEN[1]))
    b3 = jnp.zeros((HIDDEN[2],), dtype=jnp.float32)
    pin = EMBED_DIM + HIDDEN[-1]
    Wp = jax.random.normal(ks[9], (pin, 1), dtype=jnp.float32) * (1.0 / np.sqrt(pin))
    bp = jnp.zeros((1,), dtype=jnp.float32)
    return {
        "user_indices": user_indices, "item_indices": item_indices,
        "ue_gmf": ue_gmf, "ie_gmf": ie_gmf, "ue_mlp": ue_mlp, "ie_mlp": ie_mlp,
        "W1": W1, "b1": b1, "W2": W2, "b2": b2, "W3": W3, "b3": b3,
        "Wp": Wp, "bp": bp,
    }


def reference(user_indices, item_indices, ue_gmf, ie_gmf, ue_mlp, ie_mlp,
              W1, b1, W2, b2, W3, b3, Wp, bp):
    # GMF branch: gather + elementwise product
    user_gmf = jnp.take(ue_gmf, user_indices, axis=0)
    item_gmf = jnp.take(ie_gmf, item_indices, axis=0)
    gmf_vector = user_gmf * item_gmf
    # MLP branch: gather + concat + MLP (dropout inactive at inference)
    user_mlp = jnp.take(ue_mlp, user_indices, axis=0)
    item_mlp = jnp.take(ie_mlp, item_indices, axis=0)
    h = jnp.concatenate([user_mlp, item_mlp], axis=-1)
    h = jax.nn.relu(h @ W1 + b1)
    h = jax.nn.relu(h @ W2 + b2)
    h = jax.nn.relu(h @ W3 + b3)
    combined = jnp.concatenate([gmf_vector, h], axis=-1)
    prediction = combined @ Wp + bp
    return jnp.squeeze(prediction, axis=-1)

if __name__ == "__main__":
    import jax
    _d = setup_inputs()
    print(jax.jit(kernel)(*tuple(_d.values())))

</pallas_src>

<mosaic_0001>
#map = affine_map<(d0, d1) -> (0, 0)>
module attributes {stable_mosaic.version = 14 : i64} {
  func.func @_sc_gather_body(%arg0: i32, %arg1: i32, %arg2: memref<32x512xi32, #tpu.memory_space<hbm>>, %arg3: memref<32x512xi32, #tpu.memory_space<hbm>>, %arg4: memref<64x1000000xf32, #tpu.memory_space<hbm>>, %arg5: memref<64x1000000xf32, #tpu.memory_space<hbm>>, %arg6: memref<64x1000000xf32, #tpu.memory_space<hbm>>, %arg7: memref<64x1000000xf32, #tpu.memory_space<hbm>>, %arg8: memref<64x256xf32, #tpu.memory_space<hbm>>, %arg9: memref<16384x128xf32, #tpu.memory_space<hbm>>, %arg10: memref<16384x128xf32, #tpu.memory_space<hbm>>, %arg11: memref<16384x128xf32, #tpu.memory_space<hbm>>, %arg12: memref<16384x128xf32, #tpu.memory_space<hbm>>, %arg13: memref<528xi32, #tpu.memory_space<vmem>>, %arg14: memref<528xi32, #tpu.memory_space<vmem>>, %arg15: memref<10x64x128xf32, #tpu.memory_space<vmem>>, %arg16: memref<64x128xf32, #tpu.memory_space<vmem>>, %arg17: memref<64x256xf32, #tpu.memory_space<vmem>>, %arg18: memref<10x!tpu.dma_semaphore, #tpu.memory_space<semaphore_mem>>) attributes {dimension_semantics = [#tpu.dimension_semantics<core_parallel>, #tpu.dimension_semantics<subcore_parallel>], iteration_bounds = array<i64: 2, 16>, scalar_prefetch = 0 : i64, scratch_operands = 6 : i64, tpu.core_type = #tpu.core_type<sc_vector_subcore>, window_params = [{transform_indices = #map}, {transform_indices = #map}, {transform_indices = #map}, {transform_indices = #map}, {transform_indices = #map}, {transform_indices = #map}, {transform_indices = #map}, {transform_indices = #map}, {transform_indices = #map}, {transform_indices = #map}, {transform_indices = #map}]} {
    %mul3A = arith.constant 2 : i32
    %mul3A_0 = arith.muli %arg1, %mul3A : i32
    %add3A = arith.addi %mul3A_0, %arg0 : i32
    %mul3A_1 = arith.constant 512 : i32
    %mul3A_2 = arith.muli %add3A, %mul3A_1 : i32
    "tpu.region"() ({
      %run_scoped3A = tpu.sem_alloc : memref<!tpu.dma_semaphore, #tpu.memory_space<semaphore_mem>>
      %dma_start3A = arith.constant 0 : i32
      %dma_start3A_30 = tpu.memref_slice %arg13[%dma_start3A] : memref<528xi32, #tpu.memory_space<vmem>> -> memref<512xi32, #tpu.memory_space<vmem>>
      %dma_start3A_31 = arith.constant 0 : i32
      %dma_start3A_32 = tpu.memref_slice %arg2[%add3A, %dma_start3A_31] : memref<32x512xi32, #tpu.memory_space<hbm>> -> memref<1x512xi32, #tpu.memory_space<hbm>>
      %dma_start3A_33 = tpu.memref_squeeze %dma_start3A_32 : memref<1x512xi32, #tpu.memory_space<hbm>> -> memref<512xi32, #tpu.memory_space<hbm>>
      %dma_start3A_34 = arith.constant 0 : i32
      %dma_start3A_35 = tpu.memref_slice %arg13[%dma_start3A_34] : memref<528xi32, #tpu.memory_space<vmem>> -> memref<512xi32, #tpu.memory_space<vmem>>
      %dma_start3A_36 = arith.constant 0 : i32
      %dma_start3A_37 = tpu.memref_slice %arg2[%add3A, %dma_start3A_36] : memref<32x512xi32, #tpu.memory_space<hbm>> -> memref<1x512xi32, #tpu.memory_space<hbm>>
      %dma_start3A_38 = tpu.memref_squeeze %dma_start3A_37 : memref<1x512xi32, #tpu.memory_space<hbm>> -> memref<512xi32, #tpu.memory_space<hbm>>
      tpu.enqueue_dma source(%dma_start3A_38 : memref<512xi32, #tpu.memory_space<hbm>>) target(%dma_start3A_35 : memref<512xi32, #tpu.memory_space<vmem>>) target_semaphore(%run_scoped3A : memref<!tpu.dma_semaphore, #tpu.memory_space<semaphore_mem>>)
      %dma_wait3A = arith.constant 0 : i32
      %dma_wait3A_39 = tpu.memref_slice %arg13[%dma_wait3A] : memref<528xi32, #tpu.memory_space<vmem>> -> memref<512xi32, #tpu.memory_space<vmem>>
      %dma_wait3A_40 = arith.constant 0 : i32
      %dma_wait3A_41 = tpu.memref_slice %arg2[%add3A, %dma_wait3A_40] : memref<32x512xi32, #tpu.memory_space<hbm>> -> memref<1x512xi32, #tpu.memory_space<hbm>>
      %dma_wait3A_42 = tpu.memref_squeeze %dma_wait3A_41 : memref<1x512xi32, #tpu.memory_space<hbm>> -> memref<512xi32, #tpu.memory_space<hbm>>
      %dma_wait3A_43 = arith.constant 0 : i32
      %dma_wait3A_44 = tpu.memref_slice %arg13[%dma_wait3A_43] : memref<528xi32, #tpu.memory_space<vmem>> -> memref<512xi32, #tpu.memory_space<vmem>>
      %dma_wait3A_45 = arith.constant 0 : i32
      %dma_wait3A_46 = tpu.memref_slice %arg2[%add3A, %dma_wait3A_45] : memref<32x512xi32, #tpu.memory_space<hbm>> -> memref<1x512xi32, #tpu.memory_space<hbm>>
      %dma_wait3A_47 = tpu.memref_squeeze %dma_wait3A_46 : memref<1x512xi32, #tpu.memory_space<hbm>> -> memref<512xi32, #tpu.memory_space<hbm>>
      tpu.wait_dma2 semaphore(%run_scoped3A : memref<!tpu.dma_semaphore, #tpu.memory_space<semaphore_mem>>) src(%dma_wait3A_47 : memref<512xi32, #tpu.memory_space<hbm>>) dst(%dma_wait3A_44 : memref<512xi32, #tpu.memory_space<vmem>>)
      tpu.yield
    }) : () -> ()
    "tpu.region"() ({
      %run_scoped3A = tpu.sem_alloc : memref<!tpu.dma_semaphore, #tpu.memory_space<semaphore_mem>>
      %dma_start3A = arith.constant 0 : i32
      %dma_start3A_30 = tpu.memref_slice %arg14[%dma_start3A] : memref<528xi32, #tpu.memory_space<vmem>> -> memref<512xi32, #tpu.memory_space<vmem>>
      %dma_start3A_31 = arith.constant 0 : i32
      %dma_start3A_32 = tpu.memref_slice %arg3[%add3A, %dma_start3A_31] : memref<32x512xi32, #tpu.memory_space<hbm>> -> memref<1x512xi32, #tpu.memory_space<hbm>>
      %dma_start3A_33 = tpu.memref_squeeze %dma_start3A_32 : memref<1x512xi32, #tpu.memory_space<hbm>> -> memref<512xi32, #tpu.memory_space<hbm>>
      %dma_start3A_34 = arith.constant 0 : i32
      %dma_start3A_35 = tpu.memref_slice %arg14[%dma_start3A_34] : memref<528xi32, #tpu.memory_space<vmem>> -> memref<512xi32, #tpu.memory_space<vmem>>
      %dma_start3A_36 = arith.constant 0 : i32
      %dma_start3A_37 = tpu.memref_slice %arg3[%add3A, %dma_start3A_36] : memref<32x512xi32, #tpu.memory_space<hbm>> -> memref<1x512xi32, #tpu.memory_space<hbm>>
      %dma_start3A_38 = tpu.memref_squeeze %dma_start3A_37 : memref<1x512xi32, #tpu.memory_space<hbm>> -> memref<512xi32, #tpu.memory_space<hbm>>
      tpu.enqueue_dma source(%dma_start3A_38 : memref<512xi32, #tpu.memory_space<hbm>>) target(%dma_start3A_35 : memref<512xi32, #tpu.memory_space<vmem>>) target_semaphore(%run_scoped3A : memref<!tpu.dma_semaphore, #tpu.memory_space<semaphore_mem>>)
      %dma_wait3A = arith.constant 0 : i32
      %dma_wait3A_39 = tpu.memref_slice %arg14[%dma_wait3A] : memref<528xi32, #tpu.memory_space<vmem>> -> memref<512xi32, #tpu.memory_space<vmem>>
      %dma_wait3A_40 = arith.constant 0 : i32
      %dma_wait3A_41 = tpu.memref_slice %arg3[%add3A, %dma_wait3A_40] : memref<32x512xi32, #tpu.memory_space<hbm>> -> memref<1x512xi32, #tpu.memory_space<hbm>>
      %dma_wait3A_42 = tpu.memref_squeeze %dma_wait3A_41 : memref<1x512xi32, #tpu.memory_space<hbm>> -> memref<512xi32, #tpu.memory_space<hbm>>
      %dma_wait3A_43 = arith.constant 0 : i32
      %dma_wait3A_44 = tpu.memref_slice %arg14[%dma_wait3A_43] : memref<528xi32, #tpu.memory_space<vmem>> -> memref<512xi32, #tpu.memory_space<vmem>>
      %dma_wait3A_45 = arith.constant 0 : i32
      %dma_wait3A_46 = tpu.memref_slice %arg3[%add3A, %dma_wait3A_45] : memref<32x512xi32, #tpu.memory_space<hbm>> -> memref<1x512xi32, #tpu.memory_space<hbm>>
      %dma_wait3A_47 = tpu.memref_squeeze %dma_wait3A_46 : memref<1x512xi32, #tpu.memory_space<hbm>> -> memref<512xi32, #tpu.memory_space<hbm>>
      tpu.wait_dma2 semaphore(%run_scoped3A : memref<!tpu.dma_semaphore, #tpu.memory_space<semaphore_mem>>) src(%dma_wait3A_47 : memref<512xi32, #tpu.memory_space<hbm>>) dst(%dma_wait3A_44 : memref<512xi32, #tpu.memory_space<vmem>>)
      tpu.yield
    }) : () -> ()
    "tpu.region"() ({
      %run_scoped3A = tpu.sem_alloc : memref<!tpu.dma_semaphore, #tpu.memory_space<semaphore_mem>>
      tpu.enqueue_dma source(%arg8 : memref<64x256xf32, #tpu.memory_space<hbm>>) target(%arg17 : memref<64x256xf32, #tpu.memory_space<vmem>>) target_semaphore(%run_scoped3A : memref<!tpu.dma_semaphore, #tpu.memory_space<semaphore_mem>>)
      tpu.wait_dma2 semaphore(%run_scoped3A : memref<!tpu.dma_semaphore, #tpu.memory_space<semaphore_mem>>) src(%arg8 : memref<64x256xf32, #tpu.memory_space<hbm>>) dst(%arg17 : memref<64x256xf32, #tpu.memory_space<vmem>>)
      tpu.yield
    }) : () -> ()
    %scan3A = arith.constant 0 : i32
    %scan3A_3 = arith.constant 0 : i32
    %scan3A_4 = arith.constant 8 : i32
    %scan3A_5 = arith.addi %scan3A_3, %scan3A_4 : i32
    %scan3A_6 = arith.constant 1 : i32
    %scan3A_7 = scf.for %scan3A_30 = %scan3A_3 to %scan3A_5 step %scan3A_6 iter_args(%scan3A_31 = %scan3A) -> (i32)  : i32 {
      %mul3A_32 = arith.constant 64 : i32
      %mul3A_33 = arith.muli %scan3A_30, %mul3A_32 : i32
      %add3A_34 = arith.constant 0 : i32
      %add3A_35 = arith.addi %mul3A_33, %add3A_34 : i32
      %get3A = arith.index_cast %add3A_35 : i32 to index
      %get3A_36 = tpu.vector_load %arg13[%get3A] {strides = array<i32>} : memref<528xi32, #tpu.memory_space<vmem>>, vector<16xi32>,
      %slice3A = vector.extract_strided_slice %get3A_36 {offsets = [0], sizes = [1], strides = [1]} : vector<16xi32> to vector<1xi32>
      %squeeze3A = vector.extract %slice3A[0] : i32 from vector<1xi32>
      %and3A = arith.constant -128 : i32
      %and3A_37 = arith.andi %squeeze3A, %and3A : i32
      %min3A = arith.constant 999808 : i32
      %min3A_38 = arith.minsi %and3A_37, %min3A : i32
      %multiple_of3A = tpu.assume_multiple %min3A_38, 128 : i32
      %dma_start3A = arith.constant 0 : i32
      %dma_start3A_39 = arith.constant 0 : i32
      %dma_start3A_40 = arith.constant 0 : i32
      %dma_start3A_41 = arith.constant 0 : i32
      %dma_start3A_42 = tpu.memref_slice %arg15[%dma_start3A, %dma_start3A_40, %dma_start3A_41] : memref<10x64x128xf32, #tpu.memory_space<vmem>> -> memref<1x64x128xf32, #tpu.memory_space<vmem>>
      %dma_start3A_43 = tpu.memref_squeeze %dma_start3A_42 : memref<1x64x128xf32, #tpu.memory_space<vmem>> -> memref<64x128xf32, #tpu.memory_space<vmem>>
      %dma_start3A_44 = arith.constant 0 : i32
      %dma_start3A_45 = tpu.memref_slice %arg4[%dma_start3A_44, %multiple_of3A] : memref<64x1000000xf32, #tpu.memory_space<hbm>> -> memref<64x128xf32, #tpu.memory_space<hbm>>
      %dma_start3A_46 = tpu.memref_slice %arg18[%dma_start3A_39] : memref<10x!tpu.dma_semaphore, #tpu.memory_space<semaphore_mem>> -> memref<1x!tpu.dma_semaphore, #tpu.memory_space<semaphore_mem>>
      %dma_start3A_47 = tpu.memref_squeeze %dma_start3A_46 : memref<1x!tpu.dma_semaphore, #tpu.memory_space<semaphore_mem>> -> memref<!tpu.dma_semaphore, #tpu.memory_space<semaphore_mem>>
      %dma_start3A_48 = arith.constant 0 : i32
      %dma_start3A_49 = arith.constant 0 : i32
      %dma_start3A_50 = tpu.memref_slice %arg15[%dma_start3A, %dma_start3A_48, %dma_start3A_49] : memref<10x64x128xf32, #tpu.memory_space<vmem>> -> memref<1x64x128xf32, #tpu.memory_space<vmem>>
      %dma_start3A_51 = tpu.memref_squeeze %dma_start3A_50 : memref<1x64x128xf32, #tpu.memory_space<vmem>> -> memref<64x128xf32, #tpu.memory_space<vmem>>
      %dma_start3A_52 = arith.constant 0 : i32
      %dma_start3A_53 = tpu.memref_slice %arg4[%dma_start3A_52, %multiple_of3A] : memref<64x1000000xf32, #tpu.memory_space<hbm>> -> memref<64x128xf32, #tpu.memory_space<hbm>>
      tpu.enqueue_dma source(%dma_start3A_53 : memref<64x128xf32, #tpu.memory_space<hbm>>) target(%dma_start3A_51 : memref<64x128xf32, #tpu.memory_space<vmem>>) target_semaphore(%dma_start3A_47 : memref<!tpu.dma_semaphore, #tpu.memory_space<semaphore_mem>>)
      %add3A_54 = arith.constant 1 : i32
      %add3A_55 = arith.addi %mul3A_33, %add3A_54 : i32
      %get3A_56 = arith.index_cast %add3A_55 : i32 to index
      %get3A_57 = tpu.vector_load %arg13[%get3A_56] {strides = array<i32>} : memref<528xi32, #tpu.memory_space<vmem>>, vector<16xi32>,
      %slice3A_58 = vector.extract_strided_slice %get3A_57 {offsets = [0], sizes = [1], strides = [1]} : vector<16xi32> to vector<1xi32>
      %squeeze3A_59 = vector.extract %slice3A_58[0] : i32 from vector<1xi32>
      %and3A_60 = arith.constant -128 : i32
      %and3A_61 = arith.andi %squeeze3A_59, %and3A_60 : i32
      %min3A_62 = arith.constant 999808 : i32
      %min3A_63 = arith.minsi %and3A_61, %min3A_62 : i32
      %multiple_of3A_64 = tpu.assume_multiple %min3A_63, 128 : i32
      %dma_start3A_65 = arith.constant 1 : i32
      %dma_start3A_66 = arith.constant 1 : i32
      %dma_start3A_67 = arith.constant 0 : i32
      %dma_start3A_68 = arith.constant 0 : i32
      %dma_start3A_69 = tpu.memref_slice %arg15[%dma_start3A_65, %dma_start3A_67, %dma_start3A_68] : memref<10x64x128xf32, #tpu.memory_space<vmem>> -> memref<1x64x128xf32, #tpu.memory_space<vmem>>
      %dma_start3A_70 = tpu.memref_squeeze %dma_start3A_69 : memref<1x64x128xf32, #tpu.memory_space<vmem>> -> memref<64x128xf32, #tpu.memory_space<vmem>>
      %dma_start3A_71 = arith.constant 0 : i32
      %dma_start3A_72 = tpu.memref_slice %arg4[%dma_start3A_71, %multiple_of3A_64] : memref<64x1000000xf32, #tpu.memory_space<hbm>> -> memref<64x128xf32, #tpu.memory_space<hbm>>
      %dma_start3A_73 = tpu.memref_slice %arg18[%dma_start3A_66] : memref<10x!tpu.dma_semaphore, #tpu.memory_space<semaphore_mem>> -> memref<1x!tpu.dma_semaphore, #tpu.memory_space<semaphore_mem>>
      %dma_start3A_74 = tpu.memref_squeeze %dma_start3A_73 : memref<1x!tpu.dma_semaphore, #tpu.memory_space<semaphore_mem>> -> memref<!tpu.dma_semaphore, #tpu.memory_space<semaphore_mem>>
      %dma_start3A_75 = arith.constant 0 : i32
      %dma_start3A_76 = arith.constant 0 : i32
      %dma_start3A_77 = tpu.memref_slice %arg15[%dma_start3A_65, %dma_start3A_75, %dma_start3A_76] : memref<10x64x128xf32, #tpu.memory_space<vmem>> -> memref<1x64x128xf32, #tpu.memory_space<vmem>>
      %dma_start3A_78 = tpu.memref_squeeze %dma_start3A_77 : memref<1x64x128xf32, #tpu.memory_space<vmem>> -> memref<64x128xf32, #tpu.memory_space<vmem>>
      %dma_start3A_79 = arith.constant 0 : i32
      %dma_start3A_80 = tpu.memref_slice %arg4[%dma_start3A_79, %multiple_of3A_64] : memref<64x1000000xf32, #tpu.memory_space<hbm>> -> memref<64x128xf32, #tpu.memory_space<hbm>>
      tpu.enqueue_dma source(%dma_start3A_80 : memref<64x128xf32, #tpu.memory_space<hbm>>) target(%dma_start3A_78 : memref<64x128xf32, #tpu.memory_space<vmem>>) target_semaphore(%dma_start3A_74 : memref<!tpu.dma_semaphore, #tpu.memory_space<semaphore_mem>>)
      %add3A_81 = arith.constant 2 : i32
      %add3A_82 = arith.addi %mul3A_33, %add3A_81 : i32
      %get3A_83 = arith.index_cast %add3A_82 : i32 to index
      %get3A_84 = tpu.vector_load %arg13[%get3A_83] {strides = array<i32>} : memref<528xi32, #tpu.memory_space<vmem>>, vector<16xi32>,
      %slice3A_85 = vector.extract_strided_slice %get3A_84 {offsets = [0], sizes = [1], strides = [1]} : vector<16xi32> to vector<1xi32>
      %squeeze3A_86 = vector.extract %slice3A_85[0] : i32 from vector<1xi32>
      %and3A_87 = arith.constant -128 : i32
      %and3A_88 = arith.andi %squeeze3A_86, %and3A_87 : i32
      %min3A_89 = arith.constant 999808 : i32
      %min3A_90 = arith.minsi %and3A_88, %min3A_89 : i32
      %multiple_of3A_91 = tpu.assume_multiple %min3A_90, 128 : i32
      %dma_start3A_92 = arith.constant 2 : i32
      %dma_start3A_93 = arith.constant 2 : i32
      %dma_start3A_94 = arith.constant 0 : i32
      %dma_start3A_95 = arith.constant 0 : i32
      %dma_start3A_96 = tpu.memref_slice %arg15[%dma_start3A_92, %dma_start3A_94, %dma_start3A_95] : memref<10x64x128xf32, #tpu.memory_space<vmem>> -> memref<1x64x128xf32, #tpu.memory_space<vmem>>
      %dma_start3A_97 = tpu.memref_squeeze %dma_start3A_96 : memref<1x64x128xf32, #tpu.memory_space<vmem>> -> memref<64x128xf32, #tpu.memory_space<vmem>>
      %dma_start3A_98 = arith.constant 0 : i32
      %dma_start3A_99 = tpu.memref_slice %arg4[%dma_start3A_98, %multiple_of3A_91] : memref<64x1000000xf32, #tpu.memory_space<hbm>> -> memref<64x128xf32, #tpu.memory_space<hbm>>
      %dma_start3A_100 = tpu.memref_slice %arg18[%dma_start3A_93] : memref<10x!tpu.dma_semaphore, #tpu.memory_space<semaphore_mem>> -> memref<1x!tpu.dma_semaphore, #tpu.memory_space<semaphore_mem>>
      %dma_start3A_101 = tpu.memref_squeeze %dma_start3A_100 : memref<1x!tpu.dma_semaphore, #tpu.memory_space<semaphore_mem>> -> memref<!tpu.dma_semaphore, #tpu.memory_space<semaphore_mem>>
      %dma_start3A_102 = arith.constant 0 : i32
      %dma_start3A_103 = arith.constant 0 : i32
      %dma_start3A_104 = tpu.memref_slice %arg15[%dma_start3A_92, %dma_start3A_102, %dma_start3A_103] : memref<10x64x128xf32, #tpu.memory_space<vmem>> -> memref<1x64x128xf32, #tpu.memory_space<vmem>>
      %dma_start3A_105 = tpu.memref_squeeze %dma_start3A_104 : memref<1x64x128xf32, #tpu.memory_space<vmem>> -> memref<64x128xf32, #tpu.memory_space<vmem>>
      %dma_start3A_106 = arith.constant 0 : i32
      %dma_start3A_107 = tpu.memref_slice %arg4[%dma_start3A_106, %multiple_of3A_91] : memref<64x1000000xf32, #tpu.memory_space<hbm>> -> memref<64x128xf32, #tpu.memory_space<hbm>>
      tpu.enqueue_dma source(%dma_start3A_107 : memref<64x128xf32, #tpu.memory_space<hbm>>) target(%dma_start3A_105 : memref<64x128xf32, #tpu.memory_space<vmem>>) target_semaphore(%dma_start3A_101 : memref<!tpu.dma_semaphore, #tpu.memory_space<semaphore_mem>>)
      %add3A_108 = arith.constant 3 : i32
      %add3A_109 = arith.addi %mul3A_33, %add3A_108 : i32
      %get3A_110 = arith.index_cast %add3A_109 : i32 to index
      %get3A_111 = tpu.vector_load %arg13[%get3A_110] {strides = array<i32>} : memref<528xi32, #tpu.memory_space<vmem>>, vector<16xi32>,
      %slice3A_112 = vector.extract_strided_slice %get3A_111 {offsets = [0], sizes = [1], strides = [1]} : vector<16xi32> to vector<1xi32>
      %squeeze3A_113 = vector.extract %slice3A_112[0] : i32 from vector<1xi32>
      %and3A_114 = arith.constant -128 : i32
      %and3A_115 = arith.andi %squeeze3A_113, %and3A_114 : i32
      %min3A_116 = arith.constant 999808 : i32
      %min3A_117 = arith.minsi %and3A_115, %min3A_116 : i32
      %multiple_of3A_118 = tpu.assume_multiple %min3A_117, 128 : i32
      %dma_start3A_119 = arith.constant 3 : i32
      %dma_start3A_120 = arith.constant 3 : i32
      %dma_start3A_121 = arith.constant 0 : i32
      %dma_start3A_122 = arith.constant 0 : i32
      %dma_start3A_123 = tpu.memref_slice %arg15[%dma_start3A_119, %dma_start3A_121, %dma_start3A_122] : memref<10x64x128xf32, #tpu.memory_space<vmem>> -> memref<1x64x128xf32, #tpu.memory_space<vmem>>
      %dma_start3A_124 = tpu.memref_squeeze %dma_start3A_123 : memref<1x64x128xf32, #tpu.memory_space<vmem>> -> memref<64x128xf32, #tpu.memory_space<vmem>>
      %dma_start3A_125 = arith.constant 0 : i32
      %dma_start3A_126 = tpu.memref_slice %arg4[%dma_start3A_125, %multiple_of3A_118] : memref<64x1000000xf32, #tpu.memory_space<hbm>> -> memref<64x128xf32, #tpu.memory_space<hbm>>
      %dma_start3A_127 = tpu.memref_slice %arg18[%dma_start3A_120] : memref<10x!tpu.dma_semaphore, #tpu.memory_space<semaphore_mem>> -> memref<1x!tpu.dma_semaphore, #tpu.memory_space<semaphore_mem>>
      %dma_start3A_128 = tpu.memref_squeeze %dma_start3A_127 : memref<1x!tpu.dma_semaphore, #tpu.memory_space<semaphore_mem>> -> memref<!tpu.dma_semaphore, #tpu.memory_space<semaphore_mem>>
      %dma_start3A_129 = arith.constant 0 : i32
      %dma_start3A_130 = arith.constant 0 : i32
      %dma_start3A_131 = tpu.memref_slice %arg15[%dma_start3A_119, %dma_start3A_129, %dma_start3A_130] : memref<10x64x128xf32, #tpu.memory_space<vmem>> -> memref<1x64x128xf32, #tpu.memory_space<vmem>>
      %dma_start3A_132 = tpu.memref_squeeze %dma_start3A_131 : memref<1x64x128xf32, #tpu.memory_space<vmem>> -> memref<64x128xf32, #tpu.memory_space<vmem>>
      %dma_start3A_133 = arith.constant 0 : i32
      %dma_start3A_134 = tpu.memref_slice %arg4[%dma_start3A_133, %multiple_of3A_118] : memref<64x1000000xf32, #tpu.memory_space<hbm>> -> memref<64x128xf32, #tpu.memory_space<hbm>>
      tpu.enqueue_dma source(%dma_start3A_134 : memref<64x128xf32, #tpu.memory_space<hbm>>) target(%dma_start3A_132 : memref<64x128xf32, #tpu.memory_space<vmem>>) target_semaphore(%dma_start3A_128 : memref<!tpu.dma_semaphore, #tpu.memory_space<semaphore_mem>>)
      %add3A_135 = arith.constant 4 : i32
      %add3A_136 = arith.addi %mul3A_33, %add3A_135 : i32
      %get3A_137 = arith.index_cast %add3A_136 : i32 to index
      %get3A_138 = tpu.vector_load %arg13[%get3A_137] {strides = array<i32>} : memref<528xi32, #tpu.memory_space<vmem>>, vector<16xi32>,
      %slice3A_139 = vector.extract_strided_slice %get3A_138 {offsets = [0], sizes = [1], strides = [1]} : vector<16xi32> to vector<1xi32>
      %squeeze3A_140 = vector.extract %slice3A_139[0] : i32 from vector<1xi32>
      %and3A_141 = arith.constant -128 : i32
      %and3A_142 = arith.andi %squeeze3A_140, %and3A_141 : i32
      %min3A_143 = arith.constant 999808 : i32
      %min3A_144 = arith.minsi %and3A_142, %min3A_143 : i32
      %multiple_of3A_145 = tpu.assume_multiple %min3A_144, 128 : i32
      %dma_start3A_146 = arith.constant 4 : i32
      %dma_start3A_147 = arith.constant 4 : i32
      %dma_start3A_148 = arith.constant 0 : i32
      %dma_start3A_149 = arith.constant 0 : i32
      %dma_start3A_150 = tpu.memref_slice %arg15[%dma_start3A_146, %dma_start3A_148, %dma_start3A_149] : memref<10x64x128xf32, #tpu.memory_space<vmem>> -> memref<1x64x128xf32, #tpu.memory_space<vmem>>
      %dma_start3A_151 = tpu.memref_squeeze %dma_start3A_150 : memref<1x64x128xf32, #tpu.memory_space<vmem>> -> memref<64x128xf32, #tpu.memory_space<vmem>>
      %dma_start3A_152 = arith.constant 0 : i32
      %dma_start3A_153 = tpu.memref_slice %arg4[%dma_start3A_152, %multiple_of3A_145] : memref<64x1000000xf32, #tpu.memory_space<hbm>> -> memref<64x128xf32, #tpu.memory_space<hbm>>
      %dma_start3A_154 = tpu.memref_slice %arg18[%dma_start3A_147] : memref<10x!tpu.dma_semaphore, #tpu.memory_space<semaphore_mem>> -> memref<1x!tpu.dma_semaphore, #tpu.memory_space<semaphore_mem>>
      %dma_start3A_155 = tpu.memref_squeeze %dma_start3A_154 : memref<1x!tpu.dma_semaphore, #tpu.memory_space<semaphore_mem>> -> memref<!tpu.dma_semaphore, #tpu.memory_space<semaphore_mem>>
      %dma_start3A_156 = arith.constant 0 : i32
      %dma_start3A_157 = arith.constant 0 : i32
      %dma_start3A_158 = tpu.memref_slice %arg15[%dma_start3A_146, %dma_start3A_156, %dma_start3A_157] : memref<10x64x128xf32, #tpu.memory_space<vmem>> -> memref<1x64x128xf32, #tpu.memory_space<vmem>>
      %dma_start3A_159 = tpu.memref_squeeze %dma_start3A_158 : memref<1x64x128xf32, #tpu.memory_space<vmem>> -> memref<64x128xf32, #tpu.memory_space<vmem>>
      %dma_start3A_160 = arith.constant 0 : i32
      %dma_start3A_161 = tpu.memref_slice %arg4[%dma_start3A_160, %multiple_of3A_145] : memref<64x1000000xf32, #tpu.memory_space<hbm>> -> memref<64x128xf32, #tpu.memory_space<hbm>>
      tpu.enqueue_dma source(%dma_start3A_161 : memref<64x128xf32, #tpu.memory_space<hbm>>) target(%dma_start3A_159 : memref<64x128xf32, #tpu.memory_space<vmem>>) target_semaphore(%dma_start3A_155 : memref<!tpu.dma_semaphore, #tpu.memory_space<semaphore_mem>>)
      %add3A_162 = arith.constant 5 : i32
      %add3A_163 = arith.addi %mul3A_33, %add3A_162 : i32
      %get3A_164 = arith.index_cast %add3A_163 : i32 to index
      %get3A_165 = tpu.vector_load %arg13[%get3A_164] {strides = array<i32>} : memref<528xi32, #tpu.memory_space<vmem>>, vector<16xi32>,
      %slice3A_166 = vector.extract_strided_slice %get3A_165 {offsets = [0], sizes = [1], strides = [1]} : vector<16xi32> to vector<1xi32>
      %squeeze3A_167 = vector.extract %slice3A_166[0] : i32 from vector<1xi32>
      %and3A_168 = arith.constant -128 : i32
      %and3A_169 = arith.andi %squeeze3A_167, %and3A_168 : i32
      %min3A_170 = arith.constant 999808 : i32
      %min3A_171 = arith.minsi %and3A_169, %min3A_170 : i32
      %multiple_of3A_172 = tpu.assume_multiple %min3A_171, 128 : i32
      %dma_start3A_173 = arith.constant 5 : i32
      %dma_start3A_174 = arith.constant 5 : i32
      %dma_start3A_175 = arith.constant 0 : i32
      %dma_start3A_176 = arith.constant 0 : i32
      %dma_start3A_177 = tpu.memref_slice %arg15[%dma_start3A_173, %dma_start3A_175, %dma_start3A_176] : memref<10x64x128xf32, #tpu.memory_space<vmem>> -> memref<1x64x128xf32, #tpu.memory_space<vmem>>
      %dma_start3A_178 = tpu.memref_squeeze %dma_start3A_177 : memref<1x64x128xf32, #tpu.memory_space<vmem>> -> memref<64x128xf32, #tpu.memory_space<vmem>>
      %dma_start3A_179 = arith.constant 0 : i32
      %dma_start3A_180 = tpu.memref_slice %arg4[%dma_start3A_179, %multiple_of3A_172] : memref<64x1000000xf32, #tpu.memory_space<hbm>> -> memref<64x128xf32, #tpu.memory_space<hbm>>
      %dma_start3A_181 = tpu.memref_slice %arg18[%dma_start3A_174] : memref<10x!tpu.dma_semaphore, #tpu.memory_space<semaphore_mem>> -> memref<1x!tpu.dma_semaphore, #tpu.memory_space<semaphore_mem>>
      %dma_start3A_182 = tpu.memref_squeeze %dma_start3A_181 : memref<1x!tpu.dma_semaphore, #tpu.memory_space<semaphore_mem>> -> memref<!tpu.dma_semaphore, #tpu.memory_space<semaphore_mem>>
      %dma_start3A_183 = arith.constant 0 : i32
      %dma_start3A_184 = arith.constant 0 : i32
      %dma_start3A_185 = tpu.memref_slice %arg15[%dma_start3A_173, %dma_start3A_183, %dma_start3A_184] : memref<10x64x128xf32, #tpu.memory_space<vmem>> -> memref<1x64x128xf32, #tpu.memory_space<vmem>>
      %dma_start3A_186 = tpu.memref_squeeze %dma_start3A_185 : memref<1x64x128xf32, #tpu.memory_space<vmem>> -> memref<64x128xf32, #tpu.memory_space<vmem>>
      %dma_start3A_187 = arith.constant 0 : i32
      %dma_start3A_188 = tpu.memref_slice %arg4[%dma_start3A_187, %multiple_of3A_172] : memref<64x1000000xf32, #tpu.memory_space<hbm>> -> memref<64x128xf32, #tpu.memory_space<hbm>>
      tpu.enqueue_dma source(%dma_start3A_188 : memref<64x128xf32, #tpu.memory_space<hbm>>) target(%dma_start3A_186 : memref<64x128xf32, #tpu.memory_space<vmem>>) target_semaphore(%dma_start3A_182 : memref<!tpu.dma_semaphore, #tpu.memory_space<semaphore_mem>>)
      %add3A_189 = arith.constant 6 : i32
      %add3A_190 = arith.addi %mul3A_33, %add3A_189 : i32
      %get3A_191 = arith.index_cast %add3A_190 : i32 to index
      %get3A_192 = tpu.vector_load %arg13[%get3A_191] {strides = array<i32>} : memref<528xi32, #tpu.memory_space<vmem>>, vector<16xi32>,
      %slice3A_193 = vector.extract_strided_slice %get3A_192 {offsets = [0], sizes = [1], strides = [1]} : vector<16xi32> to vector<1xi32>
      %squeeze3A_194 = vector.extract %slice3A_193[0] : i32 from vector<1xi32>
      %and3A_195 = arith.constant -128 : i32
      %and3A_196 = arith.andi %squeeze3A_194, %and3A_195 : i32
      %min3A_197 = arith.constant 999808 : i32
      %min3A_198 = arith.minsi %and3A_196, %min3A_197 : i32
      %multiple_of3A_199 = tpu.assume_multiple %min3A_198, 128 : i32
      %dma_start3A_200 = arith.constant 6 : i32
      %dma_start3A_201 = arith.constant 6 : i32
      %dma_start3A_202 = arith.constant 0 : i32
      %dma_start3A_203 = arith.constant 0 : i32
      %dma_start3A_204 = tpu.memref_slice %arg15[%dma_start3A_200, %dma_start3A_202, %dma_start3A_203] : memref<10x64x128xf32, #tpu.memory_space<vmem>> -> memref<1x64x128xf32, #tpu.memory_space<vmem>>
      %dma_start3A_205 = tpu.memref_squeeze %dma_start3A_204 : memref<1x64x128xf32, #tpu.memory_space<vmem>> -> memref<64x128xf32, #tpu.memory_space<vmem>>
      %dma_start3A_206 = arith.constant 0 : i32
      %dma_start3A_207 = tpu.memref_slice %arg4[%dma_start3A_206, %multiple_of3A_199] : memref<64x1000000xf32, #tpu.memory_space<hbm>> -> memref<64x128xf32, #tpu.memory_space<hbm>>
      %dma_start3A_208 = tpu.memref_slice %arg18[%dma_start3A_201] : memref<10x!tpu.dma_semaphore, #tpu.memory_space<semaphore_mem>> -> memref<1x!tpu.dma_semaphore, #tpu.memory_space<semaphore_mem>>
      %dma_start3A_209 = tpu.memref_squeeze %dma_start3A_208 : memref<1x!tpu.dma_semaphore, #tpu.memory_space<semaphore_mem>> -> memref<!tpu.dma_semaphore, #tpu.memory_space<semaphore_mem>>
      %dma_start3A_210 = arith.constant 0 : i32
      %dma_start3A_211 = arith.constant 0 : i32
      %dma_start3A_212 = tpu.memref_slice %arg15[%dma_start3A_200, %dma_start3A_210, %dma_start3A_211] : memref<10x64x128xf32, #tpu.memory_space<vmem>> -> memref<1x64x128xf32, #tpu.memory_space<vmem>>
      %dma_start3A_213 = tpu.memref_squeeze %dma_start3A_212 : memref<1x64x128xf32, #tpu.memory_space<vmem>> -> memref<64x128xf32, #tpu.memory_space<vmem>>
      %dma_start3A_214 = arith.constant 0 : i32
      %dma_start3A_215 = tpu.memref_slice %arg4[%dma_start3A_214, %multiple_of3A_199] : memref<64x1000000xf32, #tpu.memory_space<hbm>> -> memref<64x128xf32, #tpu.memory_space<hbm>>
      tpu.enqueue_dma source(%dma_start3A_215 : memref<64x128xf32, #tpu.memory_space<hbm>>) target(%dma_start3A_213 : memref<64x128xf32, #tpu.memory_space<vmem>>) target_semaphore(%dma_start3A_209 : memref<!tpu.dma_semaphore, #tpu.memory_space<semaphore_mem>>)
      %add3A_216 = arith.constant 7 : i32
      %add3A_217 = arith.addi %mul3A_33, %add3A_216 : i32
      %get3A_218 = arith.index_cast %add3A_217 : i32 to index
      %get3A_219 = tpu.vector_load %arg13[%get3A_218] {strides = array<i32>} : memref<528xi32, #tpu.memory_space<vmem>>, vector<16xi32>,
      %slice3A_220 = vector.extract_strided_slice %get3A_219 {offsets = [0], sizes = [1], strides = [1]} : vector<16xi32> to vector<1xi32>
      %squeeze3A_221 = vector.extract %slice3A_220[0] : i32 from vector<1xi32>
      %and3A_222 = arith.constant -128 : i32
      %and3A_223 = arith.andi %squeeze3A_221, %and3A_222 : i32
      %min3A_224 = arith.constant 999808 : i32
      %min3A_225 = arith.minsi %and3A_223, %min3A_224 : i32
      %multiple_of3A_226 = tpu.assume_multiple %min3A_225, 128 : i32
      %dma_start3A_227 = arith.constant 7 : i32
      %dma_start3A_228 = arith.constant 7 : i32
      %dma_start3A_229 = arith.constant 0 : i32
      %dma_start3A_230 = arith.constant 0 : i32
      %dma_start3A_231 = tpu.memref_slice %arg15[%dma_start3A_227, %dma_start3A_229, %dma_start3A_230] : memref<10x64x128xf32, #tpu.memory_space<vmem>> -> memref<1x64x128xf32, #tpu.memory_space<vmem>>
      %dma_start3A_232 = tpu.memref_squeeze %dma_start3A_231 : memref<1x64x128xf32, #tpu.memory_space<vmem>> -> memref<64x128xf32, #tpu.memory_space<vmem>>
      %dma_start3A_233 = arith.constant 0 : i32
      %dma_start3A_234 = tpu.memref_slice %arg4[%dma_start3A_233, %multiple_of3A_226] : memref<64x1000000xf32, #tpu.memory_space<hbm>> -> memref<64x128xf32, #tpu.memory_space<hbm>>
      %dma_start3A_235 = tpu.memref_slice %arg18[%dma_start3A_228] : memref<10x!tpu.dma_semaphore, #tpu.memory_space<semaphore_mem>> -> memref<1x!tpu.dma_semaphore, #tpu.memory_space<semaphore_mem>>
      %dma_start3A_236 = tpu.memref_squeeze %dma_start3A_235 : memref<1x!tpu.dma_semaphore, #tpu.memory_space<semaphore_mem>> -> memref<!tpu.dma_semaphore, #tpu.memory_space<semaphore_mem>>
      %dma_start3A_237 = arith.constant 0 : i32
      %dma_start3A_238 = arith.constant 0 : i32
      %dma_start3A_239 = tpu.memref_slice %arg15[%dma_start3A_227, %dma_start3A_237, %dma_start3A_238] : memref<10x64x128xf32, #tpu.memory_space<vmem>> -> memref<1x64x128xf32, #tpu.memory_space<vmem>>
      %dma_start3A_240 = tpu.memref_squeeze %dma_start3A_239 : memref<1x64x128xf32, #tpu.memory_space<vmem>> -> memref<64x128xf32, #tpu.memory_space<vmem>>
      %dma_start3A_241 = arith.constant 0 : i32
      %dma_start3A_242 = tpu.memref_slice %arg4[%dma_start3A_241, %multiple_of3A_226] : memref<64x1000000xf32, #tpu.memory_space<hbm>> -> memref<64x128xf32, #tpu.memory_space<hbm>>
      tpu.enqueue_dma source(%dma_start3A_242 : memref<64x128xf32, #tpu.memory_space<hbm>>) target(%dma_start3A_240 : memref<64x128xf32, #tpu.memory_space<vmem>>) target_semaphore(%dma_start3A_236 : memref<!tpu.dma_semaphore, #tpu.memory_space<semaphore_mem>>)
      %add3A_243 = arith.constant 8 : i32
      %add3A_244 = arith.addi %mul3A_33, %add3A_243 : i32
      %get3A_245 = arith.index_cast %add3A_244 : i32 to index
      %get3A_246 = tpu.vector_load %arg13[%get3A_245] {strides = array<i32>} : memref<528xi32, #tpu.memory_space<vmem>>, vector<16xi32>,
      %slice3A_247 = vector.extract_strided_slice %get3A_246 {offsets = [0], sizes = [1], strides = [1]} : vector<16xi32> to vector<1xi32>
      %squeeze3A_248 = vector.extract %slice3A_247[0] : i32 from vector<1xi32>
      %and3A_249 = arith.constant -128 : i32
      %and3A_250 = arith.andi %squeeze3A_248, %and3A_249 : i32
      %min3A_251 = arith.constant 999808 : i32
      %min3A_252 = arith.minsi %and3A_250, %min3A_251 : i32
      %multiple_of3A_253 = tpu.assume_multiple %min3A_252, 128 : i32
      %dma_start3A_254 = arith.constant 8 : i32
      %dma_start3A_255 = arith.constant 8 : i32
      %dma_start3A_256 = arith.constant 0 : i32
      %dma_start3A_257 = arith.constant 0 : i32
      %dma_start3A_258 = tpu.memref_slice %arg15[%dma_start3A_254, %dma_start3A_256, %dma_start3A_257] : memref<10x64x128xf32, #tpu.memory_space<vmem>> -> memref<1x64x128xf32, #tpu.memory_space<vmem>>
      %dma_start3A_259 = tpu.memref_squeeze %dma_start3A_258 : memref<1x64x128xf32, #tpu.memory_space<vmem>> -> memref<64x128xf32, #tpu.memory_space<vmem>>
      %dma_start3A_260 = arith.constant 0 : i32
      %dma_start3A_261 = tpu.memref_slice %arg4[%dma_start3A_260, %multiple_of3A_253] : memref<64x1000000xf32, #tpu.memory_space<hbm>> -> memref<64x128xf32, #tpu.memory_space<hbm>>
      %dma_start3A_262 = tpu.memref_slice %arg18[%dma_start3A_255] : memref<10x!tpu.dma_semaphore, #tpu.memory_space<semaphore_mem>> -> memref<1x!tpu.dma_semaphore, #tpu.memory_space<semaphore_mem>>
      %dma_start3A_263 = tpu.memref_squeeze %dma_start3A_262 : memref<1x!tpu.dma_semaphore, #tpu.memory_space<semaphore_mem>> -> memref<!tpu.dma_semaphore, #tpu.memory_space<semaphore_mem>>
      %dma_start3A_264 = arith.constant 0 : i32
      %dma_start3A_265 = arith.constant 0 : i32
      %dma_start3A_266 = tpu.memref_slice %arg15[%dma_start3A_254, %dma_start3A_264, %dma_start3A_265] : memref<10x64x128xf32, #tpu.memory_space<vmem>> -> memref<1x64x128xf32, #tpu.memory_space<vmem>>
      %dma_start3A_267 = tpu.memref_squeeze %dma_start3A_266 : memref<1x64x128xf32, #tpu.memory_space<vmem>> -> memref<64x128xf32, #tpu.memory_space<vmem>>
      %dma_start3A_268 = arith.constant 0 : i32
      %dma_start3A_269 = tpu.memref_slice %arg4[%dma_start3A_268, %multiple_of3A_253] : memref<64x1000000xf32, #tpu.memory_space<hbm>> -> memref<64x128xf32, #tpu.memory_space<hbm>>
      tpu.enqueue_dma source(%dma_start3A_269 : memref<64x128xf32, #tpu.memory_space<hbm>>) target(%dma_start3A_267 : memref<64x128xf32, #tpu.memory_space<vmem>>) target_semaphore(%dma_start3A_263 : memref<!tpu.dma_semaphore, #tpu.memory_space<semaphore_mem>>)
      %add3A_270 = arith.constant 9 : i32
      %add3A_271 = arith.addi %mul3A_33, %add3A_270 : i32
      %get3A_272 = arith.index_cast %add3A_271 : i32 to index
      %get3A_273 = tpu.vector_load %arg13[%get3A_272] {strides = array<i32>} : memref<528xi32, #tpu.memory_space<vmem>>, vector<16xi32>,
      %slice3A_274 = vector.extract_strided_slice %get3A_273 {offsets = [0], sizes = [1], strides = [1]} : vector<16xi32> to vector<1xi32>
      %squeeze3A_275 = vector.extract %slice3A_274[0] : i32 from vector<1xi32>
      %and3A_276 = arith.constant -128 : i32
      %and3A_277 = arith.andi %squeeze3A_275, %and3A_276 : i32
      %min3A_278 = arith.constant 999808 : i32
      %min3A_279 = arith.minsi %and3A_277, %min3A_278 : i32
      %multiple_of3A_280 = tpu.assume_multiple %min3A_279, 128 : i32
      %dma_start3A_281 = arith.constant 9 : i32
      %dma_start3A_282 = arith.constant 9 : i32
      %dma_start3A_283 = arith.constant 0 : i32
      %dma_start3A_284 = arith.constant 0 : i32
      %dma_start3A_285 = tpu.memref_slice %arg15[%dma_start3A_281, %dma_start3A_283, %dma_start3A_284] : memref<10x64x128xf32, #tpu.memory_space<vmem>> -> memref<1x64x128xf32, #tpu.memory_space<vmem>>
      %dma_start3A_286 = tpu.memref_squeeze %dma_start3A_285 : memref<1x64x128xf32, #tpu.memory_space<vmem>> -> memref<64x128xf32, #tpu.memory_space<vmem>>
      %dma_start3A_287 = arith.constant 0 : i32
      %dma_start3A_288 = tpu.memref_slice %arg4[%dma_start3A_287, %multiple_of3A_280] : memref<64x1000000xf32, #tpu.memory_space<hbm>> -> memref<64x128xf32, #tpu.memory_space<hbm>>
      %dma_start3A_289 = tpu.memref_slice %arg18[%dma_start3A_282] : memref<10x!tpu.dma_semaphore, #tpu.memory_space<semaphore_mem>> -> memref<1x!tpu.dma_semaphore, #tpu.memory_space<semaphore_mem>>
      %dma_start3A_290 = tpu.memref_squeeze %dma_start3A_289 : memref<1x!tpu.dma_semaphore, #tpu.memory_space<semaphore_mem>> -> memref<!tpu.dma_semaphore, #tpu.memory_space<semaphore_mem>>
      %dma_start3A_291 = arith.constant 0 : i32
      %dma_start3A_292 = arith.constant 0 : i32
      %dma_start3A_293 = tpu.memref_slice %arg15[%dma_start3A_281, %dma_start3A_291, %dma_start3A_292] : memref<10x64x128xf32, #tpu.memory_space<vmem>> -> memref<1x64x128xf32, #tpu.memory_space<vmem>>
      %dma_start3A_294 = tpu.memref_squeeze %dma_start3A_293 : memref<1x64x128xf32, #tpu.memory_space<vmem>> -> memref<64x128xf32, #tpu.memory_space<vmem>>
      %dma_start3A_295 = arith.constant 0 : i32
      %dma_start3A_296 = tpu.memref_slice %arg4[%dma_start3A_295, %multiple_of3A_280] : memref<64x1000000xf32, #tpu.memory_space<hbm>> -> memref<64x128xf32, #tpu.memory_space<hbm>>
      tpu.enqueue_dma source(%dma_start3A_296 : memref<64x128xf32, #tpu.memory_space<hbm>>) target(%dma_start3A_294 : memref<64x128xf32, #tpu.memory_space<vmem>>) target_semaphore(%dma_start3A_290 : memref<!tpu.dma_semaphore, #tpu.memory_space<semaphore_mem>>)
      %scan3A_297 = arith.constant 0 : i32
      %scan3A_298 = arith.constant 0 : i32
      %scan3A_299 = arith.constant 64 : i32
      %scan3A_300 = arith.addi %scan3A_298, %scan3A_299 : i32
      %scan3A_301 = arith.constant 1 : i32
      %scan3A_302 = scf.for %scan3A_307 = %scan3A_298 to %scan3A_300 step %scan3A_301 iter_args(%scan3A_308 = %scan3A_297) -> (i32)  : i32 {
        %rem3A = arith.constant 10 : i32
        %rem3A_309 = arith.remsi %scan3A_307, %rem3A : i32
        %add3A_310 = arith.addi %mul3A_33, %scan3A_307 : i32
        %get3A_311 = arith.index_cast %add3A_310 : i32 to index
        %get3A_312 = tpu.vector_load %arg13[%get3A_311] {strides = array<i32>} : memref<528xi32, #tpu.memory_space<vmem>>, vector<16xi32>,
        %slice3A_313 = vector.extract_strided_slice %get3A_312 {offsets = [0], sizes = [1], strides = [1]} : vector<16xi32> to vector<1xi32>
        %squeeze3A_314 = vector.extract %slice3A_313[0] : i32 from vector<1xi32>
        %and3A_315 = arith.constant -128 : i32
        %and3A_316 = arith.andi %squeeze3A_314, %and3A_315 : i32
        %min3A_317 = arith.constant 999808 : i32
        %min3A_318 = arith.minsi %and3A_316, %min3A_317 : i32
        %multiple_of3A_319 = tpu.assume_multiple %min3A_318, 128 : i32
        %dma_wait3A = arith.constant 0 : i32
        %dma_wait3A_320 = arith.constant 0 : i32
        %dma_wait3A_321 = tpu.memref_slice %arg15[%rem3A_309, %dma_wait3A, %dma_wait3A_320] : memref<10x64x128xf32, #tpu.memory_space<vmem>> -> memref<1x64x128xf32, #tpu.memory_space<vmem>>
        %dma_wait3A_322 = tpu.memref_squeeze %dma_wait3A_321 : memref<1x64x128xf32, #tpu.memory_space<vmem>> -> memref<64x128xf32, #tpu.memory_space<vmem>>
        %dma_wait3A_323 = arith.constant 0 : i32
        %dma_wait3A_324 = tpu.memref_slice %arg4[%dma_wait3A_323, %multiple_of3A_319] : memref<64x1000000xf32, #tpu.memory_space<hbm>> -> memref<64x128xf32, #tpu.memory_space<hbm>>
        %dma_wait3A_325 = tpu.memref_slice %arg18[%rem3A_309] : memref<10x!tpu.dma_semaphore, #tpu.memory_space<semaphore_mem>> -> memref<1x!tpu.dma_semaphore, #tpu.memory_space<semaphore_mem>>
        %dma_wait3A_326 = tpu.memref_squeeze %dma_wait3A_325 : memref<1x!tpu.dma_semaphore, #tpu.memory_space<semaphore_mem>> -> memref<!tpu.dma_semaphore, #tpu.memory_space<semaphore_mem>>
        %dma_wait3A_327 = arith.constant 0 : i32
        %dma_wait3A_328 = arith.constant 0 : i32
        %dma_wait3A_329 = tpu.memref_slice %arg15[%rem3A_309, %dma_wait3A_327, %dma_wait3A_328] : memref<10x64x128xf32, #tpu.memory_space<vmem>> -> memref<1x64x128xf32, #tpu.memory_space<vmem>>
        %dma_wait3A_330 = tpu.memref_squeeze %dma_wait3A_329 : memref<1x64x128xf32, #tpu.memory_space<vmem>> -> memref<64x128xf32, #tpu.memory_space<vmem>>
        %dma_wait3A_331 = arith.constant 0 : i32
        %dma_wait3A_332 = tpu.memref_slice %arg4[%dma_wait3A_331, %multiple_of3A_319] : memref<64x1000000xf32, #tpu.memory_space<hbm>> -> memref<64x128xf32, #tpu.memory_space<hbm>>
        tpu.wait_dma2 semaphore(%dma_wait3A_326 : memref<!tpu.dma_semaphore, #tpu.memory_space<semaphore_mem>>) src(%dma_wait3A_332 : memref<64x128xf32, #tpu.memory_space<hbm>>) dst(%dma_wait3A_330 : memref<64x128xf32, #tpu.memory_space<vmem>>)
        %lt3A = arith.constant 999936 : i32
        %lt3A_333 = arith.cmpi slt, %squeeze3A_314, %lt3A : i32
        %convert_element_type3A = arith.extui %lt3A_333 : i1 to i32
        %cond3A = arith.constant 0 : i32
        %cond3A_334 = arith.cmpi ne, %convert_element_type3A, %cond3A : i32
        scf.if %cond3A_334 {
          %sub3A = arith.subi %squeeze3A_314, %multiple_of3A_319 : i32
          %iota3A = tpu.iota {dimensions = array<i32: 0>} : vector<16xi32>
          %broadcast_in_dim3A = vector.broadcast %sub3A : i32 to vector<16xi32>
          %broadcast_in_dim3A_347 = vector.broadcast %scan3A_307 : i32 to vector<16xi32>
          %add3A_348 = arith.constant 0 : i32
          %add3A_349 = vector.broadcast %add3A_348 : i32 to vector<16xi32>
          %add3A_350 = arith.addi %iota3A, %add3A_349 : vector<16xi32>
          %gather3A = arith.constant 0 : i32
          %gather3A_351 = arith.constant 0 : i32
          %gather3A_352 = tpu.memref_slice %arg15[%rem3A_309, %gather3A, %gather3A_351] : memref<10x64x128xf32, #tpu.memory_space<vmem>> -> memref<1x64x128xf32, #tpu.memory_space<vmem>>
          %gather3A_353 = tpu.memref_squeeze %gather3A_352 : memref<1x64x128xf32, #tpu.memory_space<vmem>> -> memref<64x128xf32, #tpu.memory_space<vmem>>
          %gather3A_354 = tpu.vector_load_idx %gather3A_353[%add3A_350, %broadcast_in_dim3A] : memref<64x128xf32, #tpu.memory_space<vmem>>[vector<16xi32>, vector<16xi32>], vector<16xf32>,
          %add3A_355 = arith.constant 0 : i32
          %add3A_356 = vector.broadcast %add3A_355 : i32 to vector<16xi32>
          %add3A_357 = arith.addi %iota3A, %add3A_356 : vector<16xi32>
          tpu.vector_store_idx %arg16[%broadcast_in_dim3A_347, %add3A_357], %gather3A_354 : memref<64x128xf32, #tpu.memory_space<vmem>>[vector<16xi32>, vector<16xi32>], vector<16xf32>,
          %add3A_358 = arith.constant 16 : i32
          %add3A_359 = vector.broadcast %add3A_358 : i32 to vector<16xi32>
          %add3A_360 = arith.addi %iota3A, %add3A_359 : vector<16xi32>
          %gather3A_361 = arith.constant 0 : i32
          %gather3A_362 = arith.constant 0 : i32
          %gather3A_363 = tpu.memref_slice %arg15[%rem3A_309, %gather3A_361, %gather3A_362] : memref<10x64x128xf32, #tpu.memory_space<vmem>> -> memref<1x64x128xf32, #tpu.memory_space<vmem>>
          %gather3A_364 = tpu.memref_squeeze %gather3A_363 : memref<1x64x128xf32, #tpu.memory_space<vmem>> -> memref<64x128xf32, #tpu.memory_space<vmem>>
          %gather3A_365 = tpu.vector_load_idx %gather3A_364[%add3A_360, %broadcast_in_dim3A] : memref<64x128xf32, #tpu.memory_space<vmem>>[vector<16xi32>, vector<16xi32>], vector<16xf32>,
          %add3A_366 = arith.constant 16 : i32
          %add3A_367 = vector.broadcast %add3A_366 : i32 to vector<16xi32>
          %add3A_368 = arith.addi %iota3A, %add3A_367 : vector<16xi32>
          tpu.vector_store_idx %arg16[%broadcast_in_dim3A_347, %add3A_368], %gather3A_365 : memref<64x128xf32, #tpu.memory_space<vmem>>[vector<16xi32>, vector<16xi32>], vector<16xf32>,
          %add3A_369 = arith.constant 32 : i32
          %add3A_370 = vector.broadcast %add3A_369 : i32 to vector<16xi32>
          %add3A_371 = arith.addi %iota3A, %add3A_370 : vector<16xi32>
          %gather3A_372 = arith.constant 0 : i32
          %gather3A_373 = arith.constant 0 : i32
          %gather3A_374 = tpu.memref_slice %arg15[%rem3A_309, %gather3A_372, %gather3A_373] : memref<10x64x128xf32, #tpu.memory_space<vmem>> -> memref<1x64x128xf32, #tpu.memory_space<vmem>>
          %gather3A_375 = tpu.memref_squeeze %gather3A_374 : memref<1x64x128xf32, #tpu.memory_space<vmem>> -> memref<64x128xf32, #tpu.memory_space<vmem>>
          %gather3A_376 = tpu.vector_load_idx %gather3A_375[%add3A_371, %broadcast_in_dim3A] : memref<64x128xf32, #tpu.memory_space<vmem>>[vector<16xi32>, vector<16xi32>], vector<16xf32>,
          %add3A_377 = arith.constant 32 : i32
          %add3A_378 = vector.broadcast %add3A_377 : i32 to vector<16xi32>
          %add3A_379 = arith.addi %iota3A, %add3A_378 : vector<16xi32>
          tpu.vector_store_idx %arg16[%broadcast_in_dim3A_347, %add3A_379], %gather3A_376 : memref<64x128xf32, #tpu.memory_space<vmem>>[vector<16xi32>, vector<16xi32>], vector<16xf32>,
          %add3A_380 = arith.constant 48 : i32
          %add3A_381 = vector.broadcast %add3A_380 : i32 to vector<16xi32>
          %add3A_382 = arith.addi %iota3A, %add3A_381 : vector<16xi32>
          %gather3A_383 = arith.constant 0 : i32
          %gather3A_384 = arith.constant 0 : i32
          %gather3A_385 = tpu.memref_slice %arg15[%rem3A_309, %gather3A_383, %gather3A_384] : memref<10x64x128xf32, #tpu.memory_space<vmem>> -> memref<1x64x128xf32, #tpu.memory_space<vmem>>
          %gather3A_386 = tpu.memref_squeeze %gather3A_385 : memref<1x64x128xf32, #tpu.memory_space<vmem>> -> memref<64x128xf32, #tpu.memory_space<vmem>>
          %gather3A_387 = tpu.vector_load_idx %gather3A_386[%add3A_382, %broadcast_in_dim3A] : memref<64x128xf32, #tpu.memory_space<vmem>>[vector<16xi32>, vector<16xi32>], vector<16xf32>,
          %add3A_388 = arith.constant 48 : i32
          %add3A_389 = vector.broadcast %add3A_388 : i32 to vector<16xi32>
          %add3A_390 = arith.addi %iota3A, %add3A_389 : vector<16xi32>
          tpu.vector_store_idx %arg16[%broadcast_in_dim3A_347, %add3A_390], %gather3A_387 : memref<64x128xf32, #tpu.memory_space<vmem>>[vector<16xi32>, vector<16xi32>], vector<16xf32>,
        } else {
        }
        %ge3A = arith.constant 999936 : i32
        %ge3A_335 = arith.cmpi sge, %squeeze3A_314, %ge3A : i32
        %convert_element_type3A_336 = arith.extui %ge3A_335 : i1 to i32
        %cond3A_337 = arith.constant 0 : i32
        %cond3A_338 = arith.cmpi ne, %convert_element_type3A_336, %cond3A_337 : i32
        scf.if %cond3A_338 {
          %sub3A = arith.constant 999936 : i32
          %sub3A_347 = arith.subi %squeeze3A_314, %sub3A : i32
          %add3A_348 = arith.constant 0 : i32
          %add3A_349 = arith.addi %add3A_348, %sub3A_347 : i32
          %iota3A = tpu.iota {dimensions = array<i32: 0>} : vector<16xi32>
          %broadcast_in_dim3A = vector.broadcast %add3A_349 : i32 to vector<16xi32>
          %broadcast_in_dim3A_350 = vector.broadcast %scan3A_307 : i32 to vector<16xi32>
          %add3A_351 = arith.constant 0 : i32
          %add3A_352 = vector.broadcast %add3A_351 : i32 to vector<16xi32>
          %add3A_353 = arith.addi %iota3A, %add3A_352 : vector<16xi32>
          %gather3A = tpu.vector_load_idx %arg17[%add3A_353, %broadcast_in_dim3A] : memref<64x256xf32, #tpu.memory_space<vmem>>[vector<16xi32>, vector<16xi32>], vector<16xf32>,
          %add3A_354 = arith.constant 0 : i32
          %add3A_355 = vector.broadcast %add3A_354 : i32 to vector<16xi32>
          %add3A_356 = arith.addi %iota3A, %add3A_355 : vector<16xi32>
          tpu.vector_store_idx %arg16[%broadcast_in_dim3A_350, %add3A_356], %gather3A : memref<64x128xf32, #tpu.memory_space<vmem>>[vector<16xi32>, vector<16xi32>], vector<16xf32>,
          %add3A_357 = arith.constant 16 : i32
          %add3A_358 = vector.broadcast %add3A_357 : i32 to vector<16xi32>
          %add3A_359 = arith.addi %iota3A, %add3A_358 : vector<16xi32>
          %gather3A_360 = tpu.vector_load_idx %arg17[%add3A_359, %broadcast_in_dim3A] : memref<64x256xf32, #tpu.memory_space<vmem>>[vector<16xi32>, vector<16xi32>], vector<16xf32>,
          %add3A_361 = arith.constant 16 : i32
          %add3A_362 = vector.broadcast %add3A_361 : i32 to vector<16xi32>
          %add3A_363 = arith.addi %iota3A, %add3A_362 : vector<16xi32>
          tpu.vector_store_idx %arg16[%broadcast_in_dim3A_350, %add3A_363], %gather3A_360 : memref<64x128xf32, #tpu.memory_space<vmem>>[vector<16xi32>, vector<16xi32>], vector<16xf32>,
          %add3A_364 = arith.constant 32 : i32
          %add3A_365 = vector.broadcast %add3A_364 : i32 to vector<16xi32>
          %add3A_366 = arith.addi %iota3A, %add3A_365 : vector<16xi32>
          %gather3A_367 = tpu.vector_load_idx %arg17[%add3A_366, %broadcast_in_dim3A] : memref<64x256xf32, #tpu.memory_space<vmem>>[vector<16xi32>, vector<16xi32>], vector<16xf32>,
          %add3A_368 = arith.constant 32 : i32
          %add3A_369 = vector.broadcast %add3A_368 : i32 to vector<16xi32>
          %add3A_370 = arith.addi %iota3A, %add3A_369 : vector<16xi32>
          tpu.vector_store_idx %arg16[%broadcast_in_dim3A_350, %add3A_370], %gather3A_367 : memref<64x128xf32, #tpu.memory_space<vmem>>[vector<16xi32>, vector<16xi32>], vector<16xf32>,
          %add3A_371 = arith.constant 48 : i32
          %add3A_372 = vector.broadcast %add3A_371 : i32 to vector<16xi32>
          %add3A_373 = arith.addi %iota3A, %add3A_372 : vector<16xi32>
          %gather3A_374 = tpu.vector_load_idx %arg17[%add3A_373, %broadcast_in_dim3A] : memref<64x256xf32, #tpu.memory_space<vmem>>[vector<16xi32>, vector<16xi32>], vector<16xf32>,
          %add3A_375 = arith.constant 48 : i32
          %add3A_376 = vector.broadcast %add3A_375 : i32 to vector<16xi32>
          %add3A_377 = arith.addi %iota3A, %add3A_376 : vector<16xi32>
          tpu.vector_store_idx %arg16[%broadcast_in_dim3A_350, %add3A_377], %gather3A_374 : memref<64x128xf32, #tpu.memory_space<vmem>>[vector<16xi32>, vector<16xi32>], vector<16xf32>,
        } else {
        }
        %add3A_339 = arith.constant 10 : i32
        %add3A_340 = arith.addi %scan3A_307, %add3A_339 : i32
        %lt3A_341 = arith.constant 64 : i32
        %lt3A_342 = arith.cmpi slt, %add3A_340, %lt3A_341 : i32
        %convert_element_type3A_343 = arith.extui %lt3A_342 : i1 to i32
        %cond3A_344 = arith.constant 0 : i32
        %cond3A_345 = arith.cmpi ne, %convert_element_type3A_343, %cond3A_344 : i32
        scf.if %cond3A_345 {
          %add3A_347 = arith.addi %mul3A_33, %scan3A_307 : i32
          %add3A_348 = arith.constant 10 : i32
          %add3A_349 = arith.addi %add3A_347, %add3A_348 : i32
          %get3A_350 = arith.index_cast %add3A_349 : i32 to index
          %get3A_351 = tpu.vector_load %arg13[%get3A_350] {strides = array<i32>} : memref<528xi32, #tpu.memory_space<vmem>>, vector<16xi32>,
          %slice3A_352 = vector.extract_strided_slice %get3A_351 {offsets = [0], sizes = [1], strides = [1]} : vector<16xi32> to vector<1xi32>
          %squeeze3A_353 = vector.extract %slice3A_352[0] : i32 from vector<1xi32>
          %and3A_354 = arith.constant -128 : i32
          %and3A_355 = arith.andi %squeeze3A_353, %and3A_354 : i32
          %min3A_356 = arith.constant 999808 : i32
          %min3A_357 = arith.minsi %and3A_355, %min3A_356 : i32
          %multiple_of3A_358 = tpu.assume_multiple %min3A_357, 128 : i32
          %dma_start3A_359 = arith.constant 0 : i32
          %dma_start3A_360 = arith.constant 0 : i32
          %dma_start3A_361 = tpu.memref_slice %arg15[%rem3A_309, %dma_start3A_359, %dma_start3A_360] : memref<10x64x128xf32, #tpu.memory_space<vmem>> -> memref<1x64x128xf32, #tpu.memory_space<vmem>>
          %dma_start3A_362 = tpu.memref_squeeze %dma_start3A_361 : memref<1x64x128xf32, #tpu.memory_space<vmem>> -> memref<64x128xf32, #tpu.memory_space<vmem>>
          %dma_start3A_363 = arith.constant 0 : i32
          %dma_start3A_364 = tpu.memref_slice %arg4[%dma_start3A_363, %multiple_of3A_358] : memref<64x1000000xf32, #tpu.memory_space<hbm>> -> memref<64x128xf32, #tpu.memory_space<hbm>>
          %dma_start3A_365 = tpu.memref_slice %arg18[%rem3A_309] : memref<10x!tpu.dma_semaphore, #tpu.memory_space<semaphore_mem>> -> memref<1x!tpu.dma_semaphore, #tpu.memory_space<semaphore_mem>>
          %dma_start3A_366 = tpu.memref_squeeze %dma_start3A_365 : memref<1x!tpu.dma_semaphore, #tpu.memory_space<semaphore_mem>> -> memref<!tpu.dma_semaphore, #tpu.memory_space<semaphore_mem>>
          %dma_start3A_367 = arith.constant 0 : i32
          %dma_start3A_368 = arith.constant 0 : i32
          %dma_start3A_369 = tpu.memref_slice %arg15[%rem3A_309, %dma_start3A_367, %dma_start3A_368] : memref<10x64x128xf32, #tpu.memory_space<vmem>> -> memref<1x64x128xf32, #tpu.memory_space<vmem>>
          %dma_start3A_370 = tpu.memref_squeeze %dma_start3A_369 : memref<1x64x128xf32, #tpu.memory_space<vmem>> -> memref<64x128xf32, #tpu.memory_space<vmem>>
          %dma_start3A_371 = arith.constant 0 : i32
          %dma_start3A_372 = tpu.memref_slice %arg4[%dma_start3A_371, %multiple_of3A_358] : memref<64x1000000xf32, #tpu.memory_space<hbm>> -> memref<64x128xf32, #tpu.memory_space<hbm>>
          tpu.enqueue_dma source(%dma_start3A_372 : memref<64x128xf32, #tpu.memory_space<hbm>>) target(%dma_start3A_370 : memref<64x128xf32, #tpu.memory_space<vmem>>) target_semaphore(%dma_start3A_366 : memref<!tpu.dma_semaphore, #tpu.memory_space<semaphore_mem>>)
        } else {
        }
        %scan3A_346 = arith.constant 0 : i32
        scf.yield %scan3A_346 : i32
      }
      %scan3A_303 = arith.constant 64 : i32
      %add3A_304 = arith.addi %mul3A_2, %mul3A_33 : i32
      %multiple_of3A_305 = tpu.assume_multiple %add3A_304, 8 : i32
      "tpu.region"() ({
        %run_scoped3A = tpu.sem_alloc : memref<!tpu.dma_semaphore, #tpu.memory_space<semaphore_mem>>
        %dma_start3A_307 = arith.constant 0 : i32
        %dma_start3A_308 = tpu.memref_slice %arg9[%multiple_of3A_305, %dma_start3A_307] : memref<16384x128xf32, #tpu.memory_space<hbm>> -> memref<64x128xf32, #tpu.memory_space<hbm>>
        %dma_start3A_309 = arith.constant 0 : i32
        %dma_start3A_310 = tpu.memref_slice %arg9[%multiple_of3A_305, %dma_start3A_309] : memref<16384x128xf32, #tpu.memory_space<hbm>> -> memref<64x128xf32, #tpu.memory_space<hbm>>
        tpu.enqueue_dma source(%arg16 : memref<64x128xf32, #tpu.memory_space<vmem>>) target(%dma_start3A_310 : memref<64x128xf32, #tpu.memory_space<hbm>>) target_semaphore(%run_scoped3A : memref<!tpu.dma_semaphore, #tpu.memory_space<semaphore_mem>>)
        %dma_wait3A = arith.constant 0 : i32
        %dma_wait3A_311 = tpu.memref_slice %arg9[%multiple_of3A_305, %dma_wait3A] : memref<16384x128xf32, #tpu.memory_space<hbm>> -> memref<64x128xf32, #tpu.memory_space<hbm>>
        %dma_wait3A_312 = arith.constant 0 : i32
        %dma_wait3A_313 = tpu.memref_slice %arg9[%multiple_of3A_305, %dma_wait3A_312] : memref<16384x128xf32, #tpu.memory_space<hbm>> -> memref<64x128xf32, #tpu.memory_space<hbm>>
        tpu.wait_dma2 semaphore(%run_scoped3A : memref<!tpu.dma_semaphore, #tpu.memory_space<semaphore_mem>>) src(%arg16 : memref<64x128xf32, #tpu.memory_space<vmem>>) dst(%dma_wait3A_313 : memref<64x128xf32, #tpu.memory_space<hbm>>)
        tpu.yield
      }) : () -> ()
      %scan3A_306 = arith.constant 0 : i32
      scf.yield %scan3A_306 : i32
    }
    %scan3A_8 = arith.constant 8 : i32
    %scan3A_9 = arith.constant 0 : i32
    %scan3A_10 = arith.constant 0 : i32
    %scan3A_11 = arith.constant 8 : i32
    %scan3A_12 = arith.addi %scan3A_10, %scan3A_11 : i32
    %scan3A_13 = arith.constant 1 : i32
    %scan3A_14 = scf.for %scan3A_30 = %scan3A_10 to %scan3A_12 step %scan3A_13 iter_args(%scan3A_31 = %scan3A_9) -> (i32)  : i32 {
      %mul3A_32 = arith.constant 64 : i32
      %mul3A_33 = arith.muli %scan3A_30, %mul3A_32 : i32
      %add3A_34 = arith.constant 0 : i32
      %add3A_35 = arith.addi %mul3A_33, %add3A_34 : i32
      %get3A = arith.index_cast %add3A_35 : i32 to index
      %get3A_36 = tpu.vector_load %arg14[%get3A] {strides = array<i32>} : memref<528xi32, #tpu.memory_space<vmem>>, vector<16xi32>,
      %slice3A = vector.extract_strided_slice %get3A_36 {offsets = [0], sizes = [1], strides = [1]} : vector<16xi32> to vector<1xi32>
      %squeeze3A = vector.extract %slice3A[0] : i32 from vector<1xi32>
      %and3A = arith.constant -128 : i32
      %and3A_37 = arith.andi %squeeze3A, %and3A : i32
      %min3A = arith.constant 999808 : i32
      %min3A_38 = arith.minsi %and3A_37, %min3A : i32
      %multiple_of3A = tpu.assume_multiple %min3A_38, 128 : i32
      %dma_start3A = arith.constant 0 : i32
      %dma_start3A_39 = arith.constant 0 : i32
      %dma_start3A_40 = arith.constant 0 : i32
      %dma_start3A_41 = arith.constant 0 : i32
      %dma_start3A_42 = tpu.memref_slice %arg15[%dma_start3A, %dma_start3A_40, %dma_start3A_41] : memref<10x64x128xf32, #tpu.memory_space<vmem>> -> memref<1x64x128xf32, #tpu.memory_space<vmem>>
      %dma_start3A_43 = tpu.memref_squeeze %dma_start3A_42 : memref<1x64x128xf32, #tpu.memory_space<vmem>> -> memref<64x128xf32, #tpu.memory_space<vmem>>
      %dma_start3A_44 = arith.constant 0 : i32
      %dma_start3A_45 = tpu.memref_slice %arg5[%dma_start3A_44, %multiple_of3A] : memref<64x1000000xf32, #tpu.memory_space<hbm>> -> memref<64x128xf32, #tpu.memory_space<hbm>>
      %dma_start3A_46 = tpu.memref_slice %arg18[%dma_start3A_39] : memref<10x!tpu.dma_semaphore, #tpu.memory_space<semaphore_mem>> -> memref<1x!tpu.dma_semaphore, #tpu.memory_space<semaphore_mem>>
      %dma_start3A_47 = tpu.memref_squeeze %dma_start3A_46 : memref<1x!tpu.dma_semaphore, #tpu.memory_space<semaphore_mem>> -> memref<!tpu.dma_semaphore, #tpu.memory_space<semaphore_mem>>
      %dma_start3A_48 = arith.constant 0 : i32
      %dma_start3A_49 = arith.constant 0 : i32
      %dma_start3A_50 = tpu.memref_slice %arg15[%dma_start3A, %dma_start3A_48, %dma_start3A_49] : memref<10x64x128xf32, #tpu.memory_space<vmem>> -> memref<1x64x128xf32, #tpu.memory_space<vmem>>
      %dma_start3A_51 = tpu.memref_squeeze %dma_start3A_50 : memref<1x64x128xf32, #tpu.memory_space<vmem>> -> memref<64x128xf32, #tpu.memory_space<vmem>>
      %dma_start3A_52 = arith.constant 0 : i32
      %dma_start3A_53 = tpu.memref_slice %arg5[%dma_start3A_52, %multiple_of3A] : memref<64x1000000xf32, #tpu.memory_space<hbm>> -> memref<64x128xf32, #tpu.memory_space<hbm>>
      tpu.enqueue_dma source(%dma_start3A_53 : memref<64x128xf32, #tpu.memory_space<hbm>>) target(%dma_start3A_51 : memref<64x128xf32, #tpu.memory_space<vmem>>) target_semaphore(%dma_start3A_47 : memref<!tpu.dma_semaphore, #tpu.memory_space<semaphore_mem>>)
      %add3A_54 = arith.constant 1 : i32
      %add3A_55 = arith.addi %mul3A_33, %add3A_54 : i32
      %get3A_56 = arith.index_cast %add3A_55 : i32 to index
      %get3A_57 = tpu.vector_load %arg14[%get3A_56] {strides = array<i32>} : memref<528xi32, #tpu.memory_space<vmem>>, vector<16xi32>,
      %slice3A_58 = vector.extract_strided_slice %get3A_57 {offsets = [0], sizes = [1], strides = [1]} : vector<16xi32> to vector<1xi32>
      %squeeze3A_59 = vector.extract %slice3A_58[0] : i32 from vector<1xi32>
      %and3A_60 = arith.constant -128 : i32
      %and3A_61 = arith.andi %squeeze3A_59, %and3A_60 : i32
      %min3A_62 = arith.constant 999808 : i32
      %min3A_63 = arith.minsi %and3A_61, %min3A_62 : i32
      %multiple_of3A_64 = tpu.assume_multiple %min3A_63, 128 : i32
      %dma_start3A_65 = arith.constant 1 : i32
      %dma_start3A_66 = arith.constant 1 : i32
      %dma_start3A_67 = arith.constant 0 : i32
      %dma_start3A_68 = arith.constant 0 : i32
      %dma_start3A_69 = tpu.memref_slice %arg15[%dma_start3A_65, %dma_start3A_67, %dma_start3A_68] : memref<10x64x128xf32, #tpu.memory_space<vmem>> -> memref<1x64x128xf32, #tpu.memory_space<vmem>>
      %dma_start3A_70 = tpu.memref_squeeze %dma_start3A_69 : memref<1x64x128xf32, #tpu.memory_space<vmem>> -> memref<64x128xf32, #tpu.memory_space<vmem>>
      %dma_start3A_71 = arith.constant 0 : i32
      %dma_start3A_72 = tpu.memref_slice %arg5[%dma_start3A_71, %multiple_of3A_64] : memref<64x1000000xf32, #tpu.memory_space<hbm>> -> memref<64x128xf32, #tpu.memory_space<hbm>>
      %dma_start3A_73 = tpu.memref_slice %arg18[%dma_start3A_66] : memref<10x!tpu.dma_semaphore, #tpu.memory_space<semaphore_mem>> -> memref<1x!tpu.dma_semaphore, #tpu.memory_space<semaphore_mem>>
      %dma_start3A_74 = tpu.memref_squeeze %dma_start3A_73 : memref<1x!tpu.dma_semaphore, #tpu.memory_space<semaphore_mem>> -> memref<!tpu.dma_semaphore, #tpu.memory_space<semaphore_mem>>
      %dma_start3A_75 = arith.constant 0 : i32
      %dma_start3A_76 = arith.constant 0 : i32
      %dma_start3A_77 = tpu.memref_slice %arg15[%dma_start3A_65, %dma_start3A_75, %dma_start3A_76] : memref<10x64x128xf32, #tpu.memory_space<vmem>> -> memref<1x64x128xf32, #tpu.memory_space<vmem>>
      %dma_start3A_78 = tpu.memref_squeeze %dma_start3A_77 : memref<1x64x128xf32, #tpu.memory_space<vmem>> -> memref<64x128xf32, #tpu.memory_space<vmem>>
      %dma_start3A_79 = arith.constant 0 : i32
      %dma_start3A_80 = tpu.memref_slice %arg5[%dma_start3A_79, %multiple_of3A_64] : memref<64x1000000xf32, #tpu.memory_space<hbm>> -> memref<64x128xf32, #tpu.memory_space<hbm>>
      tpu.enqueue_dma source(%dma_start3A_80 : memref<64x128xf32, #tpu.memory_space<hbm>>) target(%dma_start3A_78 : memref<64x128xf32, #tpu.memory_space<vmem>>) target_semaphore(%dma_start3A_74 : memref<!tpu.dma_semaphore, #tpu.memory_space<semaphore_mem>>)
      %add3A_81 = arith.constant 2 : i32
      %add3A_82 = arith.addi %mul3A_33, %add3A_81 : i32
      %get3A_83 = arith.index_cast %add3A_82 : i32 to index
      %get3A_84 = tpu.vector_load %arg14[%get3A_83] {strides = array<i32>} : memref<528xi32, #tpu.memory_space<vmem>>, vector<16xi32>,
      %slice3A_85 = vector.extract_strided_slice %get3A_84 {offsets = [0], sizes = [1], strides = [1]} : vector<16xi32> to vector<1xi32>
      %squeeze3A_86 = vector.extract %slice3A_85[0] : i32 from vector<1xi32>
      %and3A_87 = arith.constant -128 : i32
      %and3A_88 = arith.andi %squeeze3A_86, %and3A_87 : i32
      %min3A_89 = arith.constant 999808 : i32
      %min3A_90 = arith.minsi %and3A_88, %min3A_89 : i32
      %multiple_of3A_91 = tpu.assume_multiple %min3A_90, 128 : i32
      %dma_start3A_92 = arith.constant 2 : i32
      %dma_start3A_93 = arith.constant 2 : i32
      %dma_start3A_94 = arith.constant 0 : i32
      %dma_start3A_95 = arith.constant 0 : i32
      %dma_start3A_96 = tpu.memref_slice %arg15[%dma_start3A_92, %dma_start3A_94, %dma_start3A_95] : memref<10x64x128xf32, #tpu.memory_space<vmem>> -> memref<1x64x128xf32, #tpu.memory_space<vmem>>
      %dma_start3A_97 = tpu.memref_squeeze %dma_start3A_96 : memref<1x64x128xf32, #tpu.memory_space<vmem>> -> memref<64x128xf32, #tpu.memory_space<vmem>>
      %dma_start3A_98 = arith.constant 0 : i32
      %dma_start3A_99 = tpu.memref_slice %arg5[%dma_start3A_98, %multiple_of3A_91] : memref<64x1000000xf32, #tpu.memory_space<hbm>> -> memref<64x128xf32, #tpu.memory_space<hbm>>
      %dma_start3A_100 = tpu.memref_slice %arg18[%dma_start3A_93] : memref<10x!tpu.dma_semaphore, #tpu.memory_space<semaphore_mem>> -> memref<1x!tpu.dma_semaphore, #tpu.memory_space<semaphore_mem>>
      %dma_start3A_101 = tpu.memref_squeeze %dma_start3A_100 : memref<1x!tpu.dma_semaphore, #tpu.memory_space<semaphore_mem>> -> memref<!tpu.dma_semaphore, #tpu.memory_space<semaphore_mem>>
      %dma_start3A_102 = arith.constant 0 : i32
      %dma_start3A_103 = arith.constant 0 : i32
      %dma_start3A_104 = tpu.memref_slice %arg15[%dma_start3A_92, %dma_start3A_102, %dma_start3A_103] : memref<10x64x128xf32, #tpu.memory_space<vmem>> -> memref<1x64x128xf32, #tpu.memory_space<vmem>>
      %dma_start3A_105 = tpu.memref_squeeze %dma_start3A_104 : memref<1x64x128xf32, #tpu.memory_space<vmem>> -> memref<64x128xf32, #tpu.memory_space<vmem>>
      %dma_start3A_106 = arith.constant 0 : i32
      %dma_start3A_107 = tpu.memref_slice %arg5[%dma_start3A_106, %multiple_of3A_91] : memref<64x1000000xf32, #tpu.memory_space<hbm>> -> memref<64x128xf32, #tpu.memory_space<hbm>>
      tpu.enqueue_dma source(%dma_start3A_107 : memref<64x128xf32, #tpu.memory_space<hbm>>) target(%dma_start3A_105 : memref<64x128xf32, #tpu.memory_space<vmem>>) target_semaphore(%dma_start3A_101 : memref<!tpu.dma_semaphore, #tpu.memory_space<semaphore_mem>>)
      %add3A_108 = arith.constant 3 : i32
      %add3A_109 = arith.addi %mul3A_33, %add3A_108 : i32
      %get3A_110 = arith.index_cast %add3A_109 : i32 to index
      %get3A_111 = tpu.vector_load %arg14[%get3A_110] {strides = array<i32>} : memref<528xi32, #tpu.memory_space<vmem>>, vector<16xi32>,
      %slice3A_112 = vector.extract_strided_slice %get3A_111 {offsets = [0], sizes = [1], strides = [1]} : vector<16xi32> to vector<1xi32>
      %squeeze3A_113 = vector.extract %slice3A_112[0] : i32 from vector<1xi32>
      %and3A_114 = arith.constant -128 : i32
      %and3A_115 = arith.andi %squeeze3A_113, %and3A_114 : i32
      %min3A_116 = arith.constant 999808 : i32
      %min3A_117 = arith.minsi %and3A_115, %min3A_116 : i32
      %multiple_of3A_118 = tpu.assume_multiple %min3A_117, 128 : i32
      %dma_start3A_119 = arith.constant 3 : i32
      %dma_start3A_120 = arith.constant 3 : i32
      %dma_start3A_121 = arith.constant 0 : i32
      %dma_start3A_122 = arith.constant 0 : i32
      %dma_start3A_123 = tpu.memref_slice %arg15[%dma_start3A_119, %dma_start3A_121, %dma_start3A_122] : memref<10x64x128xf32, #tpu.memory_space<vmem>> -> memref<1x64x128xf32, #tpu.memory_space<vmem>>
      %dma_start3A_124 = tpu.memref_squeeze %dma_start3A_123 : memref<1x64x128xf32, #tpu.memory_space<vmem>> -> memref<64x128xf32, #tpu.memory_space<vmem>>
      %dma_start3A_125 = arith.constant 0 : i32
      %dma_start3A_126 = tpu.memref_slice %arg5[%dma_start3A_125, %multiple_of3A_118] : memref<64x1000000xf32, #tpu.memory_space<hbm>> -> memref<64x128xf32, #tpu.memory_space<hbm>>
      %dma_start3A_127 = tpu.memref_slice %arg18[%dma_start3A_120] : memref<10x!tpu.dma_semaphore, #tpu.memory_space<semaphore_mem>> -> memref<1x!tpu.dma_semaphore, #tpu.memory_space<semaphore_mem>>
      %dma_start3A_128 = tpu.memref_squeeze %dma_start3A_127 : memref<1x!tpu.dma_semaphore, #tpu.memory_space<semaphore_mem>> -> memref<!tpu.dma_semaphore, #tpu.memory_space<semaphore_mem>>
      %dma_start3A_129 = arith.constant 0 : i32
      %dma_start3A_130 = arith.constant 0 : i32
      %dma_start3A_131 = tpu.memref_slice %arg15[%dma_start3A_119, %dma_start3A_129, %dma_start3A_130] : memref<10x64x128xf32, #tpu.memory_space<vmem>> -> memref<1x64x128xf32, #tpu.memory_space<vmem>>
      %dma_start3A_132 = tpu.memref_squeeze %dma_start3A_131 : memref<1x64x128xf32, #tpu.memory_space<vmem>> -> memref<64x128xf32, #tpu.memory_space<vmem>>
      %dma_start3A_133 = arith.constant 0 : i32
      %dma_start3A_134 = tpu.memref_slice %arg5[%dma_start3A_133, %multiple_of3A_118] : memref<64x1000000xf32, #tpu.memory_space<hbm>> -> memref<64x128xf32, #tpu.memory_space<hbm>>
      tpu.enqueue_dma source(%dma_start3A_134 : memref<64x128xf32, #tpu.memory_space<hbm>>) target(%dma_start3A_132 : memref<64x128xf32, #tpu.memory_space<vmem>>) target_semaphore(%dma_start3A_128 : memref<!tpu.dma_semaphore, #tpu.memory_space<semaphore_mem>>)
      %add3A_135 = arith.constant 4 : i32
      %add3A_136 = arith.addi %mul3A_33, %add3A_135 : i32
      %get3A_137 = arith.index_cast %add3A_136 : i32 to index
      %get3A_138 = tpu.vector_load %arg14[%get3A_137] {strides = array<i32>} : memref<528xi32, #tpu.memory_space<vmem>>, vector<16xi32>,
      %slice3A_139 = vector.extract_strided_slice %get3A_138 {offsets = [0], sizes = [1], strides = [1]} : vector<16xi32> to vector<1xi32>
      %squeeze3A_140 = vector.extract %slice3A_139[0] : i32 from vector<1xi32>
      %and3A_141 = arith.constant -128 : i32
      %and3A_142 = arith.andi %squeeze3A_140, %and3A_141 : i32
      %min3A_143 = arith.constant 999808 : i32
      %min3A_144 = arith.minsi %and3A_142, %min3A_143 : i32
      %multiple_of3A_145 = tpu.assume_multiple %min3A_144, 128 : i32
      %dma_start3A_146 = arith.constant 4 : i32
      %dma_start3A_147 = arith.constant 4 : i32
      %dma_start3A_148 = arith.constant 0 : i32
      %dma_start3A_149 = arith.constant 0 : i32
      %dma_start3A_150 = tpu.memref_slice %arg15[%dma_start3A_146, %dma_start3A_148, %dma_start3A_149] : memref<10x64x128xf32, #tpu.memory_space<vmem>> -> memref<1x64x128xf32, #tpu.memory_space<vmem>>
      %dma_start3A_151 = tpu.memref_squeeze %dma_start3A_150 : memref<1x64x128xf32, #tpu.memory_space<vmem>> -> memref<64x128xf32, #tpu.memory_space<vmem>>
      %dma_start3A_152 = arith.constant 0 : i32
      %dma_start3A_153 = tpu.memref_slice %arg5[%dma_start3A_152, %multiple_of3A_145] : memref<64x1000000xf32, #tpu.memory_space<hbm>> -> memref<64x128xf32, #tpu.memory_space<hbm>>
      %dma_start3A_154 = tpu.memref_slice %arg18[%dma_start3A_147] : memref<10x!tpu.dma_semaphore, #tpu.memory_space<semaphore_mem>> -> memref<1x!tpu.dma_semaphore, #tpu.memory_space<semaphore_mem>>
      %dma_start3A_155 = tpu.memref_squeeze %dma_start3A_154 : memref<1x!tpu.dma_semaphore, #tpu.memory_space<semaphore_mem>> -> memref<!tpu.dma_semaphore, #tpu.memory_space<semaphore_mem>>
      %dma_start3A_156 = arith.constant 0 : i32
      %dma_start3A_157 = arith.constant 0 : i32
      %dma_start3A_158 = tpu.memref_slice %arg15[%dma_start3A_146, %dma_start3A_156, %dma_start3A_157] : memref<10x64x128xf32, #tpu.memory_space<vmem>> -> memref<1x64x128xf32, #tpu.memory_space<vmem>>
      %dma_start3A_159 = tpu.memref_squeeze %dma_start3A_158 : memref<1x64x128xf32, #tpu.memory_space<vmem>> -> memref<64x128xf32, #tpu.memory_space<vmem>>
      %dma_start3A_160 = arith.constant 0 : i32
      %dma_start3A_161 = tpu.memref_slice %arg5[%dma_start3A_160, %multiple_of3A_145] : memref<64x1000000xf32, #tpu.memory_space<hbm>> -> memref<64x128xf32, #tpu.memory_space<hbm>>
      tpu.enqueue_dma source(%dma_start3A_161 : memref<64x128xf32, #tpu.memory_space<hbm>>) target(%dma_start3A_159 : memref<64x128xf32, #tpu.memory_space<vmem>>) target_semaphore(%dma_start3A_155 : memref<!tpu.dma_semaphore, #tpu.memory_space<semaphore_mem>>)
      %add3A_162 = arith.constant 5 : i32
      %add3A_163 = arith.addi %mul3A_33, %add3A_162 : i32
      %get3A_164 = arith.index_cast %add3A_163 : i32 to index
      %get3A_165 = tpu.vector_load %arg14[%get3A_164] {strides = array<i32>} : memref<528xi32, #tpu.memory_space<vmem>>, vector<16xi32>,
      %slice3A_166 = vector.extract_strided_slice %get3A_165 {offsets = [0], sizes = [1], strides = [1]} : vector<16xi32> to vector<1xi32>
      %squeeze3A_167 = vector.extract %slice3A_166[0] : i32 from vector<1xi32>
      %and3A_168 = arith.constant -128 : i32
      %and3A_169 = arith.andi %squeeze3A_167, %and3A_168 : i32
      %min3A_170 = arith.constant 999808 : i32
      %min3A_171 = arith.minsi %and3A_169, %min3A_170 : i32
      %multiple_of3A_172 = tpu.assume_multiple %min3A_171, 128 : i32
      %dma_start3A_173 = arith.constant 5 : i32
      %dma_start3A_174 = arith.constant 5 : i32
      %dma_start3A_175 = arith.constant 0 : i32
      %dma_start3A_176 = arith.constant 0 : i32
      %dma_start3A_177 = tpu.memref_slice %arg15[%dma_start3A_173, %dma_start3A_175, %dma_start3A_176] : memref<10x64x128xf32, #tpu.memory_space<vmem>> -> memref<1x64x128xf32, #tpu.memory_space<vmem>>
      %dma_start3A_178 = tpu.memref_squeeze %dma_start3A_177 : memref<1x64x128xf32, #tpu.memory_space<vmem>> -> memref<64x128xf32, #tpu.memory_space<vmem>>
      %dma_start3A_179 = arith.constant 0 : i32
      %dma_start3A_180 = tpu.memref_slice %arg5[%dma_start3A_179, %multiple_of3A_172] : memref<64x1000000xf32, #tpu.memory_space<hbm>> -> memref<64x128xf32, #tpu.memory_space<hbm>>
      %dma_start3A_181 = tpu.memref_slice %arg18[%dma_start3A_174] : memref<10x!tpu.dma_semaphore, #tpu.memory_space<semaphore_mem>> -> memref<1x!tpu.dma_semaphore, #tpu.memory_space<semaphore_mem>>
      %dma_start3A_182 = tpu.memref_squeeze %dma_start3A_181 : memref<1x!tpu.dma_semaphore, #tpu.memory_space<semaphore_mem>> -> memref<!tpu.dma_semaphore, #tpu.memory_space<semaphore_mem>>
      %dma_start3A_183 = arith.constant 0 : i32
      %dma_start3A_184 = arith.constant 0 : i32
      %dma_start3A_185 = tpu.memref_slice %arg15[%dma_start3A_173, %dma_start3A_183, %dma_start3A_184] : memref<10x64x128xf32, #tpu.memory_space<vmem>> -> memref<1x64x128xf32, #tpu.memory_space<vmem>>
      %dma_start3A_186 = tpu.memref_squeeze %dma_start3A_185 : memref<1x64x128xf32, #tpu.memory_space<vmem>> -> memref<64x128xf32, #tpu.memory_space<vmem>>
      %dma_start3A_187 = arith.constant 0 : i32
      %dma_start3A_188 = tpu.memref_slice %arg5[%dma_start3A_187, %multiple_of3A_172] : memref<64x1000000xf32, #tpu.memory_space<hbm>> -> memref<64x128xf32, #tpu.memory_space<hbm>>
      tpu.enqueue_dma source(%dma_start3A_188 : memref<64x128xf32, #tpu.memory_space<hbm>>) target(%dma_start3A_186 : memref<64x128xf32, #tpu.memory_space<vmem>>) target_semaphore(%dma_start3A_182 : memref<!tpu.dma_semaphore, #tpu.memory_space<semaphore_mem>>)
      %add3A_189 = arith.constant 6 : i32
      %add3A_190 = arith.addi %mul3A_33, %add3A_189 : i32
      %get3A_191 = arith.index_cast %add3A_190 : i32 to index
      %get3A_192 = tpu.vector_load %arg14[%get3A_191] {strides = array<i32>} : memref<528xi32, #tpu.memory_space<vmem>>, vector<16xi32>,
      %slice3A_193 = vector.extract_strided_slice %get3A_192 {offsets = [0], sizes = [1], strides = [1]} : vector<16xi32> to vector<1xi32>
      %squeeze3A_194 = vector.extract %slice3A_193[0] : i32 from vector<1xi32>
      %and3A_195 = arith.constant -128 : i32
      %and3A_196 = arith.andi %squeeze3A_194, %and3A_195 : i32
      %min3A_197 = arith.constant 999808 : i32
      %min3A_198 = arith.minsi %and3A_196, %min3A_197 : i32
      %multiple_of3A_199 = tpu.assume_multiple %min3A_198, 128 : i32
      %dma_start3A_200 = arith.constant 6 : i32
      %dma_start3A_201 = arith.constant 6 : i32
      %dma_start3A_202 = arith.constant 0 : i32
      %dma_start3A_203 = arith.constant 0 : i32
      %dma_start3A_204 = tpu.memref_slice %arg15[%dma_start3A_200, %dma_start3A_202, %dma_start3A_203] : memref<10x64x128xf32, #tpu.memory_space<vmem>> -> memref<1x64x128xf32, #tpu.memory_space<vmem>>
      %dma_start3A_205 = tpu.memref_squeeze %dma_start3A_204 : memref<1x64x128xf32, #tpu.memory_space<vmem>> -> memref<64x128xf32, #tpu.memory_space<vmem>>
      %dma_start3A_206 = arith.constant 0 : i32
      %dma_start3A_207 = tpu.memref_slice %arg5[%dma_start3A_206, %multiple_of3A_199] : memref<64x1000000xf32, #tpu.memory_space<hbm>> -> memref<64x128xf32, #tpu.memory_space<hbm>>
      %dma_start3A_208 = tpu.memref_slice %arg18[%dma_start3A_201] : memref<10x!tpu.dma_semaphore, #tpu.memory_space<semaphore_mem>> -> memref<1x!tpu.dma_semaphore, #tpu.memory_space<semaphore_mem>>
      %dma_start3A_209 = tpu.memref_squeeze %dma_start3A_208 : memref<1x!tpu.dma_semaphore, #tpu.memory_space<semaphore_mem>> -> memref<!tpu.dma_semaphore, #tpu.memory_space<semaphore_mem>>
      %dma_start3A_210 = arith.constant 0 : i32
      %dma_start3A_211 = arith.constant 0 : i32
      %dma_start3A_212 = tpu.memref_slice %arg15[%dma_start3A_200, %dma_start3A_210, %dma_start3A_211] : memref<10x64x128xf32, #tpu.memory_space<vmem>> -> memref<1x64x128xf32, #tpu.memory_space<vmem>>
      %dma_start3A_213 = tpu.memref_squeeze %dma_start3A_212 : memref<1x64x128xf32, #tpu.memory_space<vmem>> -> memref<64x128xf32, #tpu.memory_space<vmem>>
      %dma_start3A_214 = arith.constant 0 : i32
      %dma_start3A_215 = tpu.memref_slice %arg5[%dma_start3A_214, %multiple_of3A_199] : memref<64x1000000xf32, #tpu.memory_space<hbm>> -> memref<64x128xf32, #tpu.memory_space<hbm>>
      tpu.enqueue_dma source(%dma_start3A_215 : memref<64x128xf32, #tpu.memory_space<hbm>>) target(%dma_start3A_213 : memref<64x128xf32, #tpu.memory_space<vmem>>) target_semaphore(%dma_start3A_209 : memref<!tpu.dma_semaphore, #tpu.memory_space<semaphore_mem>>)
      %add3A_216 = arith.constant 7 : i32
      %add3A_217 = arith.addi %mul3A_33, %add3A_216 : i32
      %get3A_218 = arith.index_cast %add3A_217 : i32 to index
      %get3A_219 = tpu.vector_load %arg14[%get3A_218] {strides = array<i32>} : memref<528xi32, #tpu.memory_space<vmem>>, vector<16xi32>,
      %slice3A_220 = vector.extract_strided_slice %get3A_219 {offsets = [0], sizes = [1], strides = [1]} : vector<16xi32> to vector<1xi32>
      %squeeze3A_221 = vector.extract %slice3A_220[0] : i32 from vector<1xi32>
      %and3A_222 = arith.constant -128 : i32
      %and3A_223 = arith.andi %squeeze3A_221, %and3A_222 : i32
      %min3A_224 = arith.constant 999808 : i32
      %min3A_225 = arith.minsi %and3A_223, %min3A_224 : i32
      %multiple_of3A_226 = tpu.assume_multiple %min3A_225, 128 : i32
      %dma_start3A_227 = arith.constant 7 : i32
      %dma_start3A_228 = arith.constant 7 : i32
      %dma_start3A_229 = arith.constant 0 : i32
      %dma_start3A_230 = arith.constant 0 : i32
      %dma_start3A_231 = tpu.memref_slice %arg15[%dma_start3A_227, %dma_start3A_229, %dma_start3A_230] : memref<10x64x128xf32, #tpu.memory_space<vmem>> -> memref<1x64x128xf32, #tpu.memory_space<vmem>>
      %dma_start3A_232 = tpu.memref_squeeze %dma_start3A_231 : memref<1x64x128xf32, #tpu.memory_space<vmem>> -> memref<64x128xf32, #tpu.memory_space<vmem>>
      %dma_start3A_233 = arith.constant 0 : i32
      %dma_start3A_234 = tpu.memref_slice %arg5[%dma_start3A_233, %multiple_of3A_226] : memref<64x1000000xf32, #tpu.memory_space<hbm>> -> memref<64x128xf32, #tpu.memory_space<hbm>>
      %dma_start3A_235 = tpu.memref_slice %arg18[%dma_start3A_228] : memref<10x!tpu.dma_semaphore, #tpu.memory_space<semaphore_mem>> -> memref<1x!tpu.dma_semaphore, #tpu.memory_space<semaphore_mem>>
      %dma_start3A_236 = tpu.memref_squeeze %dma_start3A_235 : memref<1x!tpu.dma_semaphore, #tpu.memory_space<semaphore_mem>> -> memref<!tpu.dma_semaphore, #tpu.memory_space<semaphore_mem>>
      %dma_start3A_237 = arith.constant 0 : i32
      %dma_start3A_238 = arith.constant 0 : i32
      %dma_start3A_239 = tpu.memref_slice %arg15[%dma_start3A_227, %dma_start3A_237, %dma_start3A_238] : memref<10x64x128xf32, #tpu.memory_space<vmem>> -> memref<1x64x128xf32, #tpu.memory_space<vmem>>
      %dma_start3A_240 = tpu.memref_squeeze %dma_start3A_239 : memref<1x64x128xf32, #tpu.memory_space<vmem>> -> memref<64x128xf32, #tpu.memory_space<vmem>>
      %dma_start3A_241 = arith.constant 0 : i32
      %dma_start3A_242 = tpu.memref_slice %arg5[%dma_start3A_241, %multiple_of3A_226] : memref<64x1000000xf32, #tpu.memory_space<hbm>> -> memref<64x128xf32, #tpu.memory_space<hbm>>
      tpu.enqueue_dma source(%dma_start3A_242 : memref<64x128xf32, #tpu.memory_space<hbm>>) target(%dma_start3A_240 : memref<64x128xf32, #tpu.memory_space<vmem>>) target_semaphore(%dma_start3A_236 : memref<!tpu.dma_semaphore, #tpu.memory_space<semaphore_mem>>)
      %add3A_243 = arith.constant 8 : i32
      %add3A_244 = arith.addi %mul3A_33, %add3A_243 : i32
      %get3A_245 = arith.index_cast %add3A_244 : i32 to index
      %get3A_246 = tpu.vector_load %arg14[%get3A_245] {strides = array<i32>} : memref<528xi32, #tpu.memory_space<vmem>>, vector<16xi32>,
      %slice3A_247 = vector.extract_strided_slice %get3A_246 {offsets = [0], sizes = [1], strides = [1]} : vector<16xi32> to vector<1xi32>
      %squeeze3A_248 = vector.extract %slice3A_247[0] : i32 from vector<1xi32>
      %and3A_249 = arith.constant -128 : i32
      %and3A_250 = arith.andi %squeeze3A_248, %and3A_249 : i32
      %min3A_251 = arith.constant 999808 : i32
      %min3A_252 = arith.minsi %and3A_250, %min3A_251 : i32
      %multiple_of3A_253 = tpu.assume_multiple %min3A_252, 128 : i32
      %dma_start3A_254 = arith.constant 8 : i32
      %dma_start3A_255 = arith.constant 8 : i32
      %dma_start3A_256 = arith.constant 0 : i32
      %dma_start3A_257 = arith.constant 0 : i32
      %dma_start3A_258 = tpu.memref_slice %arg15[%dma_start3A_254, %dma_start3A_256, %dma_start3A_257] : memref<10x64x128xf32, #tpu.memory_space<vmem>> -> memref<1x64x128xf32, #tpu.memory_space<vmem>>
      %dma_start3A_259 = tpu.memref_squeeze %dma_start3A_258 : memref<1x64x128xf32, #tpu.memory_space<vmem>> -> memref<64x128xf32, #tpu.memory_space<vmem>>
      %dma_start3A_260 = arith.constant 0 : i32
      %dma_start3A_261 = tpu.memref_slice %arg5[%dma_start3A_260, %multiple_of3A_253] : memref<64x1000000xf32, #tpu.memory_space<hbm>> -> memref<64x128xf32, #tpu.memory_space<hbm>>
      %dma_start3A_262 = tpu.memref_slice %arg18[%dma_start3A_255] : memref<10x!tpu.dma_semaphore, #tpu.memory_space<semaphore_mem>> -> memref<1x!tpu.dma_semaphore, #tpu.memory_space<semaphore_mem>>
      %dma_start3A_263 = tpu.memref_squeeze %dma_start3A_262 : memref<1x!tpu.dma_semaphore, #tpu.memory_space<semaphore_mem>> -> memref<!tpu.dma_semaphore, #tpu.memory_space<semaphore_mem>>
      %dma_start3A_264 = arith.constant 0 : i32
      %dma_start3A_265 = arith.constant 0 : i32
      %dma_start3A_266 = tpu.memref_slice %arg15[%dma_start3A_254, %dma_start3A_264, %dma_start3A_265] : memref<10x64x128xf32, #tpu.memory_space<vmem>> -> memref<1x64x128xf32, #tpu.memory_space<vmem>>
      %dma_start3A_267 = tpu.memref_squeeze %dma_start3A_266 : memref<1x64x128xf32, #tpu.memory_space<vmem>> -> memref<64x128xf32, #tpu.memory_space<vmem>>
      %dma_start3A_268 = arith.constant 0 : i32
      %dma_start3A_269 = tpu.memref_slice %arg5[%dma_start3A_268, %multiple_of3A_253] : memref<64x1000000xf32, #tpu.memory_space<hbm>> -> memref<64x128xf32, #tpu.memory_space<hbm>>
      tpu.enqueue_dma source(%dma_start3A_269 : memref<64x128xf32, #tpu.memory_space<hbm>>) target(%dma_start3A_267 : memref<64x128xf32, #tpu.memory_space<vmem>>) target_semaphore(%dma_start3A_263 : memref<!tpu.dma_semaphore, #tpu.memory_space<semaphore_mem>>)
      %add3A_270 = arith.constant 9 : i32
      %add3A_271 = arith.addi %mul3A_33, %add3A_270 : i32
      %get3A_272 = arith.index_cast %add3A_271 : i32 to index
      %get3A_273 = tpu.vector_load %arg14[%get3A_272] {strides = array<i32>} : memref<528xi32, #tpu.memory_space<vmem>>, vector<16xi32>,
      %slice3A_274 = vector.extract_strided_slice %get3A_273 {offsets = [0], sizes = [1], strides = [1]} : vector<16xi32> to vector<1xi32>
      %squeeze3A_275 = vector.extract %slice3A_274[0] : i32 from vector<1xi32>
      %and3A_276 = arith.constant -128 : i32
      %and3A_277 = arith.andi %squeeze3A_275, %and3A_276 : i32
      %min3A_278 = arith.constant 999808 : i32
      %min3A_279 = arith.minsi %and3A_277, %min3A_278 : i32
      %multiple_of3A_280 = tpu.assume_multiple %min3A_279, 128 : i32
      %dma_start3A_281 = arith.constant 9 : i32
      %dma_start3A_282 = arith.constant 9 : i32
      %dma_start3A_283 = arith.constant 0 : i32
      %dma_start3A_284 = arith.constant 0 : i32
      %dma_start3A_285 = tpu.memref_slice %arg15[%dma_start3A_281, %dma_start3A_283, %dma_start3A_284] : memref<10x64x128xf32, #tpu.memory_space<vmem>> -> memref<1x64x128xf32, #tpu.memory_space<vmem>>
      %dma_start3A_286 = tpu.memref_squeeze %dma_start3A_285 : memref<1x64x128xf32, #tpu.memory_space<vmem>> -> memref<64x128xf32, #tpu.memory_space<vmem>>
      %dma_start3A_287 = arith.constant 0 : i32
      %dma_start3A_288 = tpu.memref_slice %arg5[%dma_start3A_287, %multiple_of3A_280] : memref<64x1000000xf32, #tpu.memory_space<hbm>> -> memref<64x128xf32, #tpu.memory_space<hbm>>
      %dma_start3A_289 = tpu.memref_slice %arg18[%dma_start3A_282] : memref<10x!tpu.dma_semaphore, #tpu.memory_space<semaphore_mem>> -> memref<1x!tpu.dma_semaphore, #tpu.memory_space<semaphore_mem>>
      %dma_start3A_290 = tpu.memref_squeeze %dma_start3A_289 : memref<1x!tpu.dma_semaphore, #tpu.memory_space<semaphore_mem>> -> memref<!tpu.dma_semaphore, #tpu.memory_space<semaphore_mem>>
      %dma_start3A_291 = arith.constant 0 : i32
      %dma_start3A_292 = arith.constant 0 : i32
      %dma_start3A_293 = tpu.memref_slice %arg15[%dma_start3A_281, %dma_start3A_291, %dma_start3A_292] : memref<10x64x128xf32, #tpu.memory_space<vmem>> -> memref<1x64x128xf32, #tpu.memory_space<vmem>>
      %dma_start3A_294 = tpu.memref_squeeze %dma_start3A_293 : memref<1x64x128xf32, #tpu.memory_space<vmem>> -> memref<64x128xf32, #tpu.memory_space<vmem>>
      %dma_start3A_295 = arith.constant 0 : i32
      %dma_start3A_296 = tpu.memref_slice %arg5[%dma_start3A_295, %multiple_of3A_280] : memref<64x1000000xf32, #tpu.memory_space<hbm>> -> memref<64x128xf32, #tpu.memory_space<hbm>>
      tpu.enqueue_dma source(%dma_start3A_296 : memref<64x128xf32, #tpu.memory_space<hbm>>) target(%dma_start3A_294 : memref<64x128xf32, #tpu.memory_space<vmem>>) target_semaphore(%dma_start3A_290 : memref<!tpu.dma_semaphore, #tpu.memory_space<semaphore_mem>>)
      %scan3A_297 = arith.constant 0 : i32
      %scan3A_298 = arith.constant 0 : i32
      %scan3A_299 = arith.constant 64 : i32
      %scan3A_300 = arith.addi %scan3A_298, %scan3A_299 : i32
      %scan3A_301 = arith.constant 1 : i32
      %scan3A_302 = scf.for %scan3A_307 = %scan3A_298 to %scan3A_300 step %scan3A_301 iter_args(%scan3A_308 = %scan3A_297) -> (i32)  : i32 {
        %rem3A = arith.constant 10 : i32
        %rem3A_309 = arith.remsi %scan3A_307, %rem3A : i32
        %add3A_310 = arith.addi %mul3A_33, %scan3A_307 : i32
        %get3A_311 = arith.index_cast %add3A_310 : i32 to index
        %get3A_312 = tpu.vector_load %arg14[%get3A_311] {strides = array<i32>} : memref<528xi32, #tpu.memory_space<vmem>>, vector<16xi32>,
        %slice3A_313 = vector.extract_strided_slice %get3A_312 {offsets = [0], sizes = [1], strides = [1]} : vector<16xi32> to vector<1xi32>
        %squeeze3A_314 = vector.extract %slice3A_313[0] : i32 from vector<1xi32>
        %and3A_315 = arith.constant -128 : i32
        %and3A_316 = arith.andi %squeeze3A_314, %and3A_315 : i32
        %min3A_317 = arith.constant 999808 : i32
        %min3A_318 = arith.minsi %and3A_316, %min3A_317 : i32
        %multiple_of3A_319 = tpu.assume_multiple %min3A_318, 128 : i32
        %dma_wait3A = arith.constant 0 : i32
        %dma_wait3A_320 = arith.constant 0 : i32
        %dma_wait3A_321 = tpu.memref_slice %arg15[%rem3A_309, %dma_wait3A, %dma_wait3A_320] : memref<10x64x128xf32, #tpu.memory_space<vmem>> -> memref<1x64x128xf32, #tpu.memory_space<vmem>>
        %dma_wait3A_322 = tpu.memref_squeeze %dma_wait3A_321 : memref<1x64x128xf32, #tpu.memory_space<vmem>> -> memref<64x128xf32, #tpu.memory_space<vmem>>
        %dma_wait3A_323 = arith.constant 0 : i32
        %dma_wait3A_324 = tpu.memref_slice %arg5[%dma_wait3A_323, %multiple_of3A_319] : memref<64x1000000xf32, #tpu.memory_space<hbm>> -> memref<64x128xf32, #tpu.memory_space<hbm>>
        %dma_wait3A_325 = tpu.memref_slice %arg18[%rem3A_309] : memref<10x!tpu.dma_semaphore, #tpu.memory_space<semaphore_mem>> -> memref<1x!tpu.dma_semaphore, #tpu.memory_space<semaphore_mem>>
        %dma_wait3A_326 = tpu.memref_squeeze %dma_wait3A_325 : memref<1x!tpu.dma_semaphore, #tpu.memory_space<semaphore_mem>> -> memref<!tpu.dma_semaphore, #tpu.memory_space<semaphore_mem>>
        %dma_wait3A_327 = arith.constant 0 : i32
        %dma_wait3A_328 = arith.constant 0 : i32
        %dma_wait3A_329 = tpu.memref_slice %arg15[%rem3A_309, %dma_wait3A_327, %dma_wait3A_328] : memref<10x64x128xf32, #tpu.memory_space<vmem>> -> memref<1x64x128xf32, #tpu.memory_space<vmem>>
        %dma_wait3A_330 = tpu.memref_squeeze %dma_wait3A_329 : memref<1x64x128xf32, #tpu.memory_space<vmem>> -> memref<64x128xf32, #tpu.memory_space<vmem>>
        %dma_wait3A_331 = arith.constant 0 : i32
        %dma_wait3A_332 = tpu.memref_slice %arg5[%dma_wait3A_331, %multiple_of3A_319] : memref<64x1000000xf32, #tpu.memory_space<hbm>> -> memref<64x128xf32, #tpu.memory_space<hbm>>
        tpu.wait_dma2 semaphore(%dma_wait3A_326 : memref<!tpu.dma_semaphore, #tpu.memory_space<semaphore_mem>>) src(%dma_wait3A_332 : memref<64x128xf32, #tpu.memory_space<hbm>>) dst(%dma_wait3A_330 : memref<64x128xf32, #tpu.memory_space<vmem>>)
        %lt3A = arith.constant 999936 : i32
        %lt3A_333 = arith.cmpi slt, %squeeze3A_314, %lt3A : i32
        %convert_element_type3A = arith.extui %lt3A_333 : i1 to i32
        %cond3A = arith.constant 0 : i32
        %cond3A_334 = arith.cmpi ne, %convert_element_type3A, %cond3A : i32
        scf.if %cond3A_334 {
          %sub3A = arith.subi %squeeze3A_314, %multiple_of3A_319 : i32
          %iota3A = tpu.iota {dimensions = array<i32: 0>} : vector<16xi32>
          %broadcast_in_dim3A = vector.broadcast %sub3A : i32 to vector<16xi32>
          %broadcast_in_dim3A_347 = vector.broadcast %scan3A_307 : i32 to vector<16xi32>
          %add3A_348 = arith.constant 0 : i32
          %add3A_349 = vector.broadcast %add3A_348 : i32 to vector<16xi32>
          %add3A_350 = arith.addi %iota3A, %add3A_349 : vector<16xi32>
          %gather3A = arith.constant 0 : i32
          %gather3A_351 = arith.constant 0 : i32
          %gather3A_352 = tpu.memref_slice %arg15[%rem3A_309, %gather3A, %gather3A_351] : memref<10x64x128xf32, #tpu.memory_space<vmem>> -> memref<1x64x128xf32, #tpu.memory_space<vmem>>
          %gather3A_353 = tpu.memref_squeeze %gather3A_352 : memref<1x64x128xf32, #tpu.memory_space<vmem>> -> memref<64x128xf32, #tpu.memory_space<vmem>>
          %gather3A_354 = tpu.vector_load_idx %gather3A_353[%add3A_350, %broadcast_in_dim3A] : memref<64x128xf32, #tpu.memory_space<vmem>>[vector<16xi32>, vector<16xi32>], vector<16xf32>,
          %add3A_355 = arith.constant 0 : i32
          %add3A_356 = vector.broadcast %add3A_355 : i32 to vector<16xi32>
          %add3A_357 = arith.addi %iota3A, %add3A_356 : vector<16xi32>
          tpu.vector_store_idx %arg16[%broadcast_in_dim3A_347, %add3A_357], %gather3A_354 : memref<64x128xf32, #tpu.memory_space<vmem>>[vector<16xi32>, vector<16xi32>], vector<16xf32>,
          %add3A_358 = arith.constant 16 : i32
          %add3A_359 = vector.broadcast %add3A_358 : i32 to vector<16xi32>
          %add3A_360 = arith.addi %iota3A, %add3A_359 : vector<16xi32>
          %gather3A_361 = arith.constant 0 : i32
          %gather3A_362 = arith.constant 0 : i32
          %gather3A_363 = tpu.memref_slice %arg15[%rem3A_309, %gather3A_361, %gather3A_362] : memref<10x64x128xf32, #tpu.memory_space<vmem>> -> memref<1x64x128xf32, #tpu.memory_space<vmem>>
          %gather3A_364 = tpu.memref_squeeze %gather3A_363 : memref<1x64x128xf32, #tpu.memory_space<vmem>> -> memref<64x128xf32, #tpu.memory_space<vmem>>
          %gather3A_365 = tpu.vector_load_idx %gather3A_364[%add3A_360, %broadcast_in_dim3A] : memref<64x128xf32, #tpu.memory_space<vmem>>[vector<16xi32>, vector<16xi32>], vector<16xf32>,
          %add3A_366 = arith.constant 16 : i32
          %add3A_367 = vector.broadcast %add3A_366 : i32 to vector<16xi32>
          %add3A_368 = arith.addi %iota3A, %add3A_367 : vector<16xi32>
          tpu.vector_store_idx %arg16[%broadcast_in_dim3A_347, %add3A_368], %gather3A_365 : memref<64x128xf32, #tpu.memory_space<vmem>>[vector<16xi32>, vector<16xi32>], vector<16xf32>,
          %add3A_369 = arith.constant 32 : i32
          %add3A_370 = vector.broadcast %add3A_369 : i32 to vector<16xi32>
          %add3A_371 = arith.addi %iota3A, %add3A_370 : vector<16xi32>
          %gather3A_372 = arith.constant 0 : i32
          %gather3A_373 = arith.constant 0 : i32
          %gather3A_374 = tpu.memref_slice %arg15[%rem3A_309, %gather3A_372, %gather3A_373] : memref<10x64x128xf32, #tpu.memory_space<vmem>> -> memref<1x64x128xf32, #tpu.memory_space<vmem>>
          %gather3A_375 = tpu.memref_squeeze %gather3A_374 : memref<1x64x128xf32, #tpu.memory_space<vmem>> -> memref<64x128xf32, #tpu.memory_space<vmem>>
          %gather3A_376 = tpu.vector_load_idx %gather3A_375[%add3A_371, %broadcast_in_dim3A] : memref<64x128xf32, #tpu.memory_space<vmem>>[vector<16xi32>, vector<16xi32>], vector<16xf32>,
          %add3A_377 = arith.constant 32 : i32
          %add3A_378 = vector.broadcast %add3A_377 : i32 to vector<16xi32>
          %add3A_379 = arith.addi %iota3A, %add3A_378 : vector<16xi32>
          tpu.vector_store_idx %arg16[%broadcast_in_dim3A_347, %add3A_379], %gather3A_376 : memref<64x128xf32, #tpu.memory_space<vmem>>[vector<16xi32>, vector<16xi32>], vector<16xf32>,
          %add3A_380 = arith.constant 48 : i32
          %add3A_381 = vector.broadcast %add3A_380 : i32 to vector<16xi32>
          %add3A_382 = arith.addi %iota3A, %add3A_381 : vector<16xi32>
          %gather3A_383 = arith.constant 0 : i32
          %gather3A_384 = arith.constant 0 : i32
          %gather3A_385 = tpu.memref_slice %arg15[%rem3A_309, %gather3A_383, %gather3A_384] : memref<10x64x128xf32, #tpu.memory_space<vmem>> -> memref<1x64x128xf32, #tpu.memory_space<vmem>>
          %gather3A_386 = tpu.memref_squeeze %gather3A_385 : memref<1x64x128xf32, #tpu.memory_space<vmem>> -> memref<64x128xf32, #tpu.memory_space<vmem>>
          %gather3A_387 = tpu.vector_load_idx %gather3A_386[%add3A_382, %broadcast_in_dim3A] : memref<64x128xf32, #tpu.memory_space<vmem>>[vector<16xi32>, vector<16xi32>], vector<16xf32>,
          %add3A_388 = arith.constant 48 : i32
          %add3A_389 = vector.broadcast %add3A_388 : i32 to vector<16xi32>
          %add3A_390 = arith.addi %iota3A, %add3A_389 : vector<16xi32>
          tpu.vector_store_idx %arg16[%broadcast_in_dim3A_347, %add3A_390], %gather3A_387 : memref<64x128xf32, #tpu.memory_space<vmem>>[vector<16xi32>, vector<16xi32>], vector<16xf32>,
        } else {
        }
        %ge3A = arith.constant 999936 : i32
        %ge3A_335 = arith.cmpi sge, %squeeze3A_314, %ge3A : i32
        %convert_element_type3A_336 = arith.extui %ge3A_335 : i1 to i32
        %cond3A_337 = arith.constant 0 : i32
        %cond3A_338 = arith.cmpi ne, %convert_element_type3A_336, %cond3A_337 : i32
        scf.if %cond3A_338 {
          %sub3A = arith.constant 999936 : i32
          %sub3A_347 = arith.subi %squeeze3A_314, %sub3A : i32
          %add3A_348 = arith.constant 64 : i32
          %add3A_349 = arith.addi %add3A_348, %sub3A_347 : i32
          %iota3A = tpu.iota {dimensions = array<i32: 0>} : vector<16xi32>
          %broadcast_in_dim3A = vector.broadcast %add3A_349 : i32 to vector<16xi32>
          %broadcast_in_dim3A_350 = vector.broadcast %scan3A_307 : i32 to vector<16xi32>
          %add3A_351 = arith.constant 0 : i32
          %add3A_352 = vector.broadcast %add3A_351 : i32 to vector<16xi32>
          %add3A_353 = arith.addi %iota3A, %add3A_352 : vector<16xi32>
          %gather3A = tpu.vector_load_idx %arg17[%add3A_353, %broadcast_in_dim3A] : memref<64x256xf32, #tpu.memory_space<vmem>>[vector<16xi32>, vector<16xi32>], vector<16xf32>,
          %add3A_354 = arith.constant 0 : i32
          %add3A_355 = vector.broadcast %add3A_354 : i32 to vector<16xi32>
          %add3A_356 = arith.addi %iota3A, %add3A_355 : vector<16xi32>
          tpu.vector_store_idx %arg16[%broadcast_in_dim3A_350, %add3A_356], %gather3A : memref<64x128xf32, #tpu.memory_space<vmem>>[vector<16xi32>, vector<16xi32>], vector<16xf32>,
          %add3A_357 = arith.constant 16 : i32
          %add3A_358 = vector.broadcast %add3A_357 : i32 to vector<16xi32>
          %add3A_359 = arith.addi %iota3A, %add3A_358 : vector<16xi32>
          %gather3A_360 = tpu.vector_load_idx %arg17[%add3A_359, %broadcast_in_dim3A] : memref<64x256xf32, #tpu.memory_space<vmem>>[vector<16xi32>, vector<16xi32>], vector<16xf32>,
          %add3A_361 = arith.constant 16 : i32
          %add3A_362 = vector.broadcast %add3A_361 : i32 to vector<16xi32>
          %add3A_363 = arith.addi %iota3A, %add3A_362 : vector<16xi32>
          tpu.vector_store_idx %arg16[%broadcast_in_dim3A_350, %add3A_363], %gather3A_360 : memref<64x128xf32, #tpu.memory_space<vmem>>[vector<16xi32>, vector<16xi32>], vector<16xf32>,
          %add3A_364 = arith.constant 32 : i32
          %add3A_365 = vector.broadcast %add3A_364 : i32 to vector<16xi32>
          %add3A_366 = arith.addi %iota3A, %add3A_365 : vector<16xi32>
          %gather3A_367 = tpu.vector_load_idx %arg17[%add3A_366, %broadcast_in_dim3A] : memref<64x256xf32, #tpu.memory_space<vmem>>[vector<16xi32>, vector<16xi32>], vector<16xf32>,
          %add3A_368 = arith.constant 32 : i32
          %add3A_369 = vector.broadcast %add3A_368 : i32 to vector<16xi32>
          %add3A_370 = arith.addi %iota3A, %add3A_369 : vector<16xi32>
          tpu.vector_store_idx %arg16[%broadcast_in_dim3A_350, %add3A_370], %gather3A_367 : memref<64x128xf32, #tpu.memory_space<vmem>>[vector<16xi32>, vector<16xi32>], vector<16xf32>,
          %add3A_371 = arith.constant 48 : i32
          %add3A_372 = vector.broadcast %add3A_371 : i32 to vector<16xi32>
          %add3A_373 = arith.addi %iota3A, %add3A_372 : vector<16xi32>
          %gather3A_374 = tpu.vector_load_idx %arg17[%add3A_373, %broadcast_in_dim3A] : memref<64x256xf32, #tpu.memory_space<vmem>>[vector<16xi32>, vector<16xi32>], vector<16xf32>,
          %add3A_375 = arith.constant 48 : i32
          %add3A_376 = vector.broadcast %add3A_375 : i32 to vector<16xi32>
          %add3A_377 = arith.addi %iota3A, %add3A_376 : vector<16xi32>
          tpu.vector_store_idx %arg16[%broadcast_in_dim3A_350, %add3A_377], %gather3A_374 : memref<64x128xf32, #tpu.memory_space<vmem>>[vector<16xi32>, vector<16xi32>], vector<16xf32>,
        } else {
        }
        %add3A_339 = arith.constant 10 : i32
        %add3A_340 = arith.addi %scan3A_307, %add3A_339 : i32
        %lt3A_341 = arith.constant 64 : i32
        %lt3A_342 = arith.cmpi slt, %add3A_340, %lt3A_341 : i32
        %convert_element_type3A_343 = arith.extui %lt3A_342 : i1 to i32
        %cond3A_344 = arith.constant 0 : i32
        %cond3A_345 = arith.cmpi ne, %convert_element_type3A_343, %cond3A_344 : i32
        scf.if %cond3A_345 {
          %add3A_347 = arith.addi %mul3A_33, %scan3A_307 : i32
          %add3A_348 = arith.constant 10 : i32
          %add3A_349 = arith.addi %add3A_347, %add3A_348 : i32
          %get3A_350 = arith.index_cast %add3A_349 : i32 to index
          %get3A_351 = tpu.vector_load %arg14[%get3A_350] {strides = array<i32>} : memref<528xi32, #tpu.memory_space<vmem>>, vector<16xi32>,
          %slice3A_352 = vector.extract_strided_slice %get3A_351 {offsets = [0], sizes = [1], strides = [1]} : vector<16xi32> to vector<1xi32>
          %squeeze3A_353 = vector.extract %slice3A_352[0] : i32 from vector<1xi32>
          %and3A_354 = arith.constant -128 : i32
          %and3A_355 = arith.andi %squeeze3A_353, %and3A_354 : i32
          %min3A_356 = arith.constant 999808 : i32
          %min3A_357 = arith.minsi %and3A_355, %min3A_356 : i32
          %multiple_of3A_358 = tpu.assume_multiple %min3A_357, 128 : i32
          %dma_start3A_359 = arith.constant 0 : i32
          %dma_start3A_360 = arith.constant 0 : i32
          %dma_start3A_361 = tpu.memref_slice %arg15[%rem3A_309, %dma_start3A_359, %dma_start3A_360] : memref<10x64x128xf32, #tpu.memory_space<vmem>> -> memref<1x64x128xf32, #tpu.memory_space<vmem>>
          %dma_start3A_362 = tpu.memref_squeeze %dma_start3A_361 : memref<1x64x128xf32, #tpu.memory_space<vmem>> -> memref<64x128xf32, #tpu.memory_space<vmem>>
          %dma_start3A_363 = arith.constant 0 : i32
          %dma_start3A_364 = tpu.memref_slice %arg5[%dma_start3A_363, %multiple_of3A_358] : memref<64x1000000xf32, #tpu.memory_space<hbm>> -> memref<64x128xf32, #tpu.memory_space<hbm>>
          %dma_start3A_365 = tpu.memref_slice %arg18[%rem3A_309] : memref<10x!tpu.dma_semaphore, #tpu.memory_space<semaphore_mem>> -> memref<1x!tpu.dma_semaphore, #tpu.memory_space<semaphore_mem>>
          %dma_start3A_366 = tpu.memref_squeeze %dma_start3A_365 : memref<1x!tpu.dma_semaphore, #tpu.memory_space<semaphore_mem>> -> memref<!tpu.dma_semaphore, #tpu.memory_space<semaphore_mem>>
          %dma_start3A_367 = arith.constant 0 : i32
          %dma_start3A_368 = arith.constant 0 : i32
          %dma_start3A_369 = tpu.memref_slice %arg15[%rem3A_309, %dma_start3A_367, %dma_start3A_368] : memref<10x64x128xf32, #tpu.memory_space<vmem>> -> memref<1x64x128xf32, #tpu.memory_space<vmem>>
          %dma_start3A_370 = tpu.memref_squeeze %dma_start3A_369 : memref<1x64x128xf32, #tpu.memory_space<vmem>> -> memref<64x128xf32, #tpu.memory_space<vmem>>
          %dma_start3A_371 = arith.constant 0 : i32
          %dma_start3A_372 = tpu.memref_slice %arg5[%dma_start3A_371, %multiple_of3A_358] : memref<64x1000000xf32, #tpu.memory_space<hbm>> -> memref<64x128xf32, #tpu.memory_space<hbm>>
          tpu.enqueue_dma source(%dma_start3A_372 : memref<64x128xf32, #tpu.memory_space<hbm>>) target(%dma_start3A_370 : memref<64x128xf32, #tpu.memory_space<vmem>>) target_semaphore(%dma_start3A_366 : memref<!tpu.dma_semaphore, #tpu.memory_space<semaphore_mem>>)
        } else {
        }
        %scan3A_346 = arith.constant 0 : i32
        scf.yield %scan3A_346 : i32
      }
      %scan3A_303 = arith.constant 64 : i32
      %add3A_304 = arith.addi %mul3A_2, %mul3A_33 : i32
      %multiple_of3A_305 = tpu.assume_multiple %add3A_304, 8 : i32
      "tpu.region"() ({
        %run_scoped3A = tpu.sem_alloc : memref<!tpu.dma_semaphore, #tpu.memory_space<semaphore_mem>>
        %dma_start3A_307 = arith.constant 0 : i32
        %dma_start3A_308 = tpu.memref_slice %arg10[%multiple_of3A_305, %dma_start3A_307] : memref<16384x128xf32, #tpu.memory_space<hbm>> -> memref<64x128xf32, #tpu.memory_space<hbm>>
        %dma_start3A_309 = arith.constant 0 : i32
        %dma_start3A_310 = tpu.memref_slice %arg10[%multiple_of3A_305, %dma_start3A_309] : memref<16384x128xf32, #tpu.memory_space<hbm>> -> memref<64x128xf32, #tpu.memory_space<hbm>>
        tpu.enqueue_dma source(%arg16 : memref<64x128xf32, #tpu.memory_space<vmem>>) target(%dma_start3A_310 : memref<64x128xf32, #tpu.memory_space<hbm>>) target_semaphore(%run_scoped3A : memref<!tpu.dma_semaphore, #tpu.memory_space<semaphore_mem>>)
        %dma_wait3A = arith.constant 0 : i32
        %dma_wait3A_311 = tpu.memref_slice %arg10[%multiple_of3A_305, %dma_wait3A] : memref<16384x128xf32, #tpu.memory_space<hbm>> -> memref<64x128xf32, #tpu.memory_space<hbm>>
        %dma_wait3A_312 = arith.constant 0 : i32
        %dma_wait3A_313 = tpu.memref_slice %arg10[%multiple_of3A_305, %dma_wait3A_312] : memref<16384x128xf32, #tpu.memory_space<hbm>> -> memref<64x128xf32, #tpu.memory_space<hbm>>
        tpu.wait_dma2 semaphore(%run_scoped3A : memref<!tpu.dma_semaphore, #tpu.memory_space<semaphore_mem>>) src(%arg16 : memref<64x128xf32, #tpu.memory_space<vmem>>) dst(%dma_wait3A_313 : memref<64x128xf32, #tpu.memory_space<hbm>>)
        tpu.yield
      }) : () -> ()
      %scan3A_306 = arith.constant 0 : i32
      scf.yield %scan3A_306 : i32
    }
    %scan3A_15 = arith.constant 8 : i32
    %scan3A_16 = arith.constant 0 : i32
    %scan3A_17 = arith.constant 0 : i32
    %scan3A_18 = arith.constant 8 : i32
    %scan3A_19 = arith.addi %scan3A_17, %scan3A_18 : i32
    %scan3A_20 = arith.constant 1 : i32
    %scan3A_21 = scf.for %scan3A_30 = %scan3A_17 to %scan3A_19 step %scan3A_20 iter_args(%scan3A_31 = %scan3A_16) -> (i32)  : i32 {
      %mul3A_32 = arith.constant 64 : i32
      %mul3A_33 = arith.muli %scan3A_30, %mul3A_32 : i32
      %add3A_34 = arith.constant 0 : i32
      %add3A_35 = arith.addi %mul3A_33, %add3A_34 : i32
      %get3A = arith.index_cast %add3A_35 : i32 to index
      %get3A_36 = tpu.vector_load %arg13[%get3A] {strides = array<i32>} : memref<528xi32, #tpu.memory_space<vmem>>, vector<16xi32>,
      %slice3A = vector.extract_strided_slice %get3A_36 {offsets = [0], sizes = [1], strides = [1]} : vector<16xi32> to vector<1xi32>
      %squeeze3A = vector.extract %slice3A[0] : i32 from vector<1xi32>
      %and3A = arith.constant -128 : i32
      %and3A_37 = arith.andi %squeeze3A, %and3A : i32
      %min3A = arith.constant 999808 : i32
      %min3A_38 = arith.minsi %and3A_37, %min3A : i32
      %multiple_of3A = tpu.assume_multiple %min3A_38, 128 : i32
      %dma_start3A = arith.constant 0 : i32
      %dma_start3A_39 = arith.constant 0 : i32
      %dma_start3A_40 = arith.constant 0 : i32
      %dma_start3A_41 = arith.constant 0 : i32
      %dma_start3A_42 = tpu.memref_slice %arg15[%dma_start3A, %dma_start3A_40, %dma_start3A_41] : memref<10x64x128xf32, #tpu.memory_space<vmem>> -> memref<1x64x128xf32, #tpu.memory_space<vmem>>
      %dma_start3A_43 = tpu.memref_squeeze %dma_start3A_42 : memref<1x64x128xf32, #tpu.memory_space<vmem>> -> memref<64x128xf32, #tpu.memory_space<vmem>>
      %dma_start3A_44 = arith.constant 0 : i32
      %dma_start3A_45 = tpu.memref_slice %arg6[%dma_start3A_44, %multiple_of3A] : memref<64x1000000xf32, #tpu.memory_space<hbm>> -> memref<64x128xf32, #tpu.memory_space<hbm>>
      %dma_start3A_46 = tpu.memref_slice %arg18[%dma_start3A_39] : memref<10x!tpu.dma_semaphore, #tpu.memory_space<semaphore_mem>> -> memref<1x!tpu.dma_semaphore, #tpu.memory_space<semaphore_mem>>
      %dma_start3A_47 = tpu.memref_squeeze %dma_start3A_46 : memref<1x!tpu.dma_semaphore, #tpu.memory_space<semaphore_mem>> -> memref<!tpu.dma_semaphore, #tpu.memory_space<semaphore_mem>>
      %dma_start3A_48 = arith.constant 0 : i32
      %dma_start3A_49 = arith.constant 0 : i32
      %dma_start3A_50 = tpu.memref_slice %arg15[%dma_start3A, %dma_start3A_48, %dma_start3A_49] : memref<10x64x128xf32, #tpu.memory_space<vmem>> -> memref<1x64x128xf32, #tpu.memory_space<vmem>>
      %dma_start3A_51 = tpu.memref_squeeze %dma_start3A_50 : memref<1x64x128xf32, #tpu.memory_space<vmem>> -> memref<64x128xf32, #tpu.memory_space<vmem>>
      %dma_start3A_52 = arith.constant 0 : i32
      %dma_start3A_53 = tpu.memref_slice %arg6[%dma_start3A_52, %multiple_of3A] : memref<64x1000000xf32, #tpu.memory_space<hbm>> -> memref<64x128xf32, #tpu.memory_space<hbm>>
      tpu.enqueue_dma source(%dma_start3A_53 : memref<64x128xf32, #tpu.memory_space<hbm>>) target(%dma_start3A_51 : memref<64x128xf32, #tpu.memory_space<vmem>>) target_semaphore(%dma_start3A_47 : memref<!tpu.dma_semaphore, #tpu.memory_space<semaphore_mem>>)
      %add3A_54 = arith.constant 1 : i32
      %add3A_55 = arith.addi %mul3A_33, %add3A_54 : i32
      %get3A_56 = arith.index_cast %add3A_55 : i32 to index
      %get3A_57 = tpu.vector_load %arg13[%get3A_56] {strides = array<i32>} : memref<528xi32, #tpu.memory_space<vmem>>, vector<16xi32>,
      %slice3A_58 = vector.extract_strided_slice %get3A_57 {offsets = [0], sizes = [1], strides = [1]} : vector<16xi32> to vector<1xi32>
      %squeeze3A_59 = vector.extract %slice3A_58[0] : i32 from vector<1xi32>
      %and3A_60 = arith.constant -128 : i32
      %and3A_61 = arith.andi %squeeze3A_59, %and3A_60 : i32
      %min3A_62 = arith.constant 999808 : i32
      %min3A_63 = arith.minsi %and3A_61, %min3A_62 : i32
      %multiple_of3A_64 = tpu.assume_multiple %min3A_63, 128 : i32
      %dma_start3A_65 = arith.constant 1 : i32
      %dma_start3A_66 = arith.constant 1 : i32
      %dma_start3A_67 = arith.constant 0 : i32
      %dma_start3A_68 = arith.constant 0 : i32
      %dma_start3A_69 = tpu.memref_slice %arg15[%dma_start3A_65, %dma_start3A_67, %dma_start3A_68] : memref<10x64x128xf32, #tpu.memory_space<vmem>> -> memref<1x64x128xf32, #tpu.memory_space<vmem>>
      %dma_start3A_70 = tpu.memref_squeeze %dma_start3A_69 : memref<1x64x128xf32, #tpu.memory_space<vmem>> -> memref<64x128xf32, #tpu.memory_space<vmem>>
      %dma_start3A_71 = arith.constant 0 : i32
      %dma_start3A_72 = tpu.memref_slice %arg6[%dma_start3A_71, %multiple_of3A_64] : memref<64x1000000xf32, #tpu.memory_space<hbm>> -> memref<64x128xf32, #tpu.memory_space<hbm>>
      %dma_start3A_73 = tpu.memref_slice %arg18[%dma_start3A_66] : memref<10x!tpu.dma_semaphore, #tpu.memory_space<semaphore_mem>> -> memref<1x!tpu.dma_semaphore, #tpu.memory_space<semaphore_mem>>
      %dma_start3A_74 = tpu.memref_squeeze %dma_start3A_73 : memref<1x!tpu.dma_semaphore, #tpu.memory_space<semaphore_mem>> -> memref<!tpu.dma_semaphore, #tpu.memory_space<semaphore_mem>>
      %dma_start3A_75 = arith.constant 0 : i32
      %dma_start3A_76 = arith.constant 0 : i32
      %dma_start3A_77 = tpu.memref_slice %arg15[%dma_start3A_65, %dma_start3A_75, %dma_start3A_76] : memref<10x64x128xf32, #tpu.memory_space<vmem>> -> memref<1x64x128xf32, #tpu.memory_space<vmem>>
      %dma_start3A_78 = tpu.memref_squeeze %dma_start3A_77 : memref<1x64x128xf32, #tpu.memory_space<vmem>> -> memref<64x128xf32, #tpu.memory_space<vmem>>
      %dma_start3A_79 = arith.constant 0 : i32
      %dma_start3A_80 = tpu.memref_slice %arg6[%dma_start3A_79, %multiple_of3A_64] : memref<64x1000000xf32, #tpu.memory_space<hbm>> -> memref<64x128xf32, #tpu.memory_space<hbm>>
      tpu.enqueue_dma source(%dma_start3A_80 : memref<64x128xf32, #tpu.memory_space<hbm>>) target(%dma_start3A_78 : memref<64x128xf32, #tpu.memory_space<vmem>>) target_semaphore(%dma_start3A_74 : memref<!tpu.dma_semaphore, #tpu.memory_space<semaphore_mem>>)
      %add3A_81 = arith.constant 2 : i32
      %add3A_82 = arith.addi %mul3A_33, %add3A_81 : i32
      %get3A_83 = arith.index_cast %add3A_82 : i32 to index
      %get3A_84 = tpu.vector_load %arg13[%get3A_83] {strides = array<i32>} : memref<528xi32, #tpu.memory_space<vmem>>, vector<16xi32>,
      %slice3A_85 = vector.extract_strided_slice %get3A_84 {offsets = [0], sizes = [1], strides = [1]} : vector<16xi32> to vector<1xi32>
      %squeeze3A_86 = vector.extract %slice3A_85[0] : i32 from vector<1xi32>
      %and3A_87 = arith.constant -128 : i32
      %and3A_88 = arith.andi %squeeze3A_86, %and3A_87 : i32
      %min3A_89 = arith.constant 999808 : i32
      %min3A_90 = arith.minsi %and3A_88, %min3A_89 : i32
      %multiple_of3A_91 = tpu.assume_multiple %min3A_90, 128 : i32
      %dma_start3A_92 = arith.constant 2 : i32
      %dma_start3A_93 = arith.constant 2 : i32
      %dma_start3A_94 = arith.constant 0 : i32
      %dma_start3A_95 = arith.constant 0 : i32
      %dma_start3A_96 = tpu.memref_slice %arg15[%dma_start3A_92, %dma_start3A_94, %dma_start3A_95] : memref<10x64x128xf32, #tpu.memory_space<vmem>> -> memref<1x64x128xf32, #tpu.memory_space<vmem>>
      %dma_start3A_97 = tpu.memref_squeeze %dma_start3A_96 : memref<1x64x128xf32, #tpu.memory_space<vmem>> -> memref<64x128xf32, #tpu.memory_space<vmem>>
      %dma_start3A_98 = arith.constant 0 : i32
      %dma_start3A_99 = tpu.memref_slice %arg6[%dma_start3A_98, %multiple_of3A_91] : memref<64x1000000xf32, #tpu.memory_space<hbm>> -> memref<64x128xf32, #tpu.memory_space<hbm>>
      %dma_start3A_100 = tpu.memref_slice %arg18[%dma_start3A_93] : memref<10x!tpu.dma_semaphore, #tpu.memory_space<semaphore_mem>> -> memref<1x!tpu.dma_semaphore, #tpu.memory_space<semaphore_mem>>
      %dma_start3A_101 = tpu.memref_squeeze %dma_start3A_100 : memref<1x!tpu.dma_semaphore, #tpu.memory_space<semaphore_mem>> -> memref<!tpu.dma_semaphore, #tpu.memory_space<semaphore_mem>>
      %dma_start3A_102 = arith.constant 0 : i32
      %dma_start3A_103 = arith.constant 0 : i32
      %dma_start3A_104 = tpu.memref_slice %arg15[%dma_start3A_92, %dma_start3A_102, %dma_start3A_103] : memref<10x64x128xf32, #tpu.memory_space<vmem>> -> memref<1x64x128xf32, #tpu.memory_space<vmem>>
      %dma_start3A_105 = tpu.memref_squeeze %dma_start3A_104 : memref<1x64x128xf32, #tpu.memory_space<vmem>> -> memref<64x128xf32, #tpu.memory_space<vmem>>
      %dma_start3A_106 = arith.constant 0 : i32
      %dma_start3A_107 = tpu.memref_slice %arg6[%dma_start3A_106, %multiple_of3A_91] : memref<64x1000000xf32, #tpu.memory_space<hbm>> -> memref<64x128xf32, #tpu.memory_space<hbm>>
      tpu.enqueue_dma source(%dma_start3A_107 : memref<64x128xf32, #tpu.memory_space<hbm>>) target(%dma_start3A_105 : memref<64x128xf32, #tpu.memory_space<vmem>>) target_semaphore(%dma_start3A_101 : memref<!tpu.dma_semaphore, #tpu.memory_space<semaphore_mem>>)
      %add3A_108 = arith.constant 3 : i32
      %add3A_109 = arith.addi %mul3A_33, %add3A_108 : i32
      %get3A_110 = arith.index_cast %add3A_109 : i32 to index
      %get3A_111 = tpu.vector_load %arg13[%get3A_110] {strides = array<i32>} : memref<528xi32, #tpu.memory_space<vmem>>, vector<16xi32>,
      %slice3A_112 = vector.extract_strided_slice %get3A_111 {offsets = [0], sizes = [1], strides = [1]} : vector<16xi32> to vector<1xi32>
      %squeeze3A_113 = vector.extract %slice3A_112[0] : i32 from vector<1xi32>
      %and3A_114 = arith.constant -128 : i32
      %and3A_115 = arith.andi %squeeze3A_113, %and3A_114 : i32
      %min3A_116 = arith.constant 999808 : i32
      %min3A_117 = arith.minsi %and3A_115, %min3A_116 : i32
      %multiple_of3A_118 = tpu.assume_multiple %min3A_117, 128 : i32
      %dma_start3A_119 = arith.constant 3 : i32
      %dma_start3A_120 = arith.constant 3 : i32
      %dma_start3A_121 = arith.constant 0 : i32
      %dma_start3A_122 = arith.constant 0 : i32
      %dma_start3A_123 = tpu.memref_slice %arg15[%dma_start3A_119, %dma_start3A_121, %dma_start3A_122] : memref<10x64x128xf32, #tpu.memory_space<vmem>> -> memref<1x64x128xf32, #tpu.memory_space<vmem>>
      %dma_start3A_124 = tpu.memref_squeeze %dma_start3A_123 : memref<1x64x128xf32, #tpu.memory_space<vmem>> -> memref<64x128xf32, #tpu.memory_space<vmem>>
      %dma_start3A_125 = arith.constant 0 : i32
      %dma_start3A_126 = tpu.memref_slice %arg6[%dma_start3A_125, %multiple_of3A_118] : memref<64x1000000xf32, #tpu.memory_space<hbm>> -> memref<64x128xf32, #tpu.memory_space<hbm>>
      %dma_start3A_127 = tpu.memref_slice %arg18[%dma_start3A_120] : memref<10x!tpu.dma_semaphore, #tpu.memory_space<semaphore_mem>> -> memref<1x!tpu.dma_semaphore, #tpu.memory_space<semaphore_mem>>
      %dma_start3A_128 = tpu.memref_squeeze %dma_start3A_127 : memref<1x!tpu.dma_semaphore, #tpu.memory_space<semaphore_mem>> -> memref<!tpu.dma_semaphore, #tpu.memory_space<semaphore_mem>>
      %dma_start3A_129 = arith.constant 0 : i32
      %dma_start3A_130 = arith.constant 0 : i32
      %dma_start3A_131 = tpu.memref_slice %arg15[%dma_start3A_119, %dma_start3A_129, %dma_start3A_130] : memref<10x64x128xf32, #tpu.memory_space<vmem>> -> memref<1x64x128xf32, #tpu.memory_space<vmem>>
      %dma_start3A_132 = tpu.memref_squeeze %dma_start3A_131 : memref<1x64x128xf32, #tpu.memory_space<vmem>> -> memref<64x128xf32, #tpu.memory_space<vmem>>
      %dma_start3A_133 = arith.constant 0 : i32
      %dma_start3A_134 = tpu.memref_slice %arg6[%dma_start3A_133, %multiple_of3A_118] : memref<64x1000000xf32, #tpu.memory_space<hbm>> -> memref<64x128xf32, #tpu.memory_space<hbm>>
      tpu.enqueue_dma source(%dma_start3A_134 : memref<64x128xf32, #tpu.memory_space<hbm>>) target(%dma_start3A_132 : memref<64x128xf32, #tpu.memory_space<vmem>>) target_semaphore(%dma_start3A_128 : memref<!tpu.dma_semaphore, #tpu.memory_space<semaphore_mem>>)
      %add3A_135 = arith.constant 4 : i32
      %add3A_136 = arith.addi %mul3A_33, %add3A_135 : i32
      %get3A_137 = arith.index_cast %add3A_136 : i32 to index
      %get3A_138 = tpu.vector_load %arg13[%get3A_137] {strides = array<i32>} : memref<528xi32, #tpu.memory_space<vmem>>, vector<16xi32>,
      %slice3A_139 = vector.extract_strided_slice %get3A_138 {offsets = [0], sizes = [1], strides = [1]} : vector<16xi32> to vector<1xi32>
      %squeeze3A_140 = vector.extract %slice3A_139[0] : i32 from vector<1xi32>
      %and3A_141 = arith.constant -128 : i32
      %and3A_142 = arith.andi %squeeze3A_140, %and3A_141 : i32
      %min3A_143 = arith.constant 999808 : i32
      %min3A_144 = arith.minsi %and3A_142, %min3A_143 : i32
      %multiple_of3A_145 = tpu.assume_multiple %min3A_144, 128 : i32
      %dma_start3A_146 = arith.constant 4 : i32
      %dma_start3A_147 = arith.constant 4 : i32
      %dma_start3A_148 = arith.constant 0 : i32
      %dma_start3A_149 = arith.constant 0 : i32
      %dma_start3A_150 = tpu.memref_slice %arg15[%dma_start3A_146, %dma_start3A_148, %dma_start3A_149] : memref<10x64x128xf32, #tpu.memory_space<vmem>> -> memref<1x64x128xf32, #tpu.memory_space<vmem>>
      %dma_start3A_151 = tpu.memref_squeeze %dma_start3A_150 : memref<1x64x128xf32, #tpu.memory_space<vmem>> -> memref<64x128xf32, #tpu.memory_space<vmem>>
      %dma_start3A_152 = arith.constant 0 : i32
      %dma_start3A_153 = tpu.memref_slice %arg6[%dma_start3A_152, %multiple_of3A_145] : memref<64x1000000xf32, #tpu.memory_space<hbm>> -> memref<64x128xf32, #tpu.memory_space<hbm>>
      %dma_start3A_154 = tpu.memref_slice %arg18[%dma_start3A_147] : memref<10x!tpu.dma_semaphore, #tpu.memory_space<semaphore_mem>> -> memref<1x!tpu.dma_semaphore, #tpu.memory_space<semaphore_mem>>
      %dma_start3A_155 = tpu.memref_squeeze %dma_start3A_154 : memref<1x!tpu.dma_semaphore, #tpu.memory_space<semaphore_mem>> -> memref<!tpu.dma_semaphore, #tpu.memory_space<semaphore_mem>>
      %dma_start3A_156 = arith.constant 0 : i32
      %dma_start3A_157 = arith.constant 0 : i32
      %dma_start3A_158 = tpu.memref_slice %arg15[%dma_start3A_146, %dma_start3A_156, %dma_start3A_157] : memref<10x64x128xf32, #tpu.memory_space<vmem>> -> memref<1x64x128xf32, #tpu.memory_space<vmem>>
      %dma_start3A_159 = tpu.memref_squeeze %dma_start3A_158 : memref<1x64x128xf32, #tpu.memory_space<vmem>> -> memref<64x128xf32, #tpu.memory_space<vmem>>
      %dma_start3A_160 = arith.constant 0 : i32
      %dma_start3A_161 = tpu.memref_slice %arg6[%dma_start3A_160, %multiple_of3A_145] : memref<64x1000000xf32, #tpu.memory_space<hbm>> -> memref<64x128xf32, #tpu.memory_space<hbm>>
      tpu.enqueue_dma source(%dma_start3A_161 : memref<64x128xf32, #tpu.memory_space<hbm>>) target(%dma_start3A_159 : memref<64x128xf32, #tpu.memory_space<vmem>>) target_semaphore(%dma_start3A_155 : memref<!tpu.dma_semaphore, #tpu.memory_space<semaphore_mem>>)
      %add3A_162 = arith.constant 5 : i32
      %add3A_163 = arith.addi %mul3A_33, %add3A_162 : i32
      %get3A_164 = arith.index_cast %add3A_163 : i32 to index
      %get3A_165 = tpu.vector_load %arg13[%get3A_164] {strides = array<i32>} : memref<528xi32, #tpu.memory_space<vmem>>, vector<16xi32>,
      %slice3A_166 = vector.extract_strided_slice %get3A_165 {offsets = [0], sizes = [1], strides = [1]} : vector<16xi32> to vector<1xi32>
      %squeeze3A_167 = vector.extract %slice3A_166[0] : i32 from vector<1xi32>
      %and3A_168 = arith.constant -128 : i32
      %and3A_169 = arith.andi %squeeze3A_167, %and3A_168 : i32
      %min3A_170 = arith.constant 999808 : i32
      %min3A_171 = arith.minsi %and3A_169, %min3A_170 : i32
      %multiple_of3A_172 = tpu.assume_multiple %min3A_171, 128 : i32
      %dma_start3A_173 = arith.constant 5 : i32
      %dma_start3A_174 = arith.constant 5 : i32
      %dma_start3A_175 = arith.constant 0 : i32
      %dma_start3A_176 = arith.constant 0 : i32
      %dma_start3A_177 = tpu.memref_slice %arg15[%dma_start3A_173, %dma_start3A_175, %dma_start3A_176] : memref<10x64x128xf32, #tpu.memory_space<vmem>> -> memref<1x64x128xf32, #tpu.memory_space<vmem>>
      %dma_start3A_178 = tpu.memref_squeeze %dma_start3A_177 : memref<1x64x128xf32, #tpu.memory_space<vmem>> -> memref<64x128xf32, #tpu.memory_space<vmem>>
      %dma_start3A_179 = arith.constant 0 : i32
      %dma_start3A_180 = tpu.memref_slice %arg6[%dma_start3A_179, %multiple_of3A_172] : memref<64x1000000xf32, #tpu.memory_space<hbm>> -> memref<64x128xf32, #tpu.memory_space<hbm>>
      %dma_start3A_181 = tpu.memref_slice %arg18[%dma_start3A_174] : memref<10x!tpu.dma_semaphore, #tpu.memory_space<semaphore_mem>> -> memref<1x!tpu.dma_semaphore, #tpu.memory_space<semaphore_mem>>
      %dma_start3A_182 = tpu.memref_squeeze %dma_start3A_181 : memref<1x!tpu.dma_semaphore, #tpu.memory_space<semaphore_mem>> -> memref<!tpu.dma_semaphore, #tpu.memory_space<semaphore_mem>>
      %dma_start3A_183 = arith.constant 0 : i32
      %dma_start3A_184 = arith.constant 0 : i32
      %dma_start3A_185 = tpu.memref_slice %arg15[%dma_start3A_173, %dma_start3A_183, %dma_start3A_184] : memref<10x64x128xf32, #tpu.memory_space<vmem>> -> memref<1x64x128xf32, #tpu.memory_space<vmem>>
      %dma_start3A_186 = tpu.memref_squeeze %dma_start3A_185 : memref<1x64x128xf32, #tpu.memory_space<vmem>> -> memref<64x128xf32, #tpu.memory_space<vmem>>
      %dma_start3A_187 = arith.constant 0 : i32
      %dma_start3A_188 = tpu.memref_slice %arg6[%dma_start3A_187, %multiple_of3A_172] : memref<64x1000000xf32, #tpu.memory_space<hbm>> -> memref<64x128xf32, #tpu.memory_space<hbm>>
      tpu.enqueue_dma source(%dma_start3A_188 : memref<64x128xf32, #tpu.memory_space<hbm>>) target(%dma_start3A_186 : memref<64x128xf32, #tpu.memory_space<vmem>>) target_semaphore(%dma_start3A_182 : memref<!tpu.dma_semaphore, #tpu.memory_space<semaphore_mem>>)
      %add3A_189 = arith.constant 6 : i32
      %add3A_190 = arith.addi %mul3A_33, %add3A_189 : i32
      %get3A_191 = arith.index_cast %add3A_190 : i32 to index
      %get3A_192 = tpu.vector_load %arg13[%get3A_191] {strides = array<i32>} : memref<528xi32, #tpu.memory_space<vmem>>, vector<16xi32>,
      %slice3A_193 = vector.extract_strided_slice %get3A_192 {offsets = [0], sizes = [1], strides = [1]} : vector<16xi32> to vector<1xi32>
      %squeeze3A_194 = vector.extract %slice3A_193[0] : i32 from vector<1xi32>
      %and3A_195 = arith.constant -128 : i32
      %and3A_196 = arith.andi %squeeze3A_194, %and3A_195 : i32
      %min3A_197 = arith.constant 999808 : i32
      %min3A_198 = arith.minsi %and3A_196, %min3A_197 : i32
      %multiple_of3A_199 = tpu.assume_multiple %min3A_198, 128 : i32
      %dma_start3A_200 = arith.constant 6 : i32
      %dma_start3A_201 = arith.constant 6 : i32
      %dma_start3A_202 = arith.constant 0 : i32
      %dma_start3A_203 = arith.constant 0 : i32
      %dma_start3A_204 = tpu.memref_slice %arg15[%dma_start3A_200, %dma_start3A_202, %dma_start3A_203] : memref<10x64x128xf32, #tpu.memory_space<vmem>> -> memref<1x64x128xf32, #tpu.memory_space<vmem>>
      %dma_start3A_205 = tpu.memref_squeeze %dma_start3A_204 : memref<1x64x128xf32, #tpu.memory_space<vmem>> -> memref<64x128xf32, #tpu.memory_space<vmem>>
      %dma_start3A_206 = arith.constant 0 : i32
      %dma_start3A_207 = tpu.memref_slice %arg6[%dma_start3A_206, %multiple_of3A_199] : memref<64x1000000xf32, #tpu.memory_space<hbm>> -> memref<64x128xf32, #tpu.memory_space<hbm>>
      %dma_start3A_208 = tpu.memref_slice %arg18[%dma_start3A_201] : memref<10x!tpu.dma_semaphore, #tpu.memory_space<semaphore_mem>> -> memref<1x!tpu.dma_semaphore, #tpu.memory_space<semaphore_mem>>
      %dma_start3A_209 = tpu.memref_squeeze %dma_start3A_208 : memref<1x!tpu.dma_semaphore, #tpu.memory_space<semaphore_mem>> -> memref<!tpu.dma_semaphore, #tpu.memory_space<semaphore_mem>>
      %dma_start3A_210 = arith.constant 0 : i32
      %dma_start3A_211 = arith.constant 0 : i32
      %dma_start3A_212 = tpu.memref_slice %arg15[%dma_start3A_200, %dma_start3A_210, %dma_start3A_211] : memref<10x64x128xf32, #tpu.memory_space<vmem>> -> memref<1x64x128xf32, #tpu.memory_space<vmem>>
      %dma_start3A_213 = tpu.memref_squeeze %dma_start3A_212 : memref<1x64x128xf32, #tpu.memory_space<vmem>> -> memref<64x128xf32, #tpu.memory_space<vmem>>
      %dma_start3A_214 = arith.constant 0 : i32
      %dma_start3A_215 = tpu.memref_slice %arg6[%dma_start3A_214, %multiple_of3A_199] : memref<64x1000000xf32, #tpu.memory_space<hbm>> -> memref<64x128xf32, #tpu.memory_space<hbm>>
      tpu.enqueue_dma source(%dma_start3A_215 : memref<64x128xf32, #tpu.memory_space<hbm>>) target(%dma_start3A_213 : memref<64x128xf32, #tpu.memory_space<vmem>>) target_semaphore(%dma_start3A_209 : memref<!tpu.dma_semaphore, #tpu.memory_space<semaphore_mem>>)
      %add3A_216 = arith.constant 7 : i32
      %add3A_217 = arith.addi %mul3A_33, %add3A_216 : i32
      %get3A_218 = arith.index_cast %add3A_217 : i32 to index
      %get3A_219 = tpu.vector_load %arg13[%get3A_218] {strides = array<i32>} : memref<528xi32, #tpu.memory_space<vmem>>, vector<16xi32>,
      %slice3A_220 = vector.extract_strided_slice %get3A_219 {offsets = [0], sizes = [1], strides = [1]} : vector<16xi32> to vector<1xi32>
      %squeeze3A_221 = vector.extract %slice3A_220[0] : i32 from vector<1xi32>
      %and3A_222 = arith.constant -128 : i32
      %and3A_223 = arith.andi %squeeze3A_221, %and3A_222 : i32
      %min3A_224 = arith.constant 999808 : i32
      %min3A_225 = arith.minsi %and3A_223, %min3A_224 : i32
      %multiple_of3A_226 = tpu.assume_multiple %min3A_225, 128 : i32
      %dma_start3A_227 = arith.constant 7 : i32
      %dma_start3A_228 = arith.constant 7 : i32
      %dma_start3A_229 = arith.constant 0 : i32
      %dma_start3A_230 = arith.constant 0 : i32
      %dma_start3A_231 = tpu.memref_slice %arg15[%dma_start3A_227, %dma_start3A_229, %dma_start3A_230] : memref<10x64x128xf32, #tpu.memory_space<vmem>> -> memref<1x64x128xf32, #tpu.memory_space<vmem>>
      %dma_start3A_232 = tpu.memref_squeeze %dma_start3A_231 : memref<1x64x128xf32, #tpu.memory_space<vmem>> -> memref<64x128xf32, #tpu.memory_space<vmem>>
      %dma_start3A_233 = arith.constant 0 : i32
      %dma_start3A_234 = tpu.memref_slice %arg6[%dma_start3A_233, %multiple_of3A_226] : memref<64x1000000xf32, #tpu.memory_space<hbm>> -> memref<64x128xf32, #tpu.memory_space<hbm>>
      %dma_start3A_235 = tpu.memref_slice %arg18[%dma_start3A_228] : memref<10x!tpu.dma_semaphore, #tpu.memory_space<semaphore_mem>> -> memref<1x!tpu.dma_semaphore, #tpu.memory_space<semaphore_mem>>
      %dma_start3A_236 = tpu.memref_squeeze %dma_start3A_235 : memref<1x!tpu.dma_semaphore, #tpu.memory_space<semaphore_mem>> -> memref<!tpu.dma_semaphore, #tpu.memory_space<semaphore_mem>>
      %dma_start3A_237 = arith.constant 0 : i32
      %dma_start3A_238 = arith.constant 0 : i32
      %dma_start3A_239 = tpu.memref_slice %arg15[%dma_start3A_227, %dma_start3A_237, %dma_start3A_238] : memref<10x64x128xf32, #tpu.memory_space<vmem>> -> memref<1x64x128xf32, #tpu.memory_space<vmem>>
      %dma_start3A_240 = tpu.memref_squeeze %dma_start3A_239 : memref<1x64x128xf32, #tpu.memory_space<vmem>> -> memref<64x128xf32, #tpu.memory_space<vmem>>
      %dma_start3A_241 = arith.constant 0 : i32
      %dma_start3A_242 = tpu.memref_slice %arg6[%dma_start3A_241, %multiple_of3A_226] : memref<64x1000000xf32, #tpu.memory_space<hbm>> -> memref<64x128xf32, #tpu.memory_space<hbm>>
      tpu.enqueue_dma source(%dma_start3A_242 : memref<64x128xf32, #tpu.memory_space<hbm>>) target(%dma_start3A_240 : memref<64x128xf32, #tpu.memory_space<vmem>>) target_semaphore(%dma_start3A_236 : memref<!tpu.dma_semaphore, #tpu.memory_space<semaphore_mem>>)
      %add3A_243 = arith.constant 8 : i32
      %add3A_244 = arith.addi %mul3A_33, %add3A_243 : i32
      %get3A_245 = arith.index_cast %add3A_244 : i32 to index
      %get3A_246 = tpu.vector_load %arg13[%get3A_245] {strides = array<i32>} : memref<528xi32, #tpu.memory_space<vmem>>, vector<16xi32>,
      %slice3A_247 = vector.extract_strided_slice %get3A_246 {offsets = [0], sizes = [1], strides = [1]} : vector<16xi32> to vector<1xi32>
      %squeeze3A_248 = vector.extract %slice3A_247[0] : i32 from vector<1xi32>
      %and3A_249 = arith.constant -128 : i32
      %and3A_250 = arith.andi %squeeze3A_248, %and3A_249 : i32
      %min3A_251 = arith.constant 999808 : i32
      %min3A_252 = arith.minsi %and3A_250, %min3A_251 : i32
      %multiple_of3A_253 = tpu.assume_multiple %min3A_252, 128 : i32
      %dma_start3A_254 = arith.constant 8 : i32
      %dma_start3A_255 = arith.constant 8 : i32
      %dma_start3A_256 = arith.constant 0 : i32
      %dma_start3A_257 = arith.constant 0 : i32
      %dma_start3A_258 = tpu.memref_slice %arg15[%dma_start3A_254, %dma_start3A_256, %dma_start3A_257] : memref<10x64x128xf32, #tpu.memory_space<vmem>> -> memref<1x64x128xf32, #tpu.memory_space<vmem>>
      %dma_start3A_259 = tpu.memref_squeeze %dma_start3A_258 : memref<1x64x128xf32, #tpu.memory_space<vmem>> -> memref<64x128xf32, #tpu.memory_space<vmem>>
      %dma_start3A_260 = arith.constant 0 : i32
      %dma_start3A_261 = tpu.memref_slice %arg6[%dma_start3A_260, %multiple_of3A_253] : memref<64x1000000xf32, #tpu.memory_space<hbm>> -> memref<64x128xf32, #tpu.memory_space<hbm>>
      %dma_start3A_262 = tpu.memref_slice %arg18[%dma_start3A_255] : memref<10x!tpu.dma_semaphore, #tpu.memory_space<semaphore_mem>> -> memref<1x!tpu.dma_semaphore, #tpu.memory_space<semaphore_mem>>
      %dma_start3A_263 = tpu.memref_squeeze %dma_start3A_262 : memref<1x!tpu.dma_semaphore, #tpu.memory_space<semaphore_mem>> -> memref<!tpu.dma_semaphore, #tpu.memory_space<semaphore_mem>>
      %dma_start3A_264 = arith.constant 0 : i32
      %dma_start3A_265 = arith.constant 0 : i32
      %dma_start3A_266 = tpu.memref_slice %arg15[%dma_start3A_254, %dma_start3A_264, %dma_start3A_265] : memref<10x64x128xf32, #tpu.memory_space<vmem>> -> memref<1x64x128xf32, #tpu.memory_space<vmem>>
      %dma_start3A_267 = tpu.memref_squeeze %dma_start3A_266 : memref<1x64x128xf32, #tpu.memory_space<vmem>> -> memref<64x128xf32, #tpu.memory_space<vmem>>
      %dma_start3A_268 = arith.constant 0 : i32
      %dma_start3A_269 = tpu.memref_slice %arg6[%dma_start3A_268, %multiple_of3A_253] : memref<64x1000000xf32, #tpu.memory_space<hbm>> -> memref<64x128xf32, #tpu.memory_space<hbm>>
      tpu.enqueue_dma source(%dma_start3A_269 : memref<64x128xf32, #tpu.memory_space<hbm>>) target(%dma_start3A_267 : memref<64x128xf32, #tpu.memory_space<vmem>>) target_semaphore(%dma_start3A_263 : memref<!tpu.dma_semaphore, #tpu.memory_space<semaphore_mem>>)
      %add3A_270 = arith.constant 9 : i32
      %add3A_271 = arith.addi %mul3A_33, %add3A_270 : i32
      %get3A_272 = arith.index_cast %add3A_271 : i32 to index
      %get3A_273 = tpu.vector_load %arg13[%get3A_272] {strides = array<i32>} : memref<528xi32, #tpu.memory_space<vmem>>, vector<16xi32>,
      %slice3A_274 = vector.extract_strided_slice %get3A_273 {offsets = [0], sizes = [1], strides = [1]} : vector<16xi32> to vector<1xi32>
      %squeeze3A_275 = vector.extract %slice3A_274[0] : i32 from vector<1xi32>
      %and3A_276 = arith.constant -128 : i32
      %and3A_277 = arith.andi %squeeze3A_275, %and3A_276 : i32
      %min3A_278 = arith.constant 999808 : i32
      %min3A_279 = arith.minsi %and3A_277, %min3A_278 : i32
      %multiple_of3A_280 = tpu.assume_multiple %min3A_279, 128 : i32
      %dma_start3A_281 = arith.constant 9 : i32
      %dma_start3A_282 = arith.constant 9 : i32
      %dma_start3A_283 = arith.constant 0 : i32
      %dma_start3A_284 = arith.constant 0 : i32
      %dma_start3A_285 = tpu.memref_slice %arg15[%dma_start3A_281, %dma_start3A_283, %dma_start3A_284] : memref<10x64x128xf32, #tpu.memory_space<vmem>> -> memref<1x64x128xf32, #tpu.memory_space<vmem>>
      %dma_start3A_286 = tpu.memref_squeeze %dma_start3A_285 : memref<1x64x128xf32, #tpu.memory_space<vmem>> -> memref<64x128xf32, #tpu.memory_space<vmem>>
      %dma_start3A_287 = arith.constant 0 : i32
      %dma_start3A_288 = tpu.memref_slice %arg6[%dma_start3A_287, %multiple_of3A_280] : memref<64x1000000xf32, #tpu.memory_space<hbm>> -> memref<64x128xf32, #tpu.memory_space<hbm>>
      %dma_start3A_289 = tpu.memref_slice %arg18[%dma_start3A_282] : memref<10x!tpu.dma_semaphore, #tpu.memory_space<semaphore_mem>> -> memref<1x!tpu.dma_semaphore, #tpu.memory_space<semaphore_mem>>
      %dma_start3A_290 = tpu.memref_squeeze %dma_start3A_289 : memref<1x!tpu.dma_semaphore, #tpu.memory_space<semaphore_mem>> -> memref<!tpu.dma_semaphore, #tpu.memory_space<semaphore_mem>>
      %dma_start3A_291 = arith.constant 0 : i32
      %dma_start3A_292 = arith.constant 0 : i32
      %dma_start3A_293 = tpu.memref_slice %arg15[%dma_start3A_281, %dma_start3A_291, %dma_start3A_292] : memref<10x64x128xf32, #tpu.memory_space<vmem>> -> memref<1x64x128xf32, #tpu.memory_space<vmem>>
      %dma_start3A_294 = tpu.memref_squeeze %dma_start3A_293 : memref<1x64x128xf32, #tpu.memory_space<vmem>> -> memref<64x128xf32, #tpu.memory_space<vmem>>
      %dma_start3A_295 = arith.constant 0 : i32
      %dma_start3A_296 = tpu.memref_slice %arg6[%dma_start3A_295, %multiple_of3A_280] : memref<64x1000000xf32, #tpu.memory_space<hbm>> -> memref<64x128xf32, #tpu.memory_space<hbm>>
      tpu.enqueue_dma source(%dma_start3A_296 : memref<64x128xf32, #tpu.memory_space<hbm>>) target(%dma_start3A_294 : memref<64x128xf32, #tpu.memory_space<vmem>>) target_semaphore(%dma_start3A_290 : memref<!tpu.dma_semaphore, #tpu.memory_space<semaphore_mem>>)
      %scan3A_297 = arith.constant 0 : i32
      %scan3A_298 = arith.constant 0 : i32
      %scan3A_299 = arith.constant 64 : i32
      %scan3A_300 = arith.addi %scan3A_298, %scan3A_299 : i32
      %scan3A_301 = arith.constant 1 : i32
      %scan3A_302 = scf.for %scan3A_307 = %scan3A_298 to %scan3A_300 step %scan3A_301 iter_args(%scan3A_308 = %scan3A_297) -> (i32)  : i32 {
        %rem3A = arith.constant 10 : i32
        %rem3A_309 = arith.remsi %scan3A_307, %rem3A : i32
        %add3A_310 = arith.addi %mul3A_33, %scan3A_307 : i32
        %get3A_311 = arith.index_cast %add3A_310 : i32 to index
        %get3A_312 = tpu.vector_load %arg13[%get3A_311] {strides = array<i32>} : memref<528xi32, #tpu.memory_space<vmem>>, vector<16xi32>,
        %slice3A_313 = vector.extract_strided_slice %get3A_312 {offsets = [0], sizes = [1], strides = [1]} : vector<16xi32> to vector<1xi32>
        %squeeze3A_314 = vector.extract %slice3A_313[0] : i32 from vector<1xi32>
        %and3A_315 = arith.constant -128 : i32
        %and3A_316 = arith.andi %squeeze3A_314, %and3A_315 : i32
        %min3A_317 = arith.constant 999808 : i32
        %min3A_318 = arith.minsi %and3A_316, %min3A_317 : i32
        %multiple_of3A_319 = tpu.assume_multiple %min3A_318, 128 : i32
        %dma_wait3A = arith.constant 0 : i32
        %dma_wait3A_320 = arith.constant 0 : i32
        %dma_wait3A_321 = tpu.memref_slice %arg15[%rem3A_309, %dma_wait3A, %dma_wait3A_320] : memref<10x64x128xf32, #tpu.memory_space<vmem>> -> memref<1x64x128xf32, #tpu.memory_space<vmem>>
        %dma_wait3A_322 = tpu.memref_squeeze %dma_wait3A_321 : memref<1x64x128xf32, #tpu.memory_space<vmem>> -> memref<64x128xf32, #tpu.memory_space<vmem>>
        %dma_wait3A_323 = arith.constant 0 : i32
        %dma_wait3A_324 = tpu.memref_slice %arg6[%dma_wait3A_323, %multiple_of3A_319] : memref<64x1000000xf32, #tpu.memory_space<hbm>> -> memref<64x128xf32, #tpu.memory_space<hbm>>
        %dma_wait3A_325 = tpu.memref_slice %arg18[%rem3A_309] : memref<10x!tpu.dma_semaphore, #tpu.memory_space<semaphore_mem>> -> memref<1x!tpu.dma_semaphore, #tpu.memory_space<semaphore_mem>>
        %dma_wait3A_326 = tpu.memref_squeeze %dma_wait3A_325 : memref<1x!tpu.dma_semaphore, #tpu.memory_space<semaphore_mem>> -> memref<!tpu.dma_semaphore, #tpu.memory_space<semaphore_mem>>
        %dma_wait3A_327 = arith.constant 0 : i32
        %dma_wait3A_328 = arith.constant 0 : i32
        %dma_wait3A_329 = tpu.memref_slice %arg15[%rem3A_309, %dma_wait3A_327, %dma_wait3A_328] : memref<10x64x128xf32, #tpu.memory_space<vmem>> -> memref<1x64x128xf32, #tpu.memory_space<vmem>>
        %dma_wait3A_330 = tpu.memref_squeeze %dma_wait3A_329 : memref<1x64x128xf32, #tpu.memory_space<vmem>> -> memref<64x128xf32, #tpu.memory_space<vmem>>
        %dma_wait3A_331 = arith.constant 0 : i32
        %dma_wait3A_332 = tpu.memref_slice %arg6[%dma_wait3A_331, %multiple_of3A_319] : memref<64x1000000xf32, #tpu.memory_space<hbm>> -> memref<64x128xf32, #tpu.memory_space<hbm>>
        tpu.wait_dma2 semaphore(%dma_wait3A_326 : memref<!tpu.dma_semaphore, #tpu.memory_space<semaphore_mem>>) src(%dma_wait3A_332 : memref<64x128xf32, #tpu.memory_space<hbm>>) dst(%dma_wait3A_330 : memref<64x128xf32, #tpu.memory_space<vmem>>)
        %lt3A = arith.constant 999936 : i32
        %lt3A_333 = arith.cmpi slt, %squeeze3A_314, %lt3A : i32
        %convert_element_type3A = arith.extui %lt3A_333 : i1 to i32
        %cond3A = arith.constant 0 : i32
        %cond3A_334 = arith.cmpi ne, %convert_element_type3A, %cond3A : i32
        scf.if %cond3A_334 {
          %sub3A = arith.subi %squeeze3A_314, %multiple_of3A_319 : i32
          %iota3A = tpu.iota {dimensions = array<i32: 0>} : vector<16xi32>
          %broadcast_in_dim3A = vector.broadcast %sub3A : i32 to vector<16xi32>
          %broadcast_in_dim3A_347 = vector.broadcast %scan3A_307 : i32 to vector<16xi32>
          %add3A_348 = arith.constant 0 : i32
          %add3A_349 = vector.broadcast %add3A_348 : i32 to vector<16xi32>
          %add3A_350 = arith.addi %iota3A, %add3A_349 : vector<16xi32>
          %gather3A = arith.constant 0 : i32
          %gather3A_351 = arith.constant 0 : i32
          %gather3A_352 = tpu.memref_slice %arg15[%rem3A_309, %gather3A, %gather3A_351] : memref<10x64x128xf32, #tpu.memory_space<vmem>> -> memref<1x64x128xf32, #tpu.memory_space<vmem>>
          %gather3A_353 = tpu.memref_squeeze %gather3A_352 : memref<1x64x128xf32, #tpu.memory_space<vmem>> -> memref<64x128xf32, #tpu.memory_space<vmem>>
          %gather3A_354 = tpu.vector_load_idx %gather3A_353[%add3A_350, %broadcast_in_dim3A] : memref<64x128xf32, #tpu.memory_space<vmem>>[vector<16xi32>, vector<16xi32>], vector<16xf32>,
          %add3A_355 = arith.constant 0 : i32
          %add3A_356 = vector.broadcast %add3A_355 : i32 to vector<16xi32>
          %add3A_357 = arith.addi %iota3A, %add3A_356 : vector<16xi32>
          tpu.vector_store_idx %arg16[%broadcast_in_dim3A_347, %add3A_357], %gather3A_354 : memref<64x128xf32, #tpu.memory_space<vmem>>[vector<16xi32>, vector<16xi32>], vector<16xf32>,
          %add3A_358 = arith.constant 16 : i32
          %add3A_359 = vector.broadcast %add3A_358 : i32 to vector<16xi32>
          %add3A_360 = arith.addi %iota3A, %add3A_359 : vector<16xi32>
          %gather3A_361 = arith.constant 0 : i32
          %gather3A_362 = arith.constant 0 : i32
          %gather3A_363 = tpu.memref_slice %arg15[%rem3A_309, %gather3A_361, %gather3A_362] : memref<10x64x128xf32, #tpu.memory_space<vmem>> -> memref<1x64x128xf32, #tpu.memory_space<vmem>>
          %gather3A_364 = tpu.memref_squeeze %gather3A_363 : memref<1x64x128xf32, #tpu.memory_space<vmem>> -> memref<64x128xf32, #tpu.memory_space<vmem>>
          %gather3A_365 = tpu.vector_load_idx %gather3A_364[%add3A_360, %broadcast_in_dim3A] : memref<64x128xf32, #tpu.memory_space<vmem>>[vector<16xi32>, vector<16xi32>], vector<16xf32>,
          %add3A_366 = arith.constant 16 : i32
          %add3A_367 = vector.broadcast %add3A_366 : i32 to vector<16xi32>
          %add3A_368 = arith.addi %iota3A, %add3A_367 : vector<16xi32>
          tpu.vector_store_idx %arg16[%broadcast_in_dim3A_347, %add3A_368], %gather3A_365 : memref<64x128xf32, #tpu.memory_space<vmem>>[vector<16xi32>, vector<16xi32>], vector<16xf32>,
          %add3A_369 = arith.constant 32 : i32
          %add3A_370 = vector.broadcast %add3A_369 : i32 to vector<16xi32>
          %add3A_371 = arith.addi %iota3A, %add3A_370 : vector<16xi32>
          %gather3A_372 = arith.constant 0 : i32
          %gather3A_373 = arith.constant 0 : i32
          %gather3A_374 = tpu.memref_slice %arg15[%rem3A_309, %gather3A_372, %gather3A_373] : memref<10x64x128xf32, #tpu.memory_space<vmem>> -> memref<1x64x128xf32, #tpu.memory_space<vmem>>
          %gather3A_375 = tpu.memref_squeeze %gather3A_374 : memref<1x64x128xf32, #tpu.memory_space<vmem>> -> memref<64x128xf32, #tpu.memory_space<vmem>>
          %gather3A_376 = tpu.vector_load_idx %gather3A_375[%add3A_371, %broadcast_in_dim3A] : memref<64x128xf32, #tpu.memory_space<vmem>>[vector<16xi32>, vector<16xi32>], vector<16xf32>,
          %add3A_377 = arith.constant 32 : i32
          %add3A_378 = vector.broadcast %add3A_377 : i32 to vector<16xi32>
          %add3A_379 = arith.addi %iota3A, %add3A_378 : vector<16xi32>
          tpu.vector_store_idx %arg16[%broadcast_in_dim3A_347, %add3A_379], %gather3A_376 : memref<64x128xf32, #tpu.memory_space<vmem>>[vector<16xi32>, vector<16xi32>], vector<16xf32>,
          %add3A_380 = arith.constant 48 : i32
          %add3A_381 = vector.broadcast %add3A_380 : i32 to vector<16xi32>
          %add3A_382 = arith.addi %iota3A, %add3A_381 : vector<16xi32>
          %gather3A_383 = arith.constant 0 : i32
          %gather3A_384 = arith.constant 0 : i32
          %gather3A_385 = tpu.memref_slice %arg15[%rem3A_309, %gather3A_383, %gather3A_384] : memref<10x64x128xf32, #tpu.memory_space<vmem>> -> memref<1x64x128xf32, #tpu.memory_space<vmem>>
          %gather3A_386 = tpu.memref_squeeze %gather3A_385 : memref<1x64x128xf32, #tpu.memory_space<vmem>> -> memref<64x128xf32, #tpu.memory_space<vmem>>
          %gather3A_387 = tpu.vector_load_idx %gather3A_386[%add3A_382, %broadcast_in_dim3A] : memref<64x128xf32, #tpu.memory_space<vmem>>[vector<16xi32>, vector<16xi32>], vector<16xf32>,
          %add3A_388 = arith.constant 48 : i32
          %add3A_389 = vector.broadcast %add3A_388 : i32 to vector<16xi32>
          %add3A_390 = arith.addi %iota3A, %add3A_389 : vector<16xi32>
          tpu.vector_store_idx %arg16[%broadcast_in_dim3A_347, %add3A_390], %gather3A_387 : memref<64x128xf32, #tpu.memory_space<vmem>>[vector<16xi32>, vector<16xi32>], vector<16xf32>,
        } else {
        }
        %ge3A = arith.constant 999936 : i32
        %ge3A_335 = arith.cmpi sge, %squeeze3A_314, %ge3A : i32
        %convert_element_type3A_336 = arith.extui %ge3A_335 : i1 to i32
        %cond3A_337 = arith.constant 0 : i32
        %cond3A_338 = arith.cmpi ne, %convert_element_type3A_336, %cond3A_337 : i32
        scf.if %cond3A_338 {
          %sub3A = arith.constant 999936 : i32
          %sub3A_347 = arith.subi %squeeze3A_314, %sub3A : i32
          %add3A_348 = arith.constant 128 : i32
          %add3A_349 = arith.addi %add3A_348, %sub3A_347 : i32
          %iota3A = tpu.iota {dimensions = array<i32: 0>} : vector<16xi32>
          %broadcast_in_dim3A = vector.broadcast %add3A_349 : i32 to vector<16xi32>
          %broadcast_in_dim3A_350 = vector.broadcast %scan3A_307 : i32 to vector<16xi32>
          %add3A_351 = arith.constant 0 : i32
          %add3A_352 = vector.broadcast %add3A_351 : i32 to vector<16xi32>
          %add3A_353 = arith.addi %iota3A, %add3A_352 : vector<16xi32>
          %gather3A = tpu.vector_load_idx %arg17[%add3A_353, %broadcast_in_dim3A] : memref<64x256xf32, #tpu.memory_space<vmem>>[vector<16xi32>, vector<16xi32>], vector<16xf32>,
          %add3A_354 = arith.constant 0 : i32
          %add3A_355 = vector.broadcast %add3A_354 : i32 to vector<16xi32>
          %add3A_356 = arith.addi %iota3A, %add3A_355 : vector<16xi32>
          tpu.vector_store_idx %arg16[%broadcast_in_dim3A_350, %add3A_356], %gather3A : memref<64x128xf32, #tpu.memory_space<vmem>>[vector<16xi32>, vector<16xi32>], vector<16xf32>,
          %add3A_357 = arith.constant 16 : i32
          %add3A_358 = vector.broadcast %add3A_357 : i32 to vector<16xi32>
          %add3A_359 = arith.addi %iota3A, %add3A_358 : vector<16xi32>
          %gather3A_360 = tpu.vector_load_idx %arg17[%add3A_359, %broadcast_in_dim3A] : memref<64x256xf32, #tpu.memory_space<vmem>>[vector<16xi32>, vector<16xi32>], vector<16xf32>,
          %add3A_361 = arith.constant 16 : i32
          %add3A_362 = vector.broadcast %add3A_361 : i32 to vector<16xi32>
          %add3A_363 = arith.addi %iota3A, %add3A_362 : vector<16xi32>
          tpu.vector_store_idx %arg16[%broadcast_in_dim3A_350, %add3A_363], %gather3A_360 : memref<64x128xf32, #tpu.memory_space<vmem>>[vector<16xi32>, vector<16xi32>], vector<16xf32>,
          %add3A_364 = arith.constant 32 : i32
          %add3A_365 = vector.broadcast %add3A_364 : i32 to vector<16xi32>
          %add3A_366 = arith.addi %iota3A, %add3A_365 : vector<16xi32>
          %gather3A_367 = tpu.vector_load_idx %arg17[%add3A_366, %broadcast_in_dim3A] : memref<64x256xf32, #tpu.memory_space<vmem>>[vector<16xi32>, vector<16xi32>], vector<16xf32>,
          %add3A_368 = arith.constant 32 : i32
          %add3A_369 = vector.broadcast %add3A_368 : i32 to vector<16xi32>
          %add3A_370 = arith.addi %iota3A, %add3A_369 : vector<16xi32>
          tpu.vector_store_idx %arg16[%broadcast_in_dim3A_350, %add3A_370], %gather3A_367 : memref<64x128xf32, #tpu.memory_space<vmem>>[vector<16xi32>, vector<16xi32>], vector<16xf32>,
          %add3A_371 = arith.constant 48 : i32
          %add3A_372 = vector.broadcast %add3A_371 : i32 to vector<16xi32>
          %add3A_373 = arith.addi %iota3A, %add3A_372 : vector<16xi32>
          %gather3A_374 = tpu.vector_load_idx %arg17[%add3A_373, %broadcast_in_dim3A] : memref<64x256xf32, #tpu.memory_space<vmem>>[vector<16xi32>, vector<16xi32>], vector<16xf32>,
          %add3A_375 = arith.constant 48 : i32
          %add3A_376 = vector.broadcast %add3A_375 : i32 to vector<16xi32>
          %add3A_377 = arith.addi %iota3A, %add3A_376 : vector<16xi32>
          tpu.vector_store_idx %arg16[%broadcast_in_dim3A_350, %add3A_377], %gather3A_374 : memref<64x128xf32, #tpu.memory_space<vmem>>[vector<16xi32>, vector<16xi32>], vector<16xf32>,
        } else {
        }
        %add3A_339 = arith.constant 10 : i32
        %add3A_340 = arith.addi %scan3A_307, %add3A_339 : i32
        %lt3A_341 = arith.constant 64 : i32
        %lt3A_342 = arith.cmpi slt, %add3A_340, %lt3A_341 : i32
        %convert_element_type3A_343 = arith.extui %lt3A_342 : i1 to i32
        %cond3A_344 = arith.constant 0 : i32
        %cond3A_345 = arith.cmpi ne, %convert_element_type3A_343, %cond3A_344 : i32
        scf.if %cond3A_345 {
          %add3A_347 = arith.addi %mul3A_33, %scan3A_307 : i32
          %add3A_348 = arith.constant 10 : i32
          %add3A_349 = arith.addi %add3A_347, %add3A_348 : i32
          %get3A_350 = arith.index_cast %add3A_349 : i32 to index
          %get3A_351 = tpu.vector_load %arg13[%get3A_350] {strides = array<i32>} : memref<528xi32, #tpu.memory_space<vmem>>, vector<16xi32>,
          %slice3A_352 = vector.extract_strided_slice %get3A_351 {offsets = [0], sizes = [1], strides = [1]} : vector<16xi32> to vector<1xi32>
          %squeeze3A_353 = vector.extract %slice3A_352[0] : i32 from vector<1xi32>
          %and3A_354 = arith.constant -128 : i32
          %and3A_355 = arith.andi %squeeze3A_353, %and3A_354 : i32
          %min3A_356 = arith.constant 999808 : i32
          %min3A_357 = arith.minsi %and3A_355, %min3A_356 : i32
          %multiple_of3A_358 = tpu.assume_multiple %min3A_357, 128 : i32
          %dma_start3A_359 = arith.constant 0 : i32
          %dma_start3A_360 = arith.constant 0 : i32
          %dma_start3A_361 = tpu.memref_slice %arg15[%rem3A_309, %dma_start3A_359, %dma_start3A_360] : memref<10x64x128xf32, #tpu.memory_space<vmem>> -> memref<1x64x128xf32, #tpu.memory_space<vmem>>
          %dma_start3A_362 = tpu.memref_squeeze %dma_start3A_361 : memref<1x64x128xf32, #tpu.memory_space<vmem>> -> memref<64x128xf32, #tpu.memory_space<vmem>>
          %dma_start3A_363 = arith.constant 0 : i32
          %dma_start3A_364 = tpu.memref_slice %arg6[%dma_start3A_363, %multiple_of3A_358] : memref<64x1000000xf32, #tpu.memory_space<hbm>> -> memref<64x128xf32, #tpu.memory_space<hbm>>
          %dma_start3A_365 = tpu.memref_slice %arg18[%rem3A_309] : memref<10x!tpu.dma_semaphore, #tpu.memory_space<semaphore_mem>> -> memref<1x!tpu.dma_semaphore, #tpu.memory_space<semaphore_mem>>
          %dma_start3A_366 = tpu.memref_squeeze %dma_start3A_365 : memref<1x!tpu.dma_semaphore, #tpu.memory_space<semaphore_mem>> -> memref<!tpu.dma_semaphore, #tpu.memory_space<semaphore_mem>>
          %dma_start3A_367 = arith.constant 0 : i32
          %dma_start3A_368 = arith.constant 0 : i32
          %dma_start3A_369 = tpu.memref_slice %arg15[%rem3A_309, %dma_start3A_367, %dma_start3A_368] : memref<10x64x128xf32, #tpu.memory_space<vmem>> -> memref<1x64x128xf32, #tpu.memory_space<vmem>>
          %dma_start3A_370 = tpu.memref_squeeze %dma_start3A_369 : memref<1x64x128xf32, #tpu.memory_space<vmem>> -> memref<64x128xf32, #tpu.memory_space<vmem>>
          %dma_start3A_371 = arith.constant 0 : i32
          %dma_start3A_372 = tpu.memref_slice %arg6[%dma_start3A_371, %multiple_of3A_358] : memref<64x1000000xf32, #tpu.memory_space<hbm>> -> memref<64x128xf32, #tpu.memory_space<hbm>>
          tpu.enqueue_dma source(%dma_start3A_372 : memref<64x128xf32, #tpu.memory_space<hbm>>) target(%dma_start3A_370 : memref<64x128xf32, #tpu.memory_space<vmem>>) target_semaphore(%dma_start3A_366 : memref<!tpu.dma_semaphore, #tpu.memory_space<semaphore_mem>>)
        } else {
        }
        %scan3A_346 = arith.constant 0 : i32
        scf.yield %scan3A_346 : i32
      }
      %scan3A_303 = arith.constant 64 : i32
      %add3A_304 = arith.addi %mul3A_2, %mul3A_33 : i32
      %multiple_of3A_305 = tpu.assume_multiple %add3A_304, 8 : i32
      "tpu.region"() ({
        %run_scoped3A = tpu.sem_alloc : memref<!tpu.dma_semaphore, #tpu.memory_space<semaphore_mem>>
        %dma_start3A_307 = arith.constant 0 : i32
        %dma_start3A_308 = tpu.memref_slice %arg11[%multiple_of3A_305, %dma_start3A_307] : memref<16384x128xf32, #tpu.memory_space<hbm>> -> memref<64x128xf32, #tpu.memory_space<hbm>>
        %dma_start3A_309 = arith.constant 0 : i32
        %dma_start3A_310 = tpu.memref_slice %arg11[%multiple_of3A_305, %dma_start3A_309] : memref<16384x128xf32, #tpu.memory_space<hbm>> -> memref<64x128xf32, #tpu.memory_space<hbm>>
        tpu.enqueue_dma source(%arg16 : memref<64x128xf32, #tpu.memory_space<vmem>>) target(%dma_start3A_310 : memref<64x128xf32, #tpu.memory_space<hbm>>) target_semaphore(%run_scoped3A : memref<!tpu.dma_semaphore, #tpu.memory_space<semaphore_mem>>)
        %dma_wait3A = arith.constant 0 : i32
        %dma_wait3A_311 = tpu.memref_slice %arg11[%multiple_of3A_305, %dma_wait3A] : memref<16384x128xf32, #tpu.memory_space<hbm>> -> memref<64x128xf32, #tpu.memory_space<hbm>>
        %dma_wait3A_312 = arith.constant 0 : i32
        %dma_wait3A_313 = tpu.memref_slice %arg11[%multiple_of3A_305, %dma_wait3A_312] : memref<16384x128xf32, #tpu.memory_space<hbm>> -> memref<64x128xf32, #tpu.memory_space<hbm>>
        tpu.wait_dma2 semaphore(%run_scoped3A : memref<!tpu.dma_semaphore, #tpu.memory_space<semaphore_mem>>) src(%arg16 : memref<64x128xf32, #tpu.memory_space<vmem>>) dst(%dma_wait3A_313 : memref<64x128xf32, #tpu.memory_space<hbm>>)
        tpu.yield
      }) : () -> ()
      %scan3A_306 = arith.constant 0 : i32
      scf.yield %scan3A_306 : i32
    }
    %scan3A_22 = arith.constant 8 : i32
    %scan3A_23 = arith.constant 0 : i32
    %scan3A_24 = arith.constant 0 : i32
    %scan3A_25 = arith.constant 8 : i32
    %scan3A_26 = arith.addi %scan3A_24, %scan3A_25 : i32
    %scan3A_27 = arith.constant 1 : i32
    %scan3A_28 = scf.for %scan3A_30 = %scan3A_24 to %scan3A_26 step %scan3A_27 iter_args(%scan3A_31 = %scan3A_23) -> (i32)  : i32 {
      %mul3A_32 = arith.constant 64 : i32
      %mul3A_33 = arith.muli %scan3A_30, %mul3A_32 : i32
      %add3A_34 = arith.constant 0 : i32
      %add3A_35 = arith.addi %mul3A_33, %add3A_34 : i32
      %get3A = arith.index_cast %add3A_35 : i32 to index
      %get3A_36 = tpu.vector_load %arg14[%get3A] {strides = array<i32>} : memref<528xi32, #tpu.memory_space<vmem>>, vector<16xi32>,
      %slice3A = vector.extract_strided_slice %get3A_36 {offsets = [0], sizes = [1], strides = [1]} : vector<16xi32> to vector<1xi32>
      %squeeze3A = vector.extract %slice3A[0] : i32 from vector<1xi32>
      %and3A = arith.constant -128 : i32
      %and3A_37 = arith.andi %squeeze3A, %and3A : i32
      %min3A = arith.constant 999808 : i32
      %min3A_38 = arith.minsi %and3A_37, %min3A : i32
      %multiple_of3A = tpu.assume_multiple %min3A_38, 128 : i32
      %dma_start3A = arith.constant 0 : i32
      %dma_start3A_39 = arith.constant 0 : i32
      %dma_start3A_40 = arith.constant 0 : i32
      %dma_start3A_41 = arith.constant 0 : i32
      %dma_start3A_42 = tpu.memref_slice %arg15[%dma_start3A, %dma_start3A_40, %dma_start3A_41] : memref<10x64x128xf32, #tpu.memory_space<vmem>> -> memref<1x64x128xf32, #tpu.memory_space<vmem>>
      %dma_start3A_43 = tpu.memref_squeeze %dma_start3A_42 : memref<1x64x128xf32, #tpu.memory_space<vmem>> -> memref<64x128xf32, #tpu.memory_space<vmem>>
      %dma_start3A_44 = arith.constant 0 : i32
      %dma_start3A_45 = tpu.memref_slice %arg7[%dma_start3A_44, %multiple_of3A] : memref<64x1000000xf32, #tpu.memory_space<hbm>> -> memref<64x128xf32, #tpu.memory_space<hbm>>
      %dma_start3A_46 = tpu.memref_slice %arg18[%dma_start3A_39] : memref<10x!tpu.dma_semaphore, #tpu.memory_space<semaphore_mem>> -> memref<1x!tpu.dma_semaphore, #tpu.memory_space<semaphore_mem>>
      %dma_start3A_47 = tpu.memref_squeeze %dma_start3A_46 : memref<1x!tpu.dma_semaphore, #tpu.memory_space<semaphore_mem>> -> memref<!tpu.dma_semaphore, #tpu.memory_space<semaphore_mem>>
      %dma_start3A_48 = arith.constant 0 : i32
      %dma_start3A_49 = arith.constant 0 : i32
      %dma_start3A_50 = tpu.memref_slice %arg15[%dma_start3A, %dma_start3A_48, %dma_start3A_49] : memref<10x64x128xf32, #tpu.memory_space<vmem>> -> memref<1x64x128xf32, #tpu.memory_space<vmem>>
      %dma_start3A_51 = tpu.memref_squeeze %dma_start3A_50 : memref<1x64x128xf32, #tpu.memory_space<vmem>> -> memref<64x128xf32, #tpu.memory_space<vmem>>
      %dma_start3A_52 = arith.constant 0 : i32
      %dma_start3A_53 = tpu.memref_slice %arg7[%dma_start3A_52, %multiple_of3A] : memref<64x1000000xf32, #tpu.memory_space<hbm>> -> memref<64x128xf32, #tpu.memory_space<hbm>>
      tpu.enqueue_dma source(%dma_start3A_53 : memref<64x128xf32, #tpu.memory_space<hbm>>) target(%dma_start3A_51 : memref<64x128xf32, #tpu.memory_space<vmem>>) target_semaphore(%dma_start3A_47 : memref<!tpu.dma_semaphore, #tpu.memory_space<semaphore_mem>>)
      %add3A_54 = arith.constant 1 : i32
      %add3A_55 = arith.addi %mul3A_33, %add3A_54 : i32
      %get3A_56 = arith.index_cast %add3A_55 : i32 to index
      %get3A_57 = tpu.vector_load %arg14[%get3A_56] {strides = array<i32>} : memref<528xi32, #tpu.memory_space<vmem>>, vector<16xi32>,
      %slice3A_58 = vector.extract_strided_slice %get3A_57 {offsets = [0], sizes = [1], strides = [1]} : vector<16xi32> to vector<1xi32>
      %squeeze3A_59 = vector.extract %slice3A_58[0] : i32 from vector<1xi32>
      %and3A_60 = arith.constant -128 : i32
      %and3A_61 = arith.andi %squeeze3A_59, %and3A_60 : i32
      %min3A_62 = arith.constant 999808 : i32
      %min3A_63 = arith.minsi %and3A_61, %min3A_62 : i32
      %multiple_of3A_64 = tpu.assume_multiple %min3A_63, 128 : i32
      %dma_start3A_65 = arith.constant 1 : i32
      %dma_start3A_66 = arith.constant 1 : i32
      %dma_start3A_67 = arith.constant 0 : i32
      %dma_start3A_68 = arith.constant 0 : i32
      %dma_start3A_69 = tpu.memref_slice %arg15[%dma_start3A_65, %dma_start3A_67, %dma_start3A_68] : memref<10x64x128xf32, #tpu.memory_space<vmem>> -> memref<1x64x128xf32, #tpu.memory_space<vmem>>
      %dma_start3A_70 = tpu.memref_squeeze %dma_start3A_69 : memref<1x64x128xf32, #tpu.memory_space<vmem>> -> memref<64x128xf32, #tpu.memory_space<vmem>>
      %dma_start3A_71 = arith.constant 0 : i32
      %dma_start3A_72 = tpu.memref_slice %arg7[%dma_start3A_71, %multiple_of3A_64] : memref<64x1000000xf32, #tpu.memory_space<hbm>> -> memref<64x128xf32, #tpu.memory_space<hbm>>
      %dma_start3A_73 = tpu.memref_slice %arg18[%dma_start3A_66] : memref<10x!tpu.dma_semaphore, #tpu.memory_space<semaphore_mem>> -> memref<1x!tpu.dma_semaphore, #tpu.memory_space<semaphore_mem>>
      %dma_start3A_74 = tpu.memref_squeeze %dma_start3A_73 : memref<1x!tpu.dma_semaphore, #tpu.memory_space<semaphore_mem>> -> memref<!tpu.dma_semaphore, #tpu.memory_space<semaphore_mem>>
      %dma_start3A_75 = arith.constant 0 : i32
      %dma_start3A_76 = arith.constant 0 : i32
      %dma_start3A_77 = tpu.memref_slice %arg15[%dma_start3A_65, %dma_start3A_75, %dma_start3A_76] : memref<10x64x128xf32, #tpu.memory_space<vmem>> -> memref<1x64x128xf32, #tpu.memory_space<vmem>>
      %dma_start3A_78 = tpu.memref_squeeze %dma_start3A_77 : memref<1x64x128xf32, #tpu.memory_space<vmem>> -> memref<64x128xf32, #tpu.memory_space<vmem>>
      %dma_start3A_79 = arith.constant 0 : i32
      %dma_start3A_80 = tpu.memref_slice %arg7[%dma_start3A_79, %multiple_of3A_64] : memref<64x1000000xf32, #tpu.memory_space<hbm>> -> memref<64x128xf32, #tpu.memory_space<hbm>>
      tpu.enqueue_dma source(%dma_start3A_80 : memref<64x128xf32, #tpu.memory_space<hbm>>) target(%dma_start3A_78 : memref<64x128xf32, #tpu.memory_space<vmem>>) target_semaphore(%dma_start3A_74 : memref<!tpu.dma_semaphore, #tpu.memory_space<semaphore_mem>>)
      %add3A_81 = arith.constant 2 : i32
      %add3A_82 = arith.addi %mul3A_33, %add3A_81 : i32
      %get3A_83 = arith.index_cast %add3A_82 : i32 to index
      %get3A_84 = tpu.vector_load %arg14[%get3A_83] {strides = array<i32>} : memref<528xi32, #tpu.memory_space<vmem>>, vector<16xi32>,
      %slice3A_85 = vector.extract_strided_slice %get3A_84 {offsets = [0], sizes = [1], strides = [1]} : vector<16xi32> to vector<1xi32>
      %squeeze3A_86 = vector.extract %slice3A_85[0] : i32 from vector<1xi32>
      %and3A_87 = arith.constant -128 : i32
      %and3A_88 = arith.andi %squeeze3A_86, %and3A_87 : i32
      %min3A_89 = arith.constant 999808 : i32
      %min3A_90 = arith.minsi %and3A_88, %min3A_89 : i32
      %multiple_of3A_91 = tpu.assume_multiple %min3A_90, 128 : i32
      %dma_start3A_92 = arith.constant 2 : i32
      %dma_start3A_93 = arith.constant 2 : i32
      %dma_start3A_94 = arith.constant 0 : i32
      %dma_start3A_95 = arith.constant 0 : i32
      %dma_start3A_96 = tpu.memref_slice %arg15[%dma_start3A_92, %dma_start3A_94, %dma_start3A_95] : memref<10x64x128xf32, #tpu.memory_space<vmem>> -> memref<1x64x128xf32, #tpu.memory_space<vmem>>
      %dma_start3A_97 = tpu.memref_squeeze %dma_start3A_96 : memref<1x64x128xf32, #tpu.memory_space<vmem>> -> memref<64x128xf32, #tpu.memory_space<vmem>>
      %dma_start3A_98 = arith.constant 0 : i32
      %dma_start3A_99 = tpu.memref_slice %arg7[%dma_start3A_98, %multiple_of3A_91] : memref<64x1000000xf32, #tpu.memory_space<hbm>> -> memref<64x128xf32, #tpu.memory_space<hbm>>
      %dma_start3A_100 = tpu.memref_slice %arg18[%dma_start3A_93] : memref<10x!tpu.dma_semaphore, #tpu.memory_space<semaphore_mem>> -> memref<1x!tpu.dma_semaphore, #tpu.memory_space<semaphore_mem>>
      %dma_start3A_101 = tpu.memref_squeeze %dma_start3A_100 : memref<1x!tpu.dma_semaphore, #tpu.memory_space<semaphore_mem>> -> memref<!tpu.dma_semaphore, #tpu.memory_space<semaphore_mem>>
      %dma_start3A_102 = arith.constant 0 : i32
      %dma_start3A_103 = arith.constant 0 : i32
      %dma_start3A_104 = tpu.memref_slice %arg15[%dma_start3A_92, %dma_start3A_102, %dma_start3A_103] : memref<10x64x128xf32, #tpu.memory_space<vmem>> -> memref<1x64x128xf32, #tpu.memory_space<vmem>>
      %dma_start3A_105 = tpu.memref_squeeze %dma_start3A_104 : memref<1x64x128xf32, #tpu.memory_space<vmem>> -> memref<64x128xf32, #tpu.memory_space<vmem>>
      %dma_start3A_106 = arith.constant 0 : i32
      %dma_start3A_107 = tpu.memref_slice %arg7[%dma_start3A_106, %multiple_of3A_91] : memref<64x1000000xf32, #tpu.memory_space<hbm>> -> memref<64x128xf32, #tpu.memory_space<hbm>>
      tpu.enqueue_dma source(%dma_start3A_107 : memref<64x128xf32, #tpu.memory_space<hbm>>) target(%dma_start3A_105 : memref<64x128xf32, #tpu.memory_space<vmem>>) target_semaphore(%dma_start3A_101 : memref<!tpu.dma_semaphore, #tpu.memory_space<semaphore_mem>>)
      %add3A_108 = arith.constant 3 : i32
      %add3A_109 = arith.addi %mul3A_33, %add3A_108 : i32
      %get3A_110 = arith.index_cast %add3A_109 : i32 to index
      %get3A_111 = tpu.vector_load %arg14[%get3A_110] {strides = array<i32>} : memref<528xi32, #tpu.memory_space<vmem>>, vector<16xi32>,
      %slice3A_112 = vector.extract_strided_slice %get3A_111 {offsets = [0], sizes = [1], strides = [1]} : vector<16xi32> to vector<1xi32>
      %squeeze3A_113 = vector.extract %slice3A_112[0] : i32 from vector<1xi32>
      %and3A_114 = arith.constant -128 : i32
      %and3A_115 = arith.andi %squeeze3A_113, %and3A_114 : i32
      %min3A_116 = arith.constant 999808 : i32
      %min3A_117 = arith.minsi %and3A_115, %min3A_116 : i32
      %multiple_of3A_118 = tpu.assume_multiple %min3A_117, 128 : i32
      %dma_start3A_119 = arith.constant 3 : i32
      %dma_start3A_120 = arith.constant 3 : i32
      %dma_start3A_121 = arith.constant 0 : i32
      %dma_start3A_122 = arith.constant 0 : i32
      %dma_start3A_123 = tpu.memref_slice %arg15[%dma_start3A_119, %dma_start3A_121, %dma_start3A_122] : memref<10x64x128xf32, #tpu.memory_space<vmem>> -> memref<1x64x128xf32, #tpu.memory_space<vmem>>
      %dma_start3A_124 = tpu.memref_squeeze %dma_start3A_123 : memref<1x64x128xf32, #tpu.memory_space<vmem>> -> memref<64x128xf32, #tpu.memory_space<vmem>>
      %dma_start3A_125 = arith.constant 0 : i32
      %dma_start3A_126 = tpu.memref_slice %arg7[%dma_start3A_125, %multiple_of3A_118] : memref<64x1000000xf32, #tpu.memory_space<hbm>> -> memref<64x128xf32, #tpu.memory_space<hbm>>
      %dma_start3A_127 = tpu.memref_slice %arg18[%dma_start3A_120] : memref<10x!tpu.dma_semaphore, #tpu.memory_space<semaphore_mem>> -> memref<1x!tpu.dma_semaphore, #tpu.memory_space<semaphore_mem>>
      %dma_start3A_128 = tpu.memref_squeeze %dma_start3A_127 : memref<1x!tpu.dma_semaphore, #tpu.memory_space<semaphore_mem>> -> memref<!tpu.dma_semaphore, #tpu.memory_space<semaphore_mem>>
      %dma_start3A_129 = arith.constant 0 : i32
      %dma_start3A_130 = arith.constant 0 : i32
      %dma_start3A_131 = tpu.memref_slice %arg15[%dma_start3A_119, %dma_start3A_129, %dma_start3A_130] : memref<10x64x128xf32, #tpu.memory_space<vmem>> -> memref<1x64x128xf32, #tpu.memory_space<vmem>>
      %dma_start3A_132 = tpu.memref_squeeze %dma_start3A_131 : memref<1x64x128xf32, #tpu.memory_space<vmem>> -> memref<64x128xf32, #tpu.memory_space<vmem>>
      %dma_start3A_133 = arith.constant 0 : i32
      %dma_start3A_134 = tpu.memref_slice %arg7[%dma_start3A_133, %multiple_of3A_118] : memref<64x1000000xf32, #tpu.memory_space<hbm>> -> memref<64x128xf32, #tpu.memory_space<hbm>>
      tpu.enqueue_dma source(%dma_start3A_134 : memref<64x128xf32, #tpu.memory_space<hbm>>) target(%dma_start3A_132 : memref<64x128xf32, #tpu.memory_space<vmem>>) target_semaphore(%dma_start3A_128 : memref<!tpu.dma_semaphore, #tpu.memory_space<semaphore_mem>>)
      %add3A_135 = arith.constant 4 : i32
      %add3A_136 = arith.addi %mul3A_33, %add3A_135 : i32
      %get3A_137 = arith.index_cast %add3A_136 : i32 to index
      %get3A_138 = tpu.vector_load %arg14[%get3A_137] {strides = array<i32>} : memref<528xi32, #tpu.memory_space<vmem>>, vector<16xi32>,
      %slice3A_139 = vector.extract_strided_slice %get3A_138 {offsets = [0], sizes = [1], strides = [1]} : vector<16xi32> to vector<1xi32>
      %squeeze3A_140 = vector.extract %slice3A_139[0] : i32 from vector<1xi32>
      %and3A_141 = arith.constant -128 : i32
      %and3A_142 = arith.andi %squeeze3A_140, %and3A_141 : i32
      %min3A_143 = arith.constant 999808 : i32
      %min3A_144 = arith.minsi %and3A_142, %min3A_143 : i32
      %multiple_of3A_145 = tpu.assume_multiple %min3A_144, 128 : i32
      %dma_start3A_146 = arith.constant 4 : i32
      %dma_start3A_147 = arith.constant 4 : i32
      %dma_start3A_148 = arith.constant 0 : i32
      %dma_start3A_149 = arith.constant 0 : i32
      %dma_start3A_150 = tpu.memref_slice %arg15[%dma_start3A_146, %dma_start3A_148, %dma_start3A_149] : memref<10x64x128xf32, #tpu.memory_space<vmem>> -> memref<1x64x128xf32, #tpu.memory_space<vmem>>
      %dma_start3A_151 = tpu.memref_squeeze %dma_start3A_150 : memref<1x64x128xf32, #tpu.memory_space<vmem>> -> memref<64x128xf32, #tpu.memory_space<vmem>>
      %dma_start3A_152 = arith.constant 0 : i32
      %dma_start3A_153 = tpu.memref_slice %arg7[%dma_start3A_152, %multiple_of3A_145] : memref<64x1000000xf32, #tpu.memory_space<hbm>> -> memref<64x128xf32, #tpu.memory_space<hbm>>
      %dma_start3A_154 = tpu.memref_slice %arg18[%dma_start3A_147] : memref<10x!tpu.dma_semaphore, #tpu.memory_space<semaphore_mem>> -> memref<1x!tpu.dma_semaphore, #tpu.memory_space<semaphore_mem>>
      %dma_start3A_155 = tpu.memref_squeeze %dma_start3A_154 : memref<1x!tpu.dma_semaphore, #tpu.memory_space<semaphore_mem>> -> memref<!tpu.dma_semaphore, #tpu.memory_space<semaphore_mem>>
      %dma_start3A_156 = arith.constant 0 : i32
      %dma_start3A_157 = arith.constant 0 : i32
      %dma_start3A_158 = tpu.memref_slice %arg15[%dma_start3A_146, %dma_start3A_156, %dma_start3A_157] : memref<10x64x128xf32, #tpu.memory_space<vmem>> -> memref<1x64x128xf32, #tpu.memory_space<vmem>>
      %dma_start3A_159 = tpu.memref_squeeze %dma_start3A_158 : memref<1x64x128xf32, #tpu.memory_space<vmem>> -> memref<64x128xf32, #tpu.memory_space<vmem>>
      %dma_start3A_160 = arith.constant 0 : i32
      %dma_start3A_161 = tpu.memref_slice %arg7[%dma_start3A_160, %multiple_of3A_145] : memref<64x1000000xf32, #tpu.memory_space<hbm>> -> memref<64x128xf32, #tpu.memory_space<hbm>>
      tpu.enqueue_dma source(%dma_start3A_161 : memref<64x128xf32, #tpu.memory_space<hbm>>) target(%dma_start3A_159 : memref<64x128xf32, #tpu.memory_space<vmem>>) target_semaphore(%dma_start3A_155 : memref<!tpu.dma_semaphore, #tpu.memory_space<semaphore_mem>>)
      %add3A_162 = arith.constant 5 : i32
      %add3A_163 = arith.addi %mul3A_33, %add3A_162 : i32
      %get3A_164 = arith.index_cast %add3A_163 : i32 to index
      %get3A_165 = tpu.vector_load %arg14[%get3A_164] {strides = array<i32>} : memref<528xi32, #tpu.memory_space<vmem>>, vector<16xi32>,
      %slice3A_166 = vector.extract_strided_slice %get3A_165 {offsets = [0], sizes = [1], strides = [1]} : vector<16xi32> to vector<1xi32>
      %squeeze3A_167 = vector.extract %slice3A_166[0] : i32 from vector<1xi32>
      %and3A_168 = arith.constant -128 : i32
      %and3A_169 = arith.andi %squeeze3A_167, %and3A_168 : i32
      %min3A_170 = arith.constant 999808 : i32
      %min3A_171 = arith.minsi %and3A_169, %min3A_170 : i32
      %multiple_of3A_172 = tpu.assume_multiple %min3A_171, 128 : i32
      %dma_start3A_173 = arith.constant 5 : i32
      %dma_start3A_174 = arith.constant 5 : i32
      %dma_start3A_175 = arith.constant 0 : i32
      %dma_start3A_176 = arith.constant 0 : i32
      %dma_start3A_177 = tpu.memref_slice %arg15[%dma_start3A_173, %dma_start3A_175, %dma_start3A_176] : memref<10x64x128xf32, #tpu.memory_space<vmem>> -> memref<1x64x128xf32, #tpu.memory_space<vmem>>
      %dma_start3A_178 = tpu.memref_squeeze %dma_start3A_177 : memref<1x64x128xf32, #tpu.memory_space<vmem>> -> memref<64x128xf32, #tpu.memory_space<vmem>>
      %dma_start3A_179 = arith.constant 0 : i32
      %dma_start3A_180 = tpu.memref_slice %arg7[%dma_start3A_179, %multiple_of3A_172] : memref<64x1000000xf32, #tpu.memory_space<hbm>> -> memref<64x128xf32, #tpu.memory_space<hbm>>
      %dma_start3A_181 = tpu.memref_slice %arg18[%dma_start3A_174] : memref<10x!tpu.dma_semaphore, #tpu.memory_space<semaphore_mem>> -> memref<1x!tpu.dma_semaphore, #tpu.memory_space<semaphore_mem>>
      %dma_start3A_182 = tpu.memref_squeeze %dma_start3A_181 : memref<1x!tpu.dma_semaphore, #tpu.memory_space<semaphore_mem>> -> memref<!tpu.dma_semaphore, #tpu.memory_space<semaphore_mem>>
      %dma_start3A_183 = arith.constant 0 : i32
      %dma_start3A_184 = arith.constant 0 : i32
      %dma_start3A_185 = tpu.memref_slice %arg15[%dma_start3A_173, %dma_start3A_183, %dma_start3A_184] : memref<10x64x128xf32, #tpu.memory_space<vmem>> -> memref<1x64x128xf32, #tpu.memory_space<vmem>>
      %dma_start3A_186 = tpu.memref_squeeze %dma_start3A_185 : memref<1x64x128xf32, #tpu.memory_space<vmem>> -> memref<64x128xf32, #tpu.memory_space<vmem>>
      %dma_start3A_187 = arith.constant 0 : i32
      %dma_start3A_188 = tpu.memref_slice %arg7[%dma_start3A_187, %multiple_of3A_172] : memref<64x1000000xf32, #tpu.memory_space<hbm>> -> memref<64x128xf32, #tpu.memory_space<hbm>>
      tpu.enqueue_dma source(%dma_start3A_188 : memref<64x128xf32, #tpu.memory_space<hbm>>) target(%dma_start3A_186 : memref<64x128xf32, #tpu.memory_space<vmem>>) target_semaphore(%dma_start3A_182 : memref<!tpu.dma_semaphore, #tpu.memory_space<semaphore_mem>>)
      %add3A_189 = arith.constant 6 : i32
      %add3A_190 = arith.addi %mul3A_33, %add3A_189 : i32
      %get3A_191 = arith.index_cast %add3A_190 : i32 to index
      %get3A_192 = tpu.vector_load %arg14[%get3A_191] {strides = array<i32>} : memref<528xi32, #tpu.memory_space<vmem>>, vector<16xi32>,
      %slice3A_193 = vector.extract_strided_slice %get3A_192 {offsets = [0], sizes = [1], strides = [1]} : vector<16xi32> to vector<1xi32>
      %squeeze3A_194 = vector.extract %slice3A_193[0] : i32 from vector<1xi32>
      %and3A_195 = arith.constant -128 : i32
      %and3A_196 = arith.andi %squeeze3A_194, %and3A_195 : i32
      %min3A_197 = arith.constant 999808 : i32
      %min3A_198 = arith.minsi %and3A_196, %min3A_197 : i32
      %multiple_of3A_199 = tpu.assume_multiple %min3A_198, 128 : i32
      %dma_start3A_200 = arith.constant 6 : i32
      %dma_start3A_201 = arith.constant 6 : i32
      %dma_start3A_202 = arith.constant 0 : i32
      %dma_start3A_203 = arith.constant 0 : i32
      %dma_start3A_204 = tpu.memref_slice %arg15[%dma_start3A_200, %dma_start3A_202, %dma_start3A_203] : memref<10x64x128xf32, #tpu.memory_space<vmem>> -> memref<1x64x128xf32, #tpu.memory_space<vmem>>
      %dma_start3A_205 = tpu.memref_squeeze %dma_start3A_204 : memref<1x64x128xf32, #tpu.memory_space<vmem>> -> memref<64x128xf32, #tpu.memory_space<vmem>>
      %dma_start3A_206 = arith.constant 0 : i32
      %dma_start3A_207 = tpu.memref_slice %arg7[%dma_start3A_206, %multiple_of3A_199] : memref<64x1000000xf32, #tpu.memory_space<hbm>> -> memref<64x128xf32, #tpu.memory_space<hbm>>
      %dma_start3A_208 = tpu.memref_slice %arg18[%dma_start3A_201] : memref<10x!tpu.dma_semaphore, #tpu.memory_space<semaphore_mem>> -> memref<1x!tpu.dma_semaphore, #tpu.memory_space<semaphore_mem>>
      %dma_start3A_209 = tpu.memref_squeeze %dma_start3A_208 : memref<1x!tpu.dma_semaphore, #tpu.memory_space<semaphore_mem>> -> memref<!tpu.dma_semaphore, #tpu.memory_space<semaphore_mem>>
      %dma_start3A_210 = arith.constant 0 : i32
      %dma_start3A_211 = arith.constant 0 : i32
      %dma_start3A_212 = tpu.memref_slice %arg15[%dma_start3A_200, %dma_start3A_210, %dma_start3A_211] : memref<10x64x128xf32, #tpu.memory_space<vmem>> -> memref<1x64x128xf32, #tpu.memory_space<vmem>>
      %dma_start3A_213 = tpu.memref_squeeze %dma_start3A_212 : memref<1x64x128xf32, #tpu.memory_space<vmem>> -> memref<64x128xf32, #tpu.memory_space<vmem>>
      %dma_start3A_214 = arith.constant 0 : i32
      %dma_start3A_215 = tpu.memref_slice %arg7[%dma_start3A_214, %multiple_of3A_199] : memref<64x1000000xf32, #tpu.memory_space<hbm>> -> memref<64x128xf32, #tpu.memory_space<hbm>>
      tpu.enqueue_dma source(%dma_start3A_215 : memref<64x128xf32, #tpu.memory_space<hbm>>) target(%dma_start3A_213 : memref<64x128xf32, #tpu.memory_space<vmem>>) target_semaphore(%dma_start3A_209 : memref<!tpu.dma_semaphore, #tpu.memory_space<semaphore_mem>>)
      %add3A_216 = arith.constant 7 : i32
      %add3A_217 = arith.addi %mul3A_33, %add3A_216 : i32
      %get3A_218 = arith.index_cast %add3A_217 : i32 to index
      %get3A_219 = tpu.vector_load %arg14[%get3A_218] {strides = array<i32>} : memref<528xi32, #tpu.memory_space<vmem>>, vector<16xi32>,
      %slice3A_220 = vector.extract_strided_slice %get3A_219 {offsets = [0], sizes = [1], strides = [1]} : vector<16xi32> to vector<1xi32>
      %squeeze3A_221 = vector.extract %slice3A_220[0] : i32 from vector<1xi32>
      %and3A_222 = arith.constant -128 : i32
      %and3A_223 = arith.andi %squeeze3A_221, %and3A_222 : i32
      %min3A_224 = arith.constant 999808 : i32
      %min3A_225 = arith.minsi %and3A_223, %min3A_224 : i32
      %multiple_of3A_226 = tpu.assume_multiple %min3A_225, 128 : i32
      %dma_start3A_227 = arith.constant 7 : i32
      %dma_start3A_228 = arith.constant 7 : i32
      %dma_start3A_229 = arith.constant 0 : i32
      %dma_start3A_230 = arith.constant 0 : i32
      %dma_start3A_231 = tpu.memref_slice %arg15[%dma_start3A_227, %dma_start3A_229, %dma_start3A_230] : memref<10x64x128xf32, #tpu.memory_space<vmem>> -> memref<1x64x128xf32, #tpu.memory_space<vmem>>
      %dma_start3A_232 = tpu.memref_squeeze %dma_start3A_231 : memref<1x64x128xf32, #tpu.memory_space<vmem>> -> memref<64x128xf32, #tpu.memory_space<vmem>>
      %dma_start3A_233 = arith.constant 0 : i32
      %dma_start3A_234 = tpu.memref_slice %arg7[%dma_start3A_233, %multiple_of3A_226] : memref<64x1000000xf32, #tpu.memory_space<hbm>> -> memref<64x128xf32, #tpu.memory_space<hbm>>
      %dma_start3A_235 = tpu.memref_slice %arg18[%dma_start3A_228] : memref<10x!tpu.dma_semaphore, #tpu.memory_space<semaphore_mem>> -> memref<1x!tpu.dma_semaphore, #tpu.memory_space<semaphore_mem>>
      %dma_start3A_236 = tpu.memref_squeeze %dma_start3A_235 : memref<1x!tpu.dma_semaphore, #tpu.memory_space<semaphore_mem>> -> memref<!tpu.dma_semaphore, #tpu.memory_space<semaphore_mem>>
      %dma_start3A_237 = arith.constant 0 : i32
      %dma_start3A_238 = arith.constant 0 : i32
      %dma_start3A_239 = tpu.memref_slice %arg15[%dma_start3A_227, %dma_start3A_237, %dma_start3A_238] : memref<10x64x128xf32, #tpu.memory_space<vmem>> -> memref<1x64x128xf32, #tpu.memory_space<vmem>>
      %dma_start3A_240 = tpu.memref_squeeze %dma_start3A_239 : memref<1x64x128xf32, #tpu.memory_space<vmem>> -> memref<64x128xf32, #tpu.memory_space<vmem>>
      %dma_start3A_241 = arith.constant 0 : i32
      %dma_start3A_242 = tpu.memref_slice %arg7[%dma_start3A_241, %multiple_of3A_226] : memref<64x1000000xf32, #tpu.memory_space<hbm>> -> memref<64x128xf32, #tpu.memory_space<hbm>>
      tpu.enqueue_dma source(%dma_start3A_242 : memref<64x128xf32, #tpu.memory_space<hbm>>) target(%dma_start3A_240 : memref<64x128xf32, #tpu.memory_space<vmem>>) target_semaphore(%dma_start3A_236 : memref<!tpu.dma_semaphore, #tpu.memory_space<semaphore_mem>>)
      %add3A_243 = arith.constant 8 : i32
      %add3A_244 = arith.addi %mul3A_33, %add3A_243 : i32
      %get3A_245 = arith.index_cast %add3A_244 : i32 to index
      %get3A_246 = tpu.vector_load %arg14[%get3A_245] {strides = array<i32>} : memref<528xi32, #tpu.memory_space<vmem>>, vector<16xi32>,
      %slice3A_247 = vector.extract_strided_slice %get3A_246 {offsets = [0], sizes = [1], strides = [1]} : vector<16xi32> to vector<1xi32>
      %squeeze3A_248 = vector.extract %slice3A_247[0] : i32 from vector<1xi32>
      %and3A_249 = arith.constant -128 : i32
      %and3A_250 = arith.andi %squeeze3A_248, %and3A_249 : i32
      %min3A_251 = arith.constant 999808 : i32
      %min3A_252 = arith.minsi %and3A_250, %min3A_251 : i32
      %multiple_of3A_253 = tpu.assume_multiple %min3A_252, 128 : i32
      %dma_start3A_254 = arith.constant 8 : i32
      %dma_start3A_255 = arith.constant 8 : i32
      %dma_start3A_256 = arith.constant 0 : i32
      %dma_start3A_257 = arith.constant 0 : i32
      %dma_start3A_258 = tpu.memref_slice %arg15[%dma_start3A_254, %dma_start3A_256, %dma_start3A_257] : memref<10x64x128xf32, #tpu.memory_space<vmem>> -> memref<1x64x128xf32, #tpu.memory_space<vmem>>
      %dma_start3A_259 = tpu.memref_squeeze %dma_start3A_258 : memref<1x64x128xf32, #tpu.memory_space<vmem>> -> memref<64x128xf32, #tpu.memory_space<vmem>>
      %dma_start3A_260 = arith.constant 0 : i32
      %dma_start3A_261 = tpu.memref_slice %arg7[%dma_start3A_260, %multiple_of3A_253] : memref<64x1000000xf32, #tpu.memory_space<hbm>> -> memref<64x128xf32, #tpu.memory_space<hbm>>
      %dma_start3A_262 = tpu.memref_slice %arg18[%dma_start3A_255] : memref<10x!tpu.dma_semaphore, #tpu.memory_space<semaphore_mem>> -> memref<1x!tpu.dma_semaphore, #tpu.memory_space<semaphore_mem>>
      %dma_start3A_263 = tpu.memref_squeeze %dma_start3A_262 : memref<1x!tpu.dma_semaphore, #tpu.memory_space<semaphore_mem>> -> memref<!tpu.dma_semaphore, #tpu.memory_space<semaphore_mem>>
      %dma_start3A_264 = arith.constant 0 : i32
      %dma_start3A_265 = arith.constant 0 : i32
      %dma_start3A_266 = tpu.memref_slice %arg15[%dma_start3A_254, %dma_start3A_264, %dma_start3A_265] : memref<10x64x128xf32, #tpu.memory_space<vmem>> -> memref<1x64x128xf32, #tpu.memory_space<vmem>>
      %dma_start3A_267 = tpu.memref_squeeze %dma_start3A_266 : memref<1x64x128xf32, #tpu.memory_space<vmem>> -> memref<64x128xf32, #tpu.memory_space<vmem>>
      %dma_start3A_268 = arith.constant 0 : i32
      %dma_start3A_269 = tpu.memref_slice %arg7[%dma_start3A_268, %multiple_of3A_253] : memref<64x1000000xf32, #tpu.memory_space<hbm>> -> memref<64x128xf32, #tpu.memory_space<hbm>>
      tpu.enqueue_dma source(%dma_start3A_269 : memref<64x128xf32, #tpu.memory_space<hbm>>) target(%dma_start3A_267 : memref<64x128xf32, #tpu.memory_space<vmem>>) target_semaphore(%dma_start3A_263 : memref<!tpu.dma_semaphore, #tpu.memory_space<semaphore_mem>>)
      %add3A_270 = arith.constant 9 : i32
      %add3A_271 = arith.addi %mul3A_33, %add3A_270 : i32
      %get3A_272 = arith.index_cast %add3A_271 : i32 to index
      %get3A_273 = tpu.vector_load %arg14[%get3A_272] {strides = array<i32>} : memref<528xi32, #tpu.memory_space<vmem>>, vector<16xi32>,
      %slice3A_274 = vector.extract_strided_slice %get3A_273 {offsets = [0], sizes = [1], strides = [1]} : vector<16xi32> to vector<1xi32>
      %squeeze3A_275 = vector.extract %slice3A_274[0] : i32 from vector<1xi32>
      %and3A_276 = arith.constant -128 : i32
      %and3A_277 = arith.andi %squeeze3A_275, %and3A_276 : i32
      %min3A_278 = arith.constant 999808 : i32
      %min3A_279 = arith.minsi %and3A_277, %min3A_278 : i32
      %multiple_of3A_280 = tpu.assume_multiple %min3A_279, 128 : i32
      %dma_start3A_281 = arith.constant 9 : i32
      %dma_start3A_282 = arith.constant 9 : i32
      %dma_start3A_283 = arith.constant 0 : i32
      %dma_start3A_284 = arith.constant 0 : i32
      %dma_start3A_285 = tpu.memref_slice %arg15[%dma_start3A_281, %dma_start3A_283, %dma_start3A_284] : memref<10x64x128xf32, #tpu.memory_space<vmem>> -> memref<1x64x128xf32, #tpu.memory_space<vmem>>
      %dma_start3A_286 = tpu.memref_squeeze %dma_start3A_285 : memref<1x64x128xf32, #tpu.memory_space<vmem>> -> memref<64x128xf32, #tpu.memory_space<vmem>>
      %dma_start3A_287 = arith.constant 0 : i32
      %dma_start3A_288 = tpu.memref_slice %arg7[%dma_start3A_287, %multiple_of3A_280] : memref<64x1000000xf32, #tpu.memory_space<hbm>> -> memref<64x128xf32, #tpu.memory_space<hbm>>
      %dma_start3A_289 = tpu.memref_slice %arg18[%dma_start3A_282] : memref<10x!tpu.dma_semaphore, #tpu.memory_space<semaphore_mem>> -> memref<1x!tpu.dma_semaphore, #tpu.memory_space<semaphore_mem>>
      %dma_start3A_290 = tpu.memref_squeeze %dma_start3A_289 : memref<1x!tpu.dma_semaphore, #tpu.memory_space<semaphore_mem>> -> memref<!tpu.dma_semaphore, #tpu.memory_space<semaphore_mem>>
      %dma_start3A_291 = arith.constant 0 : i32
      %dma_start3A_292 = arith.constant 0 : i32
      %dma_start3A_293 = tpu.memref_slice %arg15[%dma_start3A_281, %dma_start3A_291, %dma_start3A_292] : memref<10x64x128xf32, #tpu.memory_space<vmem>> -> memref<1x64x128xf32, #tpu.memory_space<vmem>>
      %dma_start3A_294 = tpu.memref_squeeze %dma_start3A_293 : memref<1x64x128xf32, #tpu.memory_space<vmem>> -> memref<64x128xf32, #tpu.memory_space<vmem>>
      %dma_start3A_295 = arith.constant 0 : i32
      %dma_start3A_296 = tpu.memref_slice %arg7[%dma_start3A_295, %multiple_of3A_280] : memref<64x1000000xf32, #tpu.memory_space<hbm>> -> memref<64x128xf32, #tpu.memory_space<hbm>>
      tpu.enqueue_dma source(%dma_start3A_296 : memref<64x128xf32, #tpu.memory_space<hbm>>) target(%dma_start3A_294 : memref<64x128xf32, #tpu.memory_space<vmem>>) target_semaphore(%dma_start3A_290 : memref<!tpu.dma_semaphore, #tpu.memory_space<semaphore_mem>>)
      %scan3A_297 = arith.constant 0 : i32
      %scan3A_298 = arith.constant 0 : i32
      %scan3A_299 = arith.constant 64 : i32
      %scan3A_300 = arith.addi %scan3A_298, %scan3A_299 : i32
      %scan3A_301 = arith.constant 1 : i32
      %scan3A_302 = scf.for %scan3A_307 = %scan3A_298 to %scan3A_300 step %scan3A_301 iter_args(%scan3A_308 = %scan3A_297) -> (i32)  : i32 {
        %rem3A = arith.constant 10 : i32
        %rem3A_309 = arith.remsi %scan3A_307, %rem3A : i32
        %add3A_310 = arith.addi %mul3A_33, %scan3A_307 : i32
        %get3A_311 = arith.index_cast %add3A_310 : i32 to index
        %get3A_312 = tpu.vector_load %arg14[%get3A_311] {strides = array<i32>} : memref<528xi32, #tpu.memory_space<vmem>>, vector<16xi32>,
        %slice3A_313 = vector.extract_strided_slice %get3A_312 {offsets = [0], sizes = [1], strides = [1]} : vector<16xi32> to vector<1xi32>
        %squeeze3A_314 = vector.extract %slice3A_313[0] : i32 from vector<1xi32>
        %and3A_315 = arith.constant -128 : i32
        %and3A_316 = arith.andi %squeeze3A_314, %and3A_315 : i32
        %min3A_317 = arith.constant 999808 : i32
        %min3A_318 = arith.minsi %and3A_316, %min3A_317 : i32
        %multiple_of3A_319 = tpu.assume_multiple %min3A_318, 128 : i32
        %dma_wait3A = arith.constant 0 : i32
        %dma_wait3A_320 = arith.constant 0 : i32
        %dma_wait3A_321 = tpu.memref_slice %arg15[%rem3A_309, %dma_wait3A, %dma_wait3A_320] : memref<10x64x128xf32, #tpu.memory_space<vmem>> -> memref<1x64x128xf32, #tpu.memory_space<vmem>>
        %dma_wait3A_322 = tpu.memref_squeeze %dma_wait3A_321 : memref<1x64x128xf32, #tpu.memory_space<vmem>> -> memref<64x128xf32, #tpu.memory_space<vmem>>
        %dma_wait3A_323 = arith.constant 0 : i32
        %dma_wait3A_324 = tpu.memref_slice %arg7[%dma_wait3A_323, %multiple_of3A_319] : memref<64x1000000xf32, #tpu.memory_space<hbm>> -> memref<64x128xf32, #tpu.memory_space<hbm>>
        %dma_wait3A_325 = tpu.memref_slice %arg18[%rem3A_309] : memref<10x!tpu.dma_semaphore, #tpu.memory_space<semaphore_mem>> -> memref<1x!tpu.dma_semaphore, #tpu.memory_space<semaphore_mem>>
        %dma_wait3A_326 = tpu.memref_squeeze %dma_wait3A_325 : memref<1x!tpu.dma_semaphore, #tpu.memory_space<semaphore_mem>> -> memref<!tpu.dma_semaphore, #tpu.memory_space<semaphore_mem>>
        %dma_wait3A_327 = arith.constant 0 : i32
        %dma_wait3A_328 = arith.constant 0 : i32
        %dma_wait3A_329 = tpu.memref_slice %arg15[%rem3A_309, %dma_wait3A_327, %dma_wait3A_328] : memref<10x64x128xf32, #tpu.memory_space<vmem>> -> memref<1x64x128xf32, #tpu.memory_space<vmem>>
        %dma_wait3A_330 = tpu.memref_squeeze %dma_wait3A_329 : memref<1x64x128xf32, #tpu.memory_space<vmem>> -> memref<64x128xf32, #tpu.memory_space<vmem>>
        %dma_wait3A_331 = arith.constant 0 : i32
        %dma_wait3A_332 = tpu.memref_slice %arg7[%dma_wait3A_331, %multiple_of3A_319] : memref<64x1000000xf32, #tpu.memory_space<hbm>> -> memref<64x128xf32, #tpu.memory_space<hbm>>
        tpu.wait_dma2 semaphore(%dma_wait3A_326 : memref<!tpu.dma_semaphore, #tpu.memory_space<semaphore_mem>>) src(%dma_wait3A_332 : memref<64x128xf32, #tpu.memory_space<hbm>>) dst(%dma_wait3A_330 : memref<64x128xf32, #tpu.memory_space<vmem>>)
        %lt3A = arith.constant 999936 : i32
        %lt3A_333 = arith.cmpi slt, %squeeze3A_314, %lt3A : i32
        %convert_element_type3A = arith.extui %lt3A_333 : i1 to i32
        %cond3A = arith.constant 0 : i32
        %cond3A_334 = arith.cmpi ne, %convert_element_type3A, %cond3A : i32
        scf.if %cond3A_334 {
          %sub3A = arith.subi %squeeze3A_314, %multiple_of3A_319 : i32
          %iota3A = tpu.iota {dimensions = array<i32: 0>} : vector<16xi32>
          %broadcast_in_dim3A = vector.broadcast %sub3A : i32 to vector<16xi32>
          %broadcast_in_dim3A_347 = vector.broadcast %scan3A_307 : i32 to vector<16xi32>
          %add3A_348 = arith.constant 0 : i32
          %add3A_349 = vector.broadcast %add3A_348 : i32 to vector<16xi32>
          %add3A_350 = arith.addi %iota3A, %add3A_349 : vector<16xi32>
          %gather3A = arith.constant 0 : i32
          %gather3A_351 = arith.constant 0 : i32
          %gather3A_352 = tpu.memref_slice %arg15[%rem3A_309, %gather3A, %gather3A_351] : memref<10x64x128xf32, #tpu.memory_space<vmem>> -> memref<1x64x128xf32, #tpu.memory_space<vmem>>
          %gather3A_353 = tpu.memref_squeeze %gather3A_352 : memref<1x64x128xf32, #tpu.memory_space<vmem>> -> memref<64x128xf32, #tpu.memory_space<vmem>>
          %gather3A_354 = tpu.vector_load_idx %gather3A_353[%add3A_350, %broadcast_in_dim3A] : memref<64x128xf32, #tpu.memory_space<vmem>>[vector<16xi32>, vector<16xi32>], vector<16xf32>,
          %add3A_355 = arith.constant 0 : i32
          %add3A_356 = vector.broadcast %add3A_355 : i32 to vector<16xi32>
          %add3A_357 = arith.addi %iota3A, %add3A_356 : vector<16xi32>
          tpu.vector_store_idx %arg16[%broadcast_in_dim3A_347, %add3A_357], %gather3A_354 : memref<64x128xf32, #tpu.memory_space<vmem>>[vector<16xi32>, vector<16xi32>], vector<16xf32>,
          %add3A_358 = arith.constant 16 : i32
          %add3A_359 = vector.broadcast %add3A_358 : i32 to vector<16xi32>
          %add3A_360 = arith.addi %iota3A, %add3A_359 : vector<16xi32>
          %gather3A_361 = arith.constant 0 : i32
          %gather3A_362 = arith.constant 0 : i32
          %gather3A_363 = tpu.memref_slice %arg15[%rem3A_309, %gather3A_361, %gather3A_362] : memref<10x64x128xf32, #tpu.memory_space<vmem>> -> memref<1x64x128xf32, #tpu.memory_space<vmem>>
          %gather3A_364 = tpu.memref_squeeze %gather3A_363 : memref<1x64x128xf32, #tpu.memory_space<vmem>> -> memref<64x128xf32, #tpu.memory_space<vmem>>
          %gather3A_365 = tpu.vector_load_idx %gather3A_364[%add3A_360, %broadcast_in_dim3A] : memref<64x128xf32, #tpu.memory_space<vmem>>[vector<16xi32>, vector<16xi32>], vector<16xf32>,
          %add3A_366 = arith.constant 16 : i32
          %add3A_367 = vector.broadcast %add3A_366 : i32 to vector<16xi32>
          %add3A_368 = arith.addi %iota3A, %add3A_367 : vector<16xi32>
          tpu.vector_store_idx %arg16[%broadcast_in_dim3A_347, %add3A_368], %gather3A_365 : memref<64x128xf32, #tpu.memory_space<vmem>>[vector<16xi32>, vector<16xi32>], vector<16xf32>,
          %add3A_369 = arith.constant 32 : i32
          %add3A_370 = vector.broadcast %add3A_369 : i32 to vector<16xi32>
          %add3A_371 = arith.addi %iota3A, %add3A_370 : vector<16xi32>
          %gather3A_372 = arith.constant 0 : i32
          %gather3A_373 = arith.constant 0 : i32
          %gather3A_374 = tpu.memref_slice %arg15[%rem3A_309, %gather3A_372, %gather3A_373] : memref<10x64x128xf32, #tpu.memory_space<vmem>> -> memref<1x64x128xf32, #tpu.memory_space<vmem>>
          %gather3A_375 = tpu.memref_squeeze %gather3A_374 : memref<1x64x128xf32, #tpu.memory_space<vmem>> -> memref<64x128xf32, #tpu.memory_space<vmem>>
          %gather3A_376 = tpu.vector_load_idx %gather3A_375[%add3A_371, %broadcast_in_dim3A] : memref<64x128xf32, #tpu.memory_space<vmem>>[vector<16xi32>, vector<16xi32>], vector<16xf32>,
          %add3A_377 = arith.constant 32 : i32
          %add3A_378 = vector.broadcast %add3A_377 : i32 to vector<16xi32>
          %add3A_379 = arith.addi %iota3A, %add3A_378 : vector<16xi32>
          tpu.vector_store_idx %arg16[%broadcast_in_dim3A_347, %add3A_379], %gather3A_376 : memref<64x128xf32, #tpu.memory_space<vmem>>[vector<16xi32>, vector<16xi32>], vector<16xf32>,
          %add3A_380 = arith.constant 48 : i32
          %add3A_381 = vector.broadcast %add3A_380 : i32 to vector<16xi32>
          %add3A_382 = arith.addi %iota3A, %add3A_381 : vector<16xi32>
          %gather3A_383 = arith.constant 0 : i32
          %gather3A_384 = arith.constant 0 : i32
          %gather3A_385 = tpu.memref_slice %arg15[%rem3A_309, %gather3A_383, %gather3A_384] : memref<10x64x128xf32, #tpu.memory_space<vmem>> -> memref<1x64x128xf32, #tpu.memory_space<vmem>>
          %gather3A_386 = tpu.memref_squeeze %gather3A_385 : memref<1x64x128xf32, #tpu.memory_space<vmem>> -> memref<64x128xf32, #tpu.memory_space<vmem>>
          %gather3A_387 = tpu.vector_load_idx %gather3A_386[%add3A_382, %broadcast_in_dim3A] : memref<64x128xf32, #tpu.memory_space<vmem>>[vector<16xi32>, vector<16xi32>], vector<16xf32>,
          %add3A_388 = arith.constant 48 : i32
          %add3A_389 = vector.broadcast %add3A_388 : i32 to vector<16xi32>
          %add3A_390 = arith.addi %iota3A, %add3A_389 : vector<16xi32>
          tpu.vector_store_idx %arg16[%broadcast_in_dim3A_347, %add3A_390], %gather3A_387 : memref<64x128xf32, #tpu.memory_space<vmem>>[vector<16xi32>, vector<16xi32>], vector<16xf32>,
        } else {
        }
        %ge3A = arith.constant 999936 : i32
        %ge3A_335 = arith.cmpi sge, %squeeze3A_314, %ge3A : i32
        %convert_element_type3A_336 = arith.extui %ge3A_335 : i1 to i32
        %cond3A_337 = arith.constant 0 : i32
        %cond3A_338 = arith.cmpi ne, %convert_element_type3A_336, %cond3A_337 : i32
        scf.if %cond3A_338 {
          %sub3A = arith.constant 999936 : i32
          %sub3A_347 = arith.subi %squeeze3A_314, %sub3A : i32
          %add3A_348 = arith.constant 192 : i32
          %add3A_349 = arith.addi %add3A_348, %sub3A_347 : i32
          %iota3A = tpu.iota {dimensions = array<i32: 0>} : vector<16xi32>
          %broadcast_in_dim3A = vector.broadcast %add3A_349 : i32 to vector<16xi32>
          %broadcast_in_dim3A_350 = vector.broadcast %scan3A_307 : i32 to vector<16xi32>
          %add3A_351 = arith.constant 0 : i32
          %add3A_352 = vector.broadcast %add3A_351 : i32 to vector<16xi32>
          %add3A_353 = arith.addi %iota3A, %add3A_352 : vector<16xi32>
          %gather3A = tpu.vector_load_idx %arg17[%add3A_353, %broadcast_in_dim3A] : memref<64x256xf32, #tpu.memory_space<vmem>>[vector<16xi32>, vector<16xi32>], vector<16xf32>,
          %add3A_354 = arith.constant 0 : i32
          %add3A_355 = vector.broadcast %add3A_354 : i32 to vector<16xi32>
          %add3A_356 = arith.addi %iota3A, %add3A_355 : vector<16xi32>
          tpu.vector_store_idx %arg16[%broadcast_in_dim3A_350, %add3A_356], %gather3A : memref<64x128xf32, #tpu.memory_space<vmem>>[vector<16xi32>, vector<16xi32>], vector<16xf32>,
          %add3A_357 = arith.constant 16 : i32
          %add3A_358 = vector.broadcast %add3A_357 : i32 to vector<16xi32>
          %add3A_359 = arith.addi %iota3A, %add3A_358 : vector<16xi32>
          %gather3A_360 = tpu.vector_load_idx %arg17[%add3A_359, %broadcast_in_dim3A] : memref<64x256xf32, #tpu.memory_space<vmem>>[vector<16xi32>, vector<16xi32>], vector<16xf32>,
          %add3A_361 = arith.constant 16 : i32
          %add3A_362 = vector.broadcast %add3A_361 : i32 to vector<16xi32>
          %add3A_363 = arith.addi %iota3A, %add3A_362 : vector<16xi32>
          tpu.vector_store_idx %arg16[%broadcast_in_dim3A_350, %add3A_363], %gather3A_360 : memref<64x128xf32, #tpu.memory_space<vmem>>[vector<16xi32>, vector<16xi32>], vector<16xf32>,
          %add3A_364 = arith.constant 32 : i32
          %add3A_365 = vector.broadcast %add3A_364 : i32 to vector<16xi32>
          %add3A_366 = arith.addi %iota3A, %add3A_365 : vector<16xi32>
          %gather3A_367 = tpu.vector_load_idx %arg17[%add3A_366, %broadcast_in_dim3A] : memref<64x256xf32, #tpu.memory_space<vmem>>[vector<16xi32>, vector<16xi32>], vector<16xf32>,
          %add3A_368 = arith.constant 32 : i32
          %add3A_369 = vector.broadcast %add3A_368 : i32 to vector<16xi32>
          %add3A_370 = arith.addi %iota3A, %add3A_369 : vector<16xi32>
          tpu.vector_store_idx %arg16[%broadcast_in_dim3A_350, %add3A_370], %gather3A_367 : memref<64x128xf32, #tpu.memory_space<vmem>>[vector<16xi32>, vector<16xi32>], vector<16xf32>,
          %add3A_371 = arith.constant 48 : i32
          %add3A_372 = vector.broadcast %add3A_371 : i32 to vector<16xi32>
          %add3A_373 = arith.addi %iota3A, %add3A_372 : vector<16xi32>
          %gather3A_374 = tpu.vector_load_idx %arg17[%add3A_373, %broadcast_in_dim3A] : memref<64x256xf32, #tpu.memory_space<vmem>>[vector<16xi32>, vector<16xi32>], vector<16xf32>,
          %add3A_375 = arith.constant 48 : i32
          %add3A_376 = vector.broadcast %add3A_375 : i32 to vector<16xi32>
          %add3A_377 = arith.addi %iota3A, %add3A_376 : vector<16xi32>
          tpu.vector_store_idx %arg16[%broadcast_in_dim3A_350, %add3A_377], %gather3A_374 : memref<64x128xf32, #tpu.memory_space<vmem>>[vector<16xi32>, vector<16xi32>], vector<16xf32>,
        } else {
        }
        %add3A_339 = arith.constant 10 : i32
        %add3A_340 = arith.addi %scan3A_307, %add3A_339 : i32
        %lt3A_341 = arith.constant 64 : i32
        %lt3A_342 = arith.cmpi slt, %add3A_340, %lt3A_341 : i32
        %convert_element_type3A_343 = arith.extui %lt3A_342 : i1 to i32
        %cond3A_344 = arith.constant 0 : i32
        %cond3A_345 = arith.cmpi ne, %convert_element_type3A_343, %cond3A_344 : i32
        scf.if %cond3A_345 {
          %add3A_347 = arith.addi %mul3A_33, %scan3A_307 : i32
          %add3A_348 = arith.constant 10 : i32
          %add3A_349 = arith.addi %add3A_347, %add3A_348 : i32
          %get3A_350 = arith.index_cast %add3A_349 : i32 to index
          %get3A_351 = tpu.vector_load %arg14[%get3A_350] {strides = array<i32>} : memref<528xi32, #tpu.memory_space<vmem>>, vector<16xi32>,
          %slice3A_352 = vector.extract_strided_slice %get3A_351 {offsets = [0], sizes = [1], strides = [1]} : vector<16xi32> to vector<1xi32>
          %squeeze3A_353 = vector.extract %slice3A_352[0] : i32 from vector<1xi32>
          %and3A_354 = arith.constant -128 : i32
          %and3A_355 = arith.andi %squeeze3A_353, %and3A_354 : i32
          %min3A_356 = arith.constant 999808 : i32
          %min3A_357 = arith.minsi %and3A_355, %min3A_356 : i32
          %multiple_of3A_358 = tpu.assume_multiple %min3A_357, 128 : i32
          %dma_start3A_359 = arith.constant 0 : i32
          %dma_start3A_360 = arith.constant 0 : i32
          %dma_start3A_361 = tpu.memref_slice %arg15[%rem3A_309, %dma_start3A_359, %dma_start3A_360] : memref<10x64x128xf32, #tpu.memory_space<vmem>> -> memref<1x64x128xf32, #tpu.memory_space<vmem>>
          %dma_start3A_362 = tpu.memref_squeeze %dma_start3A_361 : memref<1x64x128xf32, #tpu.memory_space<vmem>> -> memref<64x128xf32, #tpu.memory_space<vmem>>
          %dma_start3A_363 = arith.constant 0 : i32
          %dma_start3A_364 = tpu.memref_slice %arg7[%dma_start3A_363, %multiple_of3A_358] : memref<64x1000000xf32, #tpu.memory_space<hbm>> -> memref<64x128xf32, #tpu.memory_space<hbm>>
          %dma_start3A_365 = tpu.memref_slice %arg18[%rem3A_309] : memref<10x!tpu.dma_semaphore, #tpu.memory_space<semaphore_mem>> -> memref<1x!tpu.dma_semaphore, #tpu.memory_space<semaphore_mem>>
          %dma_start3A_366 = tpu.memref_squeeze %dma_start3A_365 : memref<1x!tpu.dma_semaphore, #tpu.memory_space<semaphore_mem>> -> memref<!tpu.dma_semaphore, #tpu.memory_space<semaphore_mem>>
          %dma_start3A_367 = arith.constant 0 : i32
          %dma_start3A_368 = arith.constant 0 : i32
          %dma_start3A_369 = tpu.memref_slice %arg15[%rem3A_309, %dma_start3A_367, %dma_start3A_368] : memref<10x64x128xf32, #tpu.memory_space<vmem>> -> memref<1x64x128xf32, #tpu.memory_space<vmem>>
          %dma_start3A_370 = tpu.memref_squeeze %dma_start3A_369 : memref<1x64x128xf32, #tpu.memory_space<vmem>> -> memref<64x128xf32, #tpu.memory_space<vmem>>
          %dma_start3A_371 = arith.constant 0 : i32
          %dma_start3A_372 = tpu.memref_slice %arg7[%dma_start3A_371, %multiple_of3A_358] : memref<64x1000000xf32, #tpu.memory_space<hbm>> -> memref<64x128xf32, #tpu.memory_space<hbm>>
          tpu.enqueue_dma source(%dma_start3A_372 : memref<64x128xf32, #tpu.memory_space<hbm>>) target(%dma_start3A_370 : memref<64x128xf32, #tpu.memory_space<vmem>>) target_semaphore(%dma_start3A_366 : memref<!tpu.dma_semaphore, #tpu.memory_space<semaphore_mem>>)
        } else {
        }
        %scan3A_346 = arith.constant 0 : i32
        scf.yield %scan3A_346 : i32
      }
      %scan3A_303 = arith.constant 64 : i32
      %add3A_304 = arith.addi %mul3A_2, %mul3A_33 : i32
      %multiple_of3A_305 = tpu.assume_multiple %add3A_304, 8 : i32
      "tpu.region"() ({
        %run_scoped3A = tpu.sem_alloc : memref<!tpu.dma_semaphore, #tpu.memory_space<semaphore_mem>>
        %dma_start3A_307 = arith.constant 0 : i32
        %dma_start3A_308 = tpu.memref_slice %arg12[%multiple_of3A_305, %dma_start3A_307] : memref<16384x128xf32, #tpu.memory_space<hbm>> -> memref<64x128xf32, #tpu.memory_space<hbm>>
        %dma_start3A_309 = arith.constant 0 : i32
        %dma_start3A_310 = tpu.memref_slice %arg12[%multiple_of3A_305, %dma_start3A_309] : memref<16384x128xf32, #tpu.memory_space<hbm>> -> memref<64x128xf32, #tpu.memory_space<hbm>>
        tpu.enqueue_dma source(%arg16 : memref<64x128xf32, #tpu.memory_space<vmem>>) target(%dma_start3A_310 : memref<64x128xf32, #tpu.memory_space<hbm>>) target_semaphore(%run_scoped3A : memref<!tpu.dma_semaphore, #tpu.memory_space<semaphore_mem>>)
        %dma_wait3A = arith.constant 0 : i32
        %dma_wait3A_311 = tpu.memref_slice %arg12[%multiple_of3A_305, %dma_wait3A] : memref<16384x128xf32, #tpu.memory_space<hbm>> -> memref<64x128xf32, #tpu.memory_space<hbm>>
        %dma_wait3A_312 = arith.constant 0 : i32
        %dma_wait3A_313 = tpu.memref_slice %arg12[%multiple_of3A_305, %dma_wait3A_312] : memref<16384x128xf32, #tpu.memory_space<hbm>> -> memref<64x128xf32, #tpu.memory_space<hbm>>
        tpu.wait_dma2 semaphore(%run_scoped3A : memref<!tpu.dma_semaphore, #tpu.memory_space<semaphore_mem>>) src(%arg16 : memref<64x128xf32, #tpu.memory_space<vmem>>) dst(%dma_wait3A_313 : memref<64x128xf32, #tpu.memory_space<hbm>>)
        tpu.yield
      }) : () -> ()
      %scan3A_306 = arith.constant 0 : i32
      scf.yield %scan3A_306 : i32
    }
    %scan3A_29 = arith.constant 8 : i32
    return
  }
}

</mosaic_0001>

<sc_bundles>
// kernel: _sc_gather.3.cloned.1.call-start
scs
__scs_entry_jumppad:
0x0: {  	(pc) =	sbr.rel $0x88, $3  }
0x1: {  	(tag) =	ssettag $0x0;
	lr =	simm.s32 $0x1  }
0x2: {  	[smem:$0x3F9B] =	sst lr;
	_ =	strace $0xD0000000  }
0x3: {  	_ = 	snop  }
0x4: {  	_ = 	snop  }
0x5: {  	_ = 	snop  }
0x6: {  	_ = 	snop  }
0x7: {  	_ = 	snop  }
__scs_overlays_trampoline_lowered:
0x8: {  	[smem:$0x3FAA] =	sst s0  }
0x9: {  	[smem:$0x3FAB] =	sst s1  }
0xa: {  	[smem:$0x3FAC] =	sst s2  }
0xb: {  	[smem:$0x3FAD] =	sst s3  }
0xc: {  	[smem:$0x3FAE] =	sst s4  }
0xd: {  	[smem:$0x3FAF] =	sst s5  }
0xe: {  	[smem:$0x3FB0] =	sst s6  }
0xf: {  	[smem:$0x3FB1] =	sst s7  }
0x10: {  	[smem:$0x3FB2] =	sst s8  }
0x11: {  	[smem:$0x3FB3] =	sst s9;
	s0 =	simm.s32 @!p0 $0x0  }
0x12: {  	s1 =	sld [smem:$0x3F99];
	s0 =	simm.s32 @p0 $0x1  }
0x13: {  	[smem:$0x3FB4] =	sst s0;
	s0 =	simm.s32 @!p1 $0x0  }
0x14: {  	s2 =	sld [smem:$0x3F98];
	s0 =	simm.s32 @p1 $0x1  }
0x15: {  	[smem:$0x3FB5] =	sst s0;
	s0 =	simm.s32 @!p2 $0x0  }
0x16: {  	s3 =	sld [smem:$0x3FDB];
	s0 =	simm.s32 @p2 $0x1  }
0x17: {  	s4 =	simm.s32 $0x1BF5;
	[smem:$0x3FB7] =	sst s0  }
0x18: {  	s0 =	sld [smem:$0x3F9A];
	_ =	swait.ge [sflag:s4], $0x0  }
0x19: {  	s7 =	sld [smem:$0x3F9B]  }
0x1a: {  	s8 =	sadd.s32 $0xFFFFE003, lr  }
0x1b: {  	s9 =	sadd.s32 $0xFFFFFEF7, lr;
	s5 =	simm.s32 $0xFFFFFFFF;
	p2 =	slt.u32 s8, $0xFFFFF086  }
0x1c: {  	p1 =	slt.u32 s9, $0xF7A;
	s5 =	simm.s32 @!p2 $0x0  }
0x1d: {  	s5 =	simm.s32 @p1 $0x1;
	p0 =	seq.s32 s7, s2  }
0x1e: {  	s7 =	smul.u32 @!p0 $0xF7A, s2;
	p2 =	seq.s32 @!p0 s5, $0x0  }
0x1f: {  	s9 =	smul.u32 $0xF7A, s1;
	s8 =	simm.s32 @!p0 $0x1BF5;
	p2 =	por !p2, p0  }
0x20: {  	[sflag:s8] =	ssyncset.s32 @!p0 $0xFFFFF086;
	s6 =	sadd.s32 @!p0 s3, s7;
	s7 =	simm.s32 @!p0 $0x108  }
0x21: {  	s3 =	sadd.s32 s3, s9;
	s6 =	sadd.s32 @!p0 $0x88, s6;
	s7 =	simm.s32 @p2 $0x1082  }
0x22: {  	[simem:s7], [sflag:s8] =	dma.local @!p0 [hbm:s6], $0xF7A  }
0x23: {  	s9 =	sor.u32 $0xD0000000, s2;
	s6 =	simm.s32 $0x108;
	_ =	swait.ge @!p0 [sflag:s8], $0x0  }
0x24: {  	s3 =	sadd.s32 $0x88, s3;
	s6 =	simm.s32 @!p1 $0x1082;
	[sflag:s4] =	ssyncset.s32 $0xFFFFF086  }
0x25: {  	[simem:s6], [sflag:s4] =	dma.local [hbm:s3], $0xF7A  }
0x26: {  	[smem:$0x3F9B] =	sst s1;
	(tag) =	ssettag s2;
	_ =	strace s9  }
0x27: {  	s1 =	sld [smem:$0x3FAB]  }
0x28: {  	s2 =	sld [smem:$0x3FAC]  }
0x29: {  	s4 =	sld [smem:$0x3FAE]  }
0x2a: {  	p0 =	seq.s32 s5, $0x0;
	s5 =	sld [smem:$0x3FAF]  }
0x2b: {  	s6 =	sld [smem:$0x3FB0]  }
0x2c: {  	s7 =	sld [smem:$0x3FB1]  }
0x2d: {  	s3 =	simm.s32 $0x108;
	s8 =	sld [smem:$0x3FB2]  }
0x2e: {  	s3 =	simm.s32 @!p0 $0x1082;
	s9 =	sld [smem:$0x3FB3]  }
0x2f: {  	lr =	sadd.s32 s0, s3;
	s0 =	sld [smem:$0x3FAA]  }
0x30: {  	s3 =	sld [smem:$0x3FAD]  }
0x31: {  	[smem:$0x3FB6] =	sst s10  }
0x32: {  	s10 =	sld [smem:$0x3FB4];
	_ =	sdelay $0x3  }
0x33: {  	p0 =	seq.s32 s10, $0x1;
	s10 =	sld [smem:$0x3FB6];
	_ =	sdelay $0x3  }
0x34: {  	[smem:$0x3FB6] =	sst s10  }
0x35: {  	s10 =	sld [smem:$0x3FB5];
	_ =	sdelay $0x3  }
0x36: {  	p1 =	seq.s32 s10, $0x1;
	s10 =	sld [smem:$0x3FB6];
	_ =	sdelay $0x3  }
0x37: {  	[smem:$0x3FB6] =	sst s10  }
0x38: {  	s10 =	sld [smem:$0x3FB7]  }
0x39: {  	_ = 	snop;
	(pc) =	sbr.ind lr, $3  }
0x3a: {  	_ = 	snop  }
0x3b: {  	_ = 	snop  }
0x3c: {  	p2 =	seq.s32 s10, $0x1;
	s10 =	sld [smem:$0x3FB6]  }
0x3d: {  	_ =	shalt  }
0x3e: {  	_ =	shalt  }
0x3f: {  	_ =	shalt  }
0x40: {  	_ =	shalt  }
0x41: {  	_ =	shalt  }
0x42: {  	_ =	shalt  }
0x43: {  	_ =	shalt  }
0x44: {  	_ =	shalt  }
0x45: {  	_ =	shalt  }
0x46: {  	_ =	shalt  }
0x47: {  	_ =	shalt  }
0x48: {  	_ =	shalt  }
0x49: {  	_ =	shalt  }
0x4a: {  	_ =	shalt  }
0x4b: {  	_ =	shalt  }
0x4c: {  	_ =	shalt  }
0x4d: {  	_ =	shalt  }
0x4e: {  	_ =	shalt  }
0x4f: {  	_ =	shalt  }
0x50: {  	_ =	shalt  }
0x51: {  	_ =	shalt  }
0x52: {  	_ =	shalt  }
0x53: {  	_ =	shalt  }
0x54: {  	_ =	shalt  }
0x55: {  	_ =	shalt  }
0x56: {  	_ =	shalt  }
0x57: {  	_ =	shalt  }
0x58: {  	_ =	shalt  }
0x59: {  	_ =	shalt  }
0x5a: {  	_ =	shalt  }
0x5b: {  	_ =	shalt  }
0x5c: {  	_ =	shalt  }
0x5d: {  	_ =	shalt  }
0x5e: {  	_ =	shalt  }
0x5f: {  	_ =	shalt  }
0x60: {  	_ =	shalt  }
0x61: {  	_ =	shalt  }
0x62: {  	_ =	shalt  }
0x63: {  	_ =	shalt  }
0x64: {  	_ =	shalt  }
0x65: {  	_ =	shalt  }
0x66: {  	_ =	shalt  }
0x67: {  	_ =	shalt  }
0x68: {  	_ =	shalt  }
0x69: {  	_ =	shalt  }
0x6a: {  	_ =	shalt  }
0x6b: {  	_ =	shalt  }
0x6c: {  	_ =	shalt  }
0x6d: {  	_ =	shalt  }
0x6e: {  	_ =	shalt  }
0x6f: {  	_ =	shalt  }
0x70: {  	_ =	shalt  }
0x71: {  	_ =	shalt  }
0x72: {  	_ =	shalt  }
0x73: {  	_ =	shalt  }
0x74: {  	_ =	shalt  }
0x75: {  	_ =	shalt  }
0x76: {  	_ =	shalt  }
0x77: {  	_ =	shalt  }
0x78: {  	_ =	shalt  }
0x79: {  	_ =	shalt  }
0x7a: {  	_ =	shalt  }
0x7b: {  	_ =	shalt  }
0x7c: {  	_ =	shalt  }
0x7d: {  	_ =	shalt  }
0x7e: {  	_ =	shalt  }
0x7f: {  	_ =	shalt  }
0x80: {  	_ =	shalt  }
0x81: {  	_ =	shalt  }
0x82: {  	_ =	shalt  }
0x83: {  	_ =	shalt  }
0x84: {  	_ =	shalt  }
0x85: {  	_ =	shalt  }
0x86: {  	_ =	shalt  }
0x87: {  	_ =	shalt  }
.Lfunc_end0:
.L_simem_size_0:
called_computation_lowered:
.L_overlay_start_0:
0x88: {  	s2 =	sld [smem:$0x3FD9]  }
0x89: {  	s3 =	sld [smem:$0x3FFE];
	_ =	sdelay $0x1  }
0x8a: {  	s1 =	srdreg.scid  }
0x8b: {  	s0 =	sand.u32 $0x1, s1  }
0x8c: {  	s14 =	sshll.u32 s0, $0xA;
	s2 =	sadd.s32 s3, s2  }
0x8d: {  	s2 =	sadd.s32 s2, s14  }
0x8e: {  	[smem:$0x3FC2] =	sst s2  }
0x8f: {  	_ = 	snop  }
0x90: {  	s2 =	sld [smem:$0x3FC7]  }
0x91: {  	s15 =	sld [smem:$0x3FD0]  }
0x92: {  	s4 =	sld [smem:$0x3FC6]  }
0x93: {  	s5 =	sld [smem:$0x3FC5]  }
0x94: {  	s7 =	simm.s32 $0xA;
	s8 =	simm.s32 $0x10;
	s6 =	sld [smem:$0x3FC4]  }
0x95: {  	[smem:s8], [sflag:s7] =	dma.local [hbm:s15], $0x1  }
0x96: {  	_ =	swait.eq [sflag:s7], $0x1  }
0x97: {  	s16 =	sld [smem:$0x10]  }
0x98: {  	s17 =	sld [smem:$0x11];
	[sflag:s7] =	ssyncset.done $0x0  }
0x99: {  	s9 =	sld [smem:$0x12];
	[sflag:s7] =	ssyncadd.s32 $0xFFFFFFFF  }
0x9a: {  	s18 =	sld [smem:$0x13];
	(tm) =	ssettm $0x1  }
0x9b: {  	s10 =	sld [smem:$0x3FFB];
	_ =	sdelay $0x3  }
0x9c: {  	_ =	strace s10  }
0x9d: {  	s10 =	sld [smem:$0x3FFC];
	_ =	sdelay $0x3  }
0x9e: {  	_ =	strace s10  }
0x9f: {  	s10 =	sld [smem:$0x3FFD];
	_ =	sdelay $0x3  }
0xa0: {  	_ =	strace s10  }
0xa1: {  	_ =	strace $0x8FFFFFFF  }
0xa2: {  	s19 =	sld [smem:$0x3FDB];
	_ =	sdelay $0x1  }
0xa3: {  	s11 =	simm.s32 $_scs_section_size  }
0xa4: {  	s12 =	simm.s32 $_size__tile_overlayer_lowered;
	s13 =	simm.s32 $_tile_overlayer_lowered  }
0xa5: {  	s22 =	simm.s32 $0x1BFF;
	s21 =	sshll.u32 s13, $0x1;
	s10 =	sadd.s32 s11, s19  }
0xa6: {  	s20 =	sshll.u32 s12, $0x1;
	s14 =	simm.s32 $0x0;
	s12 =	sadd.s32 s21, s10  }
0xa7: {  	[timem:s14], [sflag:s22] =	dma.local [hbm:s12], s20  }
0xa8: {  	_ =	swait.ge [sflag:s22], s20  }
0xa9: {  	s11 =	ssub.s32 $0x0, s20;
	[sflag:s22] =	ssyncset.done $0x0  }
0xaa: {  	[sflag:s22] =	ssyncadd.s32 s11;
	_ =	sdelay $0x1  }
0xab: {  	s23 =	simm.s32 $0x1B8B  }
0xac: {  	_ =	swait.ge [sflag:s23], $0x1  }
0xad: {  	[sflag:s23] =	ssyncset.done $0x0  }
0xae: {  	s25 =	simm.s32 $0x1B8E;
	s24 =	sld [smem:$0x3FFE];
	[sflag:s23] =	ssyncadd.s32 $0xFFFFFFFF  }
0xaf: {  	s26 =	simm.s32 $execute0_lowered;
	[smem:$0x3FD2] =	sst s25  }
0xb0: {  	s12 =	sshll.u32 s26, $0x1;
	_ =	strace $0x80000046;
	[dreg:$0x1] =	wrdreg $0xFFFFFFFF  }
0xb1: {  	s28 =	simm.s32 $_size_execute0_lowered;
	s10 =	sadd.s32 s10, s12;
	[dreg:$0x0] =	wrdreg $0x0  }
0xb2: {  	s12 =	sshll.u32 s28, $0x1;
	[dreg:$0x2] =	wrdreg s10  }
0xb3: {  	[dreg:$0x3] =	wrdreg s12  }
0xb4: {  	[dreg:$0x4] =	wrdreg $0xC0  }
0xb5: {  	_ =	task [dreg:s14], $0x5FFFF  }
0xb6: {  	[dreg:$0x1] =	wrdreg $0xFFFFFFFF  }
0xb7: {  	[dreg:$0x0] =	wrdreg $0x60  }
0xb8: {  	[dreg:$0x2] =	wrdreg s24  }
0xb9: {  	[dreg:$0x3] =	wrdreg s2  }
0xba: {  	[dreg:$0x4] =	wrdreg s4  }
0xbb: {  	[dreg:$0x5] =	wrdreg s5  }
0xbc: {  	[dreg:$0x6] =	wrdreg s6  }
0xbd: {  	[dreg:$0x7] =	wrdreg s16  }
0xbe: {  	[dreg:$0x8] =	wrdreg s17  }
0xbf: {  	[dreg:$0x9] =	wrdreg s9  }
0xc0: {  	[dreg:$0xa] =	wrdreg s18  }
0xc1: {  	[dreg:$0xb] =	wrdreg $0x9  }
0xc2: {  	_ =	task.clear_ibuf [dreg:s14], $0xCFFFF;
	_ =	strace $0x90000046  }
0xc3: {  	s29 =	simm.s32 $0x9;
	_ =	strace $0x80000048  }
0xc4: {  	_ =	swait.ge [sflag:s29], $0x1  }
0xc5: {  	[sflag:s29] =	ssyncadd.s32 $0xFFFFFFFF  }
0xc6: {  	_ =	strace $0x90000048  }
0xc7: {  	_ =	sfence  }
0xc8: {  	s30 =	sld [smem:$0x0];
	_ =	sdelay $0x2  }
0xc9: {  	s31 =	sshll.u32 s1, $0xD;
	s1 =	sshrl.u32 s1, $0x2  }
0xca: {  	s3 =	sand.u32 $0x4000, s31;
	s1 =	sadd.s32 s1, s30  }
0xcb: {  	s0 =	sor.u32 s3, s0;
	s1 =	sshll.u32 s1, $0x11  }
0xcc: {  	s0 =	sor.u32 s1, s0  }
0xcd: {  	s0 =	sadd.s32 $0x8F2B, s0  }
0xce: {  	[sflag:s0] =	ssyncadd.remote.s32 $0x1  }
0xcf: {  	_ =	sfence.sel $0xFFFF  }
0xd0: {  	[dreg:$0x0] =	wrdreg $0xFFFFFFFF;
	(pc) =	sbr.abs _section_cstart, $3  }
0xd1: {  	[dreg:$0x1] =	wrdreg $0xFFFFFFFF  }
0xd2: {  	_ =	task.clear_ibuf [dreg:s14], $0x2FFFF;
	_ =	strace $0x9FFFFFFF  }
0xd3: {  	(tm) =	ssettm $0x7FFFFFFF  }
tec
execute0_lowered:
.L_overlay_start_1:
0x0: {  	(tag) =	ssettag $0x1  }
0x1: {  	v0 =	vimm.s32 $0xB80;
	vm14 =	vcmask $0x300;
	vm13 =	vcmask $0x704  }
0x2: {  	vm12 =	vcmask $0xB08;
	vm11 =	vcmask $0xF0C;
	vm10 =	vcmask $0x1310  }
0x3: {  	vm9 =	vcmask $0x1714;
	vm8 =	vcmask $0x1B18;
	vm7 =	vcmask $0x1F1C  }
0x4: {  	vm6 =	vcmask $0x2320;
	vm5 =	vcmask $0x2724;
	vm4 =	vcmask $0x2B28  }
0x5: {  	vm2 =	vcmask $0x2F2C;
	vm3 =	vcmask $0x3330;
	vm1 =	vcmask $0x3734  }
0x6: {  	vm0 =	vcmask $0x3B38;
	v9 =	vimm.s32 $0x1B80;
	v10 =	vimm.s32 $0x2B80  }
0x7: {  	v11 =	vimm.s32 $0x3B80;
	v0 =	vsel vm14, $0x0, v0;
	v9 =	vsel vm14, $0x1000, v9  }
0x8: {  	v10 =	vsel vm14, $0x2000, v10;
	v11 =	vsel vm14, $0x3000, v11;
	v0 =	vsel vm13, $0x80, v0  }
0x9: {  	v9 =	vsel vm13, $0x1080, v9;
	v10 =	vsel vm13, $0x2080, v10;
	v11 =	vsel vm13, $0x3080, v11  }
0xa: {  	v0 =	vsel vm12, $0x100, v0;
	v9 =	vsel vm12, $0x1100, v9;
	v10 =	vsel vm12, $0x2100, v10  }
0xb: {  	s6 =	rddreg [dreg:$0x0];
	v11 =	vsel vm12, $0x3100, v11;
	v0 =	vsel vm11, $0x180, v0;
	v9 =	vsel vm11, $0x1180, v9  }
0xc: {  	s0 =	rddreg [dreg:$0x1];
	v10 =	vsel vm11, $0x2180, v10;
	v11 =	vsel vm11, $0x3180, v11;
	v0 =	vsel vm10, $0x200, v0  }
0xd: {  	s1 =	rddreg [dreg:$0x2];
	v9 =	vsel vm10, $0x1200, v9;
	v10 =	vsel vm10, $0x2200, v10;
	v11 =	vsel vm10, $0x3200, v11  }
0xe: {  	s2 =	rddreg [dreg:$0x3];
	v0 =	vsel vm9, $0x280, v0;
	v9 =	vsel vm9, $0x1280, v9;
	v10 =	vsel vm9, $0x2280, v10  }
0xf: {  	s3 =	rddreg [dreg:$0x4];
	s4 =	srdreg.scid;
	v11 =	vsel vm9, $0x3280, v11;
	v1 =	vsel vm8, $0x300, v0;
	v0 =	vlaneseq.u32  }
0x10: {  	s5 =	stileid.u32;
	s16 =	simm.s32 $0x400;
	s17 =	simm.s32 $0xB;
	v9 =	vsel vm8, $0x1300, v9;
	v10 =	vsel vm8, $0x2300, v10;
	v11 =	vsel vm8, $0x3300, v11  }
0x11: {  	s11 =	simm.s32 $0x0;
	s20 =	simm.s32 $0x16500;
	s21 =	simm.s32 $0x7A1400;
	v2 =	vsel vm7, $0x380, v1;
	v1 =	vmul.u32 $0x80, v0;
	v7 =	vor.u32 $0x30, v0  }
0x12: {  	s22 =	simm.s32 $0x500;
	s23 =	simm.s32 $0x2500;
	s24 =	simm.s32 $0x4500;
	v9 =	vsel vm7, $0x1380, v9;
	v10 =	vsel vm7, $0x2380, v10;
	v11 =	vsel vm7, $0x3380, v11  }
0x13: {  	s28 =	simm.s32 $0xA500;
	s29 =	simm.s32 $0xC500;
	s30 =	simm.s32 $0xE500;
	v2 =	vsel vm6, $0x800, v2;
	v9 =	vsel vm6, $0x1800, v9;
	v10 =	vsel vm6, $0x2800, v10  }
0x14: {  	s31 =	simm.s32 $0x10500;
	s4 =	sand.u32 $0x1, s4;
	s5 =	sshll.u32 s5, $0x1;
	v11 =	vsel vm6, $0x3800, v11;
	v3 =	vsel vm5, $0x880, v2;
	v2 =	vor.u32 $0x800, v1  }
0x15: {  	[smem:$0x7FF] =	sst s11;
	s5 =	sor.u32 s4, s5;
	s4 =	ssub.s32 $0x2, s4;
	v9 =	vsel vm5, $0x1880, v9;
	v10 =	vsel vm5, $0x2880, v10;
	v11 =	vsel vm5, $0x3880, v11  }
0x16: {  	_ =	strace $0x80000047;
	s10 =	sshll.u32 s5, $0x9;
	s5 =	sshll.u32 s5, $0x7;
	v4 =	vsel vm4, $0x900, v3;
	v3 =	vor.u32 $0x10, v0;
	v9 =	vsel vm4, $0x1900, v9  }
0x17: {  	s25 =	sshrl.u32 s4, $0x1;
	s8 =	sand.u32 $0x3000, s10;
	s5 =	sand.u32 $0x380, s5;
	v10 =	vsel vm4, $0x2900, v10;
	v11 =	vsel vm4, $0x3900, v11;
	v5 =	vsel vm2, $0x980, v4  }
0x18: {  	s4 =	ssub.s32 s4, s25;
	s25 =	simm.s32 $0x6500;
	s5 =	sor.u32 s5, s8;
	v4 =	vor.u32 $0x1000, v1;
	v9 =	vsel vm2, $0x1980, v9;
	v10 =	vsel vm2, $0x2980, v10  }
.Ltmp0:
0x19: {  	s4 =	smax.u32 s4, $0x1;
	s5 =	sshrl.u32 s5, $0x3;
	v11 =	vsel vm2, $0x3980, v11;
	v6 =	vsel vm3, $0xA00, v5;
	v5 =	vor.u32 $0x20, v0;
	(pc) =	sbr.rel .LBB2_1-.Ltmp0, $4  }
0x1a: {  	[dreg:$0xd] =	wrdreg s4;
	s5 =	sadd.s32 s5, s6;
	s6 =	sadd.s32 $0x1600, s6;
	v9 =	vsel vm3, $0x1A00, v9;
	v10 =	vsel vm3, $0x2A00, v10;
	v11 =	vsel vm3, $0x3A00, v11  }
0x1b: {  	s8 =	simm.s32 $0x12500;
	[dreg:$0xa] =	wrdreg s6;
	s26 =	sadd.s32 $0x600, s5;
	v8 =	vsel vm1, $0xA80, v6;
	v6 =	vor.u32 $0x1800, v1;
	v9 =	vsel vm1, $0x1A80, v9  }
0x1c: {  	s5 =	sadd.s32 $0xE00, s5;
	s6 =	simm.s32 $0x14500;
	[dreg:$0xb] =	wrdreg s26;
	v10 =	vsel vm1, $0x2A80, v10;
	v11 =	vsel vm1, $0x3A80, v11;
	v8 =	vsel vm0, $0xB00, v8  }
0x1d: {  	[dreg:$0xc] =	wrdreg s5;
	s26 =	simm.s32 $0x8500;
	s5 =	simm.s32 $0x0;
	v9 =	vsel vm0, $0x1B00, v9;
	v10 =	vsel vm0, $0x2B00, v10;
	v11 =	vsel vm0, $0x3B00, v11  }
.LBB2_29:
0x1e: {  	s5 =	rddreg [dreg:$0xe]  }
0x1f: {  	s4 =	rddreg [dreg:$0xd];
	s5 =	sadd.s32 $0x1, s5  }
0x20: {  	p0 =	sne.s32 s5, s4  }
.Ltmp1:
0x21: {  	_ = 	snop;
	(pc) =	sbr.rel @!p0 .LBB2_30-.Ltmp1, $1  }
0x22: {  	_ =	sdelay $0x3  }
.LBB2_1:
0x23: {  	[dreg:$0xe] =	wrdreg s5  }
0x24: {  	s4 =	rddreg [dreg:$0xb];
	s7 =	simm.s32 $0x80  }
0x25: {  	[tilespmem:s11], [sflag:$0xB] =	stream.strided.gather [hbm4b:s4+s7], $0x200, s16, s7, $0x38;
	[tilespmem:$0x1A500] =	vst v63  }
0x26: {  	_ =	swait.ge [sflag:s17], $0x200  }
0x27: {  	[sflag:s17] =	ssyncset.done $0x0  }
0x28: {  	s18 =	simm.s32 $0x280;
	s15 =	rddreg [dreg:$0xc];
	[sflag:s17] =	ssyncadd.s32 $0xFFFFFE00  }
0x29: {  	[tilespmem:s18], [sflag:$0xB] =	stream.strided.gather [hbm4b:s15+s7], $0x200, s16, s7, $0x38;
	[tilespmem:$0x1A500] =	vst v63  }
0x2a: {  	_ =	swait.ge [sflag:s17], $0x200  }
0x2b: {  	[sflag:s17] =	ssyncset.done $0x0  }
.Ltmp2:
0x2c: {  	s19 =	rddreg [dreg:$0xa];
	[sflag:s17] =	ssyncadd.s32 $0xFFFFFE00;
	(pc) =	sbr.rel .LBB2_2-.Ltmp2, $4  }
0x2d: {  	[tilespmem:s20], [sflag:$0xB] =	stream.linear.gather [hbm4b:s19+s11], $0x4000, $0x38;
	[tilespmem:$0x1A500] =	vst v63  }
0x2e: {  	_ =	swait.ge [sflag:s17], $0x4000  }
0x2f: {  	[sflag:s17] =	ssyncset.done $0x0  }
0x30: {  	s13 =	simm.s32 $0x0;
	s15 =	simm.s32 $0x0;
	[sflag:s17] =	ssyncadd.s32 $0xFFFFC000  }
.LBB2_7:
0x31: {  	s4 =	sadd.s32 s10, s12;
	s13 =	sadd.s32 $0x1, s13  }
0x32: {  	s5 =	rddreg [dreg:$0x5];
	s4 =	sshll.u32 s4, $0x4;
	p0 =	sne.s32 s13, $0x8  }
.Ltmp3:
0x33: {  	s12 =	simm.s32 $0x0;
	s4 =	sadd.s32 s5, s4;
	(pc) =	sbr.rel @!p0 .LBB2_8-.Ltmp3, $4  }
0x34: {  	[hbm4b:s4+s12] =	stream.linear.scatter [tilespmem:s6], [sflag:$0xB], $0x2000, $0x38;
	[tilespmem:$0x1A500] =	vst v63  }
0x35: {  	_ =	swait.ge [sflag:s17], $0x2000  }
0x36: {  	[sflag:s17] =	ssyncset.done $0x0  }
0x37: {  	s15 =	sadd.s32 $0x40, s15;
	[sflag:s17] =	ssyncadd.s32 $0xFFFFE000  }
.LBB2_2:
0x38: {  	s12 =	sshll.u32 s13, $0x6  }
0x39: {  	v12 =	vld [tilespmem:s12+$0x0];
	_ =	sdelay $0x4  }
0x3a: {  	(v2sf) =	vpush v12, $0x0;
	_ =	sdelay $0xe  }
0x3b: {  	s4 =	spop (v2sf)  }
0x3c: {  	s4 =	sand.u32 $0xFFFFFF80, s4  }
0x3d: {  	p0 =	slt.s32 s4, $0xF4180  }
0x3e: {  	s4 =	simm.s32 @!p0 $0xF4180  }
0x3f: {  	s4 =	sadd.s32 s0, s4  }
0x40: {  	[tilespmem:s22], [sflag:$0x1] =	stream.strided.gather [hbm4b:s4+s16], $0x2000, s21, s16, $0x38;
	[tilespmem:$0x1A500] =	vst v63  }
0x41: {  	v55 =	vld [tilespmem:s12+$0x1];
	_ =	sdelay $0x4  }
0x42: {  	(v2sf) =	vpush v55, $0x0;
	_ =	sdelay $0xe  }
0x43: {  	s14 =	spop (v2sf)  }
0x44: {  	s4 =	sand.u32 $0xFFFFFF80, s14  }
0x45: {  	p0 =	slt.s32 s4, $0xF4180  }
0x46: {  	s4 =	simm.s32 @!p0 $0xF4180  }
0x47: {  	s4 =	sadd.s32 s0, s4  }
0x48: {  	[tilespmem:s23], [sflag:$0x2] =	stream.strided.gather [hbm4b:s4+s16], $0x2000, s21, s16, $0x38;
	[tilespmem:$0x1A500] =	vst v63  }
0x49: {  	v56 =	vld [tilespmem:s12+$0x2];
	_ =	sdelay $0x4  }
0x4a: {  	(v2sf) =	vpush v56, $0x0;
	_ =	sdelay $0xe  }
0x4b: {  	s18 =	spop (v2sf)  }
0x4c: {  	s4 =	sand.u32 $0xFFFFFF80, s18  }
0x4d: {  	p0 =	slt.s32 s4, $0xF4180  }
0x4e: {  	s4 =	simm.s32 @!p0 $0xF4180  }
0x4f: {  	s4 =	sadd.s32 s0, s4  }
0x50: {  	[tilespmem:s24], [sflag:$0x3] =	stream.strided.gather [hbm4b:s4+s16], $0x2000, s21, s16, $0x38;
	[tilespmem:$0x1A500] =	vst v63  }
0x51: {  	v57 =	vld [tilespmem:s12+$0x3];
	_ =	sdelay $0x4  }
0x52: {  	(v2sf) =	vpush v57, $0x0;
	_ =	sdelay $0xe  }
0x53: {  	s19 =	spop (v2sf)  }
0x54: {  	s4 =	sand.u32 $0xFFFFFF80, s19  }
0x55: {  	p0 =	slt.s32 s4, $0xF4180  }
0x56: {  	s4 =	simm.s32 @!p0 $0xF4180  }
0x57: {  	s4 =	sadd.s32 s0, s4  }
0x58: {  	[tilespmem:s25], [sflag:$0x4] =	stream.strided.gather [hbm4b:s4+s16], $0x2000, s21, s16, $0x38;
	[tilespmem:$0x1A500] =	vst v63  }
0x59: {  	v58 =	vld [tilespmem:s12+$0x4];
	_ =	sdelay $0x4  }
0x5a: {  	(v2sf) =	vpush v58, $0x0;
	_ =	sdelay $0xe  }
0x5b: {  	s5 =	spop (v2sf)  }
0x5c: {  	s4 =	sand.u32 $0xFFFFFF80, s5  }
0x5d: {  	p0 =	slt.s32 s4, $0xF4180  }
0x5e: {  	s4 =	simm.s32 @!p0 $0xF4180  }
0x5f: {  	s4 =	sadd.s32 s0, s4  }
0x60: {  	[tilespmem:s26], [sflag:$0x5] =	stream.strided.gather [hbm4b:s4+s16], $0x2000, s21, s16, $0x38;
	[tilespmem:$0x1A500] =	vst v63  }
0x61: {  	v59 =	vld [tilespmem:s12+$0x5];
	_ =	sdelay $0x4  }
0x62: {  	(v2sf) =	vpush v59, $0x0;
	_ =	sdelay $0xe  }
0x63: {  	s7 =	spop (v2sf)  }
0x64: {  	s4 =	sand.u32 $0xFFFFFF80, s7  }
0x65: {  	p0 =	slt.s32 s4, $0xF4180  }
0x66: {  	s4 =	simm.s32 @!p0 $0xF4180  }
0x67: {  	s4 =	sadd.s32 s0, s4  }
0x68: {  	[tilespmem:s28], [sflag:$0x6] =	stream.strided.gather [hbm4b:s4+s16], $0x2000, s21, s16, $0x38;
	[tilespmem:$0x1A500] =	vst v63  }
0x69: {  	v60 =	vld [tilespmem:s12+$0x6];
	_ =	sdelay $0x4  }
0x6a: {  	(v2sf) =	vpush v60, $0x0;
	_ =	sdelay $0xe  }
0x6b: {  	s9 =	spop (v2sf)  }
0x6c: {  	s4 =	sand.u32 $0xFFFFFF80, s9  }
0x6d: {  	p0 =	slt.s32 s4, $0xF4180  }
0x6e: {  	s4 =	simm.s32 @!p0 $0xF4180  }
0x6f: {  	s4 =	sadd.s32 s0, s4  }
0x70: {  	[tilespmem:s29], [sflag:$0x7] =	stream.strided.gather [hbm4b:s4+s16], $0x2000, s21, s16, $0x38;
	[tilespmem:$0x1A500] =	vst v63  }
0x71: {  	v61 =	vld [tilespmem:s12+$0x7];
	_ =	sdelay $0x4  }
0x72: {  	(v2sf) =	vpush v61, $0x0;
	_ =	sdelay $0xe  }
0x73: {  	s14 =	spop (v2sf)  }
0x74: {  	s4 =	sand.u32 $0xFFFFFF80, s14  }
0x75: {  	p0 =	slt.s32 s4, $0xF4180  }
0x76: {  	s4 =	simm.s32 @!p0 $0xF4180  }
0x77: {  	s4 =	sadd.s32 s0, s4  }
0x78: {  	[tilespmem:s30], [sflag:$0x8] =	stream.strided.gather [hbm4b:s4+s16], $0x2000, s21, s16, $0x38;
	[tilespmem:$0x1A500] =	vst v63  }
0x79: {  	v62 =	vld [tilespmem:s12+$0x8];
	_ =	sdelay $0x4  }
0x7a: {  	(v2sf) =	vpush v62, $0x0;
	_ =	sdelay $0xe  }
0x7b: {  	s18 =	spop (v2sf)  }
0x7c: {  	s4 =	sand.u32 $0xFFFFFF80, s18  }
0x7d: {  	p0 =	slt.s32 s4, $0xF4180  }
0x7e: {  	s4 =	simm.s32 @!p0 $0xF4180  }
0x7f: {  	s4 =	sadd.s32 s0, s4  }
0x80: {  	[tilespmem:s31], [sflag:$0x9] =	stream.strided.gather [hbm4b:s4+s16], $0x2000, s21, s16, $0x38;
	[tilespmem:$0x1A500] =	vst v63  }
0x81: {  	v63 =	vld [tilespmem:s12+$0x9];
	_ =	sdelay $0x4  }
0x82: {  	(v2sf) =	vpush v63, $0x0;
	_ =	sdelay $0xe  }
0x83: {  	s19 =	spop (v2sf)  }
.Ltmp4:
0x84: {  	s4 =	sand.u32 $0xFFFFFF80, s19;
	(pc) =	sbr.rel .LBB2_3-.Ltmp4, $4  }
0x85: {  	p0 =	slt.s32 s4, $0xF4180  }
0x86: {  	s4 =	simm.s32 @!p0 $0xF4180  }
0x87: {  	s14 =	simm.s32 $0x0;
	s19 =	smov.u32 s15;
	s4 =	sadd.s32 s0, s4  }
0x88: {  	[tilespmem:s8], [sflag:$0xA] =	stream.strided.gather [hbm4b:s4+s16], $0x2000, s21, s16, $0x38;
	[tilespmem:$0x1A500] =	vst v63  }
.LBB2_5:
0x89: {  	s5 =	sadd.s32 $0xFFF0BE00, s5  }
0x8a: {  	v12 =	vmov s5  }
0x8b: {  	v13 =	vshll.u32 v12, $0x3  }
0x8c: {  	v12 =	vand.u32 $0x7F, v12;
	v13 =	vand.u32 $0xFFFFFC00, v13  }
0x8d: {  	v12 =	vor.u32 v12, v13  }
0x8e: {  	v13 =	vadd.s32 v8, v12;
	_ =	sdelay $0x3  }
0x8f: {  	s9 =	sshll.u32 s14, $0x7  }
0x90: {  	v14 =	vor.u32 s9, v0;
	v13 =	vld.idx.msk [tilespmem:v13+s20+$0x0], $0xffff  }
0x91: {  	v15 =	vadd.s32 v9, v12;
	_ =	sdelay $0x3  }
0x92: {  	[tilespmem:v14+s6+$0x0] =	vst.idx.msk $0xffff, v13  }
0x93: {  	v14 =	vor.u32 s9, v3;
	v13 =	vld.idx.msk [tilespmem:v15+s20+$0x0], $0xffff  }
0x94: {  	v15 =	vadd.s32 v10, v12;
	_ =	sdelay $0x3  }
0x95: {  	[tilespmem:v14+s6+$0x0] =	vst.idx.msk $0xffff, v13  }
0x96: {  	v14 =	vor.u32 s9, v5;
	v13 =	vld.idx.msk [tilespmem:v15+s20+$0x0], $0xffff  }
0x97: {  	v15 =	vadd.s32 v11, v12;
	_ =	sdelay $0x3  }
0x98: {  	[tilespmem:v14+s6+$0x0] =	vst.idx.msk $0xffff, v13  }
0x99: {  	v12 =	vmov s9;
	v13 =	vld.idx.msk [tilespmem:v15+s20+$0x0], $0xffff  }
.LBB2_6:
0x9a: {  	v12 =	vor.u32 v7, v12;
	_ =	sdelay $0x4  }
0x9b: {  	p0 =	sgt.u32 s14, $0x35;
	[tilespmem:v12+s6+$0x0] =	vst.idx.msk $0xffff, v13  }
0x9c: {  	v12 =	vld @!p0 [tilespmem:s19+$0xA];
	_ =	sdelay $0x4  }
0x9d: {  	(v2sf) =	vpush @!p0 v12, $0x0;
	_ =	sdelay $0xe  }
0x9e: {  	s5 =	spop @!p0 (v2sf)  }
0x9f: {  	s5 =	sand.u32 @!p0 $0xFFFFFF80, s5  }
0xa0: {  	p1 =	slt.s32 @!p0 s5, $0xF4180  }
0xa1: {  	p1 =	por !p1, p0  }
0xa2: {  	s14 =	sadd.s32 $0x1, s14;
	s5 =	simm.s32 @p1 $0xF4180  }
0xa3: {  	s7 =	simm.s32 @!p0 $0x400;
	s9 =	simm.s32 @!p0 $0x7A1400;
	s5 =	sadd.s32 @!p0 s0, s5  }
0xa4: {  	[tilespmem:s4], [sflag:s18] =	stream.strided.gather @!p0 [hbm4b:s5+s7], $0x2000, s9, s7, $0x38;
	[tilespmem:$0x1A500] =	vst v63  }
0xa5: {  	p0 =	sne.s32 s14, $0x40  }
.Ltmp5:
0xa6: {  	_ = 	snop;
	(pc) =	sbr.rel @!p0 .LBB2_7-.Ltmp5, $2  }
0xa7: {  	_ =	sdelay $0x2  }
0xa8: {  	s19 =	sadd.s32 $0x1, s19  }
.LBB2_3:
0xa9: {  	v12 =	vld [tilespmem:s19+$0x0];
	_ =	sdelay $0x4  }
0xaa: {  	(v2sf) =	vpush v12, $0x0;
	_ =	sdelay $0x9  }
0xab: {  	s4 =	smul.u32 $0xCD, s14;
	_ =	sdelay $0x1  }
0xac: {  	s4 =	sshrl.u32 s4, $0xB  }
0xad: {  	s4 =	sand.u32 $0x1F, s4  }
0xae: {  	s4 =	smul.u32 $0xA, s4  }
0xaf: {  	s5 =	spop (v2sf)  }
0xb0: {  	s4 =	ssub.s32 s14, s4;
	p0 =	sgt.s32 s5, $0xF41FF  }
.Ltmp6:
0xb1: {  	s4 =	sand.u32 $0xFF, s4;
	(pc) =	sbr.rel @p0 .LBB2_5-.Ltmp6, $4  }
0xb2: {  	s18 =	sadd.s32 $0x1, s4  }
0xb3: {  	_ =	swait.ge [sflag:s18], $0x2000  }
0xb4: {  	s4 =	sshll.u32 s4, $0xD;
	[sflag:s18] =	ssyncset.done $0x0  }
0xb5: {  	s4 =	sor.u32 $0x500, s4;
	[sflag:s18] =	ssyncadd.s32 $0xFFFFE000  }
0xb6: {  	s7 =	sand.u32 $0xFFFFFF80, s5  }
0xb7: {  	p0 =	slt.s32 s7, $0xF4180  }
0xb8: {  	s7 =	simm.s32 @!p0 $0xF4180  }
0xb9: {  	s7 =	ssub.s32 s5, s7  }
0xba: {  	v12 =	vadd.s32 s7, v1;
	_ =	sdelay $0x3  }
0xbb: {  	s9 =	sshll.u32 s14, $0x7  }
0xbc: {  	v13 =	vor.u32 s9, v0;
	v12 =	vld.idx.msk [tilespmem:v12+s4+$0x0], $0xffff  }
0xbd: {  	v14 =	vadd.s32 s7, v2;
	_ =	sdelay $0x3  }
0xbe: {  	[tilespmem:v13+s6+$0x0] =	vst.idx.msk $0xffff, v12  }
0xbf: {  	v13 =	vor.u32 s9, v3;
	v12 =	vld.idx.msk [tilespmem:v14+s4+$0x0], $0xffff  }
0xc0: {  	v14 =	vadd.s32 s7, v4;
	_ =	sdelay $0x3  }
0xc1: {  	[tilespmem:v13+s6+$0x0] =	vst.idx.msk $0xffff, v12  }
0xc2: {  	v13 =	vor.u32 s9, v5;
	v12 =	vld.idx.msk [tilespmem:v14+s4+$0x0], $0xffff  }
0xc3: {  	v14 =	vadd.s32 s7, v6  }
.Ltmp7:
0xc4: {  	_ = 	snop;
	(pc) =	sbr.rel .LBB2_6-.Ltmp7, $3  }
0xc5: {  	_ =	sdelay $0x1  }
0xc6: {  	[tilespmem:v13+s6+$0x0] =	vst.idx.msk $0xffff, v12  }
0xc7: {  	v12 =	vmov s9;
	v13 =	vld.idx.msk [tilespmem:v14+s4+$0x0], $0xffff  }
.LBB2_8:
.Ltmp8:
0xc8: {  	(pc) =	sbr.rel .LBB2_9-.Ltmp8, $2  }
0xc9: {  	_ =	sdelay $0x2  }
0xca: {  	s13 =	simm.s32 $0x280  }
.LBB2_14:
0xcb: {  	s4 =	sadd.s32 s10, s19;
	s12 =	sadd.s32 $0x1, s12  }
0xcc: {  	s5 =	rddreg [dreg:$0x6];
	s4 =	sshll.u32 s4, $0x4;
	p0 =	sne.s32 s12, $0x8  }
.Ltmp9:
0xcd: {  	s19 =	simm.s32 $0x0;
	s4 =	sadd.s32 s5, s4;
	(pc) =	sbr.rel @!p0 .LBB2_15-.Ltmp9, $4  }
0xce: {  	[hbm4b:s4+s19] =	stream.linear.scatter [tilespmem:s6], [sflag:$0xB], $0x2000, $0x38;
	[tilespmem:$0x1A500] =	vst v63  }
0xcf: {  	_ =	swait.ge [sflag:s17], $0x2000  }
0xd0: {  	[sflag:s17] =	ssyncset.done $0x0  }
0xd1: {  	s13 =	sadd.s32 $0x40, s13;
	[sflag:s17] =	ssyncadd.s32 $0xFFFFE000  }
.LBB2_9:
0xd2: {  	s19 =	sshll.u32 s12, $0x6  }
0xd3: {  	v12 =	vld [tilespmem:s19+$0x280];
	_ =	sdelay $0x4  }
0xd4: {  	(v2sf) =	vpush v12, $0x0;
	_ =	sdelay $0xe  }
0xd5: {  	s4 =	spop (v2sf)  }
0xd6: {  	s4 =	sand.u32 $0xFFFFFF80, s4  }
0xd7: {  	p0 =	slt.s32 s4, $0xF4180  }
0xd8: {  	s4 =	simm.s32 @!p0 $0xF4180  }
0xd9: {  	s4 =	sadd.s32 s1, s4  }
0xda: {  	[tilespmem:s22], [sflag:$0x1] =	stream.strided.gather [hbm4b:s4+s16], $0x2000, s21, s16, $0x38;
	[tilespmem:$0x1A500] =	vst v63  }
0xdb: {  	v55 =	vld [tilespmem:s19+$0x281];
	_ =	sdelay $0x4  }
0xdc: {  	(v2sf) =	vpush v55, $0x0;
	_ =	sdelay $0xe  }
0xdd: {  	s14 =	spop (v2sf)  }
0xde: {  	s4 =	sand.u32 $0xFFFFFF80, s14  }
0xdf: {  	p0 =	slt.s32 s4, $0xF4180  }
0xe0: {  	s4 =	simm.s32 @!p0 $0xF4180  }
0xe1: {  	s4 =	sadd.s32 s1, s4  }
0xe2: {  	[tilespmem:s23], [sflag:$0x2] =	stream.strided.gather [hbm4b:s4+s16], $0x2000, s21, s16, $0x38;
	[tilespmem:$0x1A500] =	vst v63  }
0xe3: {  	v56 =	vld [tilespmem:s19+$0x282];
	_ =	sdelay $0x4  }
0xe4: {  	(v2sf) =	vpush v56, $0x0;
	_ =	sdelay $0xe  }
0xe5: {  	s15 =	spop (v2sf)  }
0xe6: {  	s4 =	sand.u32 $0xFFFFFF80, s15  }
0xe7: {  	p0 =	slt.s32 s4, $0xF4180  }
0xe8: {  	s4 =	simm.s32 @!p0 $0xF4180  }
0xe9: {  	s4 =	sadd.s32 s1, s4  }
0xea: {  	[tilespmem:s24], [sflag:$0x3] =	stream.strided.gather [hbm4b:s4+s16], $0x2000, s21, s16, $0x38;
	[tilespmem:$0x1A500] =	vst v63  }
0xeb: {  	v57 =	vld [tilespmem:s19+$0x283];
	_ =	sdelay $0x4  }
0xec: {  	(v2sf) =	vpush v57, $0x0;
	_ =	sdelay $0xe  }
0xed: {  	s18 =	spop (v2sf)  }
0xee: {  	s4 =	sand.u32 $0xFFFFFF80, s18  }
0xef: {  	p0 =	slt.s32 s4, $0xF4180  }
0xf0: {  	s4 =	simm.s32 @!p0 $0xF4180  }
0xf1: {  	s4 =	sadd.s32 s1, s4  }
0xf2: {  	[tilespmem:s25], [sflag:$0x4] =	stream.strided.gather [hbm4b:s4+s16], $0x2000, s21, s16, $0x38;
	[tilespmem:$0x1A500] =	vst v63  }
0xf3: {  	v58 =	vld [tilespmem:s19+$0x284];
	_ =	sdelay $0x4  }
0xf4: {  	(v2sf) =	vpush v58, $0x0;
	_ =	sdelay $0xe  }
0xf5: {  	s5 =	spop (v2sf)  }
0xf6: {  	s4 =	sand.u32 $0xFFFFFF80, s5  }
0xf7: {  	p0 =	slt.s32 s4, $0xF4180  }
0xf8: {  	s4 =	simm.s32 @!p0 $0xF4180  }
0xf9: {  	s4 =	sadd.s32 s1, s4  }
0xfa: {  	[tilespmem:s26], [sflag:$0x5] =	stream.strided.gather [hbm4b:s4+s16], $0x2000, s21, s16, $0x38;
	[tilespmem:$0x1A500] =	vst v63  }
0xfb: {  	v59 =	vld [tilespmem:s19+$0x285];
	_ =	sdelay $0x4  }
0xfc: {  	(v2sf) =	vpush v59, $0x0;
	_ =	sdelay $0xe  }
0xfd: {  	s7 =	spop (v2sf)  }
0xfe: {  	s4 =	sand.u32 $0xFFFFFF80, s7  }
0xff: {  	p0 =	slt.s32 s4, $0xF4180  }
0x100: {  	s4 =	simm.s32 @!p0 $0xF4180  }
0x101: {  	s4 =	sadd.s32 s1, s4  }
0x102: {  	[tilespmem:s28], [sflag:$0x6] =	stream.strided.gather [hbm4b:s4+s16], $0x2000, s21, s16, $0x38;
	[tilespmem:$0x1A500] =	vst v63  }
0x103: {  	v60 =	vld [tilespmem:s19+$0x286];
	_ =	sdelay $0x4  }
0x104: {  	(v2sf) =	vpush v60, $0x0;
	_ =	sdelay $0xe  }
0x105: {  	s9 =	spop (v2sf)  }
0x106: {  	s4 =	sand.u32 $0xFFFFFF80, s9  }
0x107: {  	p0 =	slt.s32 s4, $0xF4180  }
0x108: {  	s4 =	simm.s32 @!p0 $0xF4180  }
0x109: {  	s4 =	sadd.s32 s1, s4  }
0x10a: {  	[tilespmem:s29], [sflag:$0x7] =	stream.strided.gather [hbm4b:s4+s16], $0x2000, s21, s16, $0x38;
	[tilespmem:$0x1A500] =	vst v63  }
0x10b: {  	v61 =	vld [tilespmem:s19+$0x287];
	_ =	sdelay $0x4  }
0x10c: {  	(v2sf) =	vpush v61, $0x0;
	_ =	sdelay $0xe  }
0x10d: {  	s14 =	spop (v2sf)  }
0x10e: {  	s4 =	sand.u32 $0xFFFFFF80, s14  }
0x10f: {  	p0 =	slt.s32 s4, $0xF4180  }
0x110: {  	s4 =	simm.s32 @!p0 $0xF4180  }
0x111: {  	s4 =	sadd.s32 s1, s4  }
0x112: {  	[tilespmem:s30], [sflag:$0x8] =	stream.strided.gather [hbm4b:s4+s16], $0x2000, s21, s16, $0x38;
	[tilespmem:$0x1A500] =	vst v63  }
0x113: {  	v62 =	vld [tilespmem:s19+$0x288];
	_ =	sdelay $0x4  }
0x114: {  	(v2sf) =	vpush v62, $0x0;
	_ =	sdelay $0xe  }
0x115: {  	s15 =	spop (v2sf)  }
0x116: {  	s4 =	sand.u32 $0xFFFFFF80, s15  }
0x117: {  	p0 =	slt.s32 s4, $0xF4180  }
0x118: {  	s4 =	simm.s32 @!p0 $0xF4180  }
0x119: {  	s4 =	sadd.s32 s1, s4  }
0x11a: {  	[tilespmem:s31], [sflag:$0x9] =	stream.strided.gather [hbm4b:s4+s16], $0x2000, s21, s16, $0x38;
	[tilespmem:$0x1A500] =	vst v63  }
0x11b: {  	v63 =	vld [tilespmem:s19+$0x289];
	_ =	sdelay $0x4  }
0x11c: {  	(v2sf) =	vpush v63, $0x0;
	_ =	sdelay $0xe  }
0x11d: {  	s18 =	spop (v2sf)  }
.Ltmp10:
0x11e: {  	s4 =	sand.u32 $0xFFFFFF80, s18;
	(pc) =	sbr.rel .LBB2_10-.Ltmp10, $4  }
0x11f: {  	p0 =	slt.s32 s4, $0xF4180  }
0x120: {  	s4 =	simm.s32 @!p0 $0xF4180  }
0x121: {  	s14 =	smov.u32 s13;
	s15 =	simm.s32 $0x0;
	s4 =	sadd.s32 s1, s4  }
0x122: {  	[tilespmem:s8], [sflag:$0xA] =	stream.strided.gather [hbm4b:s4+s16], $0x2000, s21, s16, $0x38;
	[tilespmem:$0x1A500] =	vst v63  }
.LBB2_12:
0x123: {  	s5 =	sadd.s32 $0xFFF0BE40, s5  }
0x124: {  	v12 =	vmov s5  }
0x125: {  	v13 =	vshll.u32 v12, $0x3  }
0x126: {  	v12 =	vand.u32 $0x7F, v12;
	v13 =	vand.u32 $0xFFFFFC00, v13  }
0x127: {  	v12 =	vor.u32 v12, v13  }
0x128: {  	v13 =	vadd.s32 v8, v12;
	_ =	sdelay $0x3  }
0x129: {  	s9 =	sshll.u32 s15, $0x7  }
0x12a: {  	v14 =	vor.u32 s9, v0;
	v13 =	vld.idx.msk [tilespmem:v13+s20+$0x0], $0xffff  }
0x12b: {  	v15 =	vadd.s32 v9, v12;
	_ =	sdelay $0x3  }
0x12c: {  	[tilespmem:v14+s6+$0x0] =	vst.idx.msk $0xffff, v13  }
0x12d: {  	v14 =	vor.u32 s9, v3;
	v13 =	vld.idx.msk [tilespmem:v15+s20+$0x0], $0xffff  }
0x12e: {  	v15 =	vadd.s32 v10, v12;
	_ =	sdelay $0x3  }
0x12f: {  	[tilespmem:v14+s6+$0x0] =	vst.idx.msk $0xffff, v13  }
0x130: {  	v14 =	vor.u32 s9, v5;
	v13 =	vld.idx.msk [tilespmem:v15+s20+$0x0], $0xffff  }
0x131: {  	v15 =	vadd.s32 v11, v12;
	_ =	sdelay $0x3  }
0x132: {  	[tilespmem:v14+s6+$0x0] =	vst.idx.msk $0xffff, v13  }
0x133: {  	v12 =	vmov s9;
	v13 =	vld.idx.msk [tilespmem:v15+s20+$0x0], $0xffff  }
.LBB2_13:
0x134: {  	v12 =	vor.u32 v7, v12;
	_ =	sdelay $0x4  }
0x135: {  	p0 =	sgt.u32 s15, $0x35;
	[tilespmem:v12+s6+$0x0] =	vst.idx.msk $0xffff, v13  }
0x136: {  	v12 =	vld @!p0 [tilespmem:s14+$0xA];
	_ =	sdelay $0x4  }
0x137: {  	(v2sf) =	vpush @!p0 v12, $0x0;
	_ =	sdelay $0xe  }
0x138: {  	s5 =	spop @!p0 (v2sf)  }
0x139: {  	s5 =	sand.u32 @!p0 $0xFFFFFF80, s5  }
0x13a: {  	p1 =	slt.s32 @!p0 s5, $0xF4180  }
0x13b: {  	p1 =	por !p1, p0  }
0x13c: {  	s15 =	sadd.s32 $0x1, s15;
	s5 =	simm.s32 @p1 $0xF4180  }
0x13d: {  	s7 =	simm.s32 @!p0 $0x400;
	s9 =	simm.s32 @!p0 $0x7A1400;
	s5 =	sadd.s32 @!p0 s1, s5  }
0x13e: {  	[tilespmem:s4], [sflag:s18] =	stream.strided.gather @!p0 [hbm4b:s5+s7], $0x2000, s9, s7, $0x38;
	[tilespmem:$0x1A500] =	vst v63  }
0x13f: {  	p0 =	sne.s32 s15, $0x40  }
.Ltmp11:
0x140: {  	_ = 	snop;
	(pc) =	sbr.rel @!p0 .LBB2_14-.Ltmp11, $2  }
0x141: {  	_ =	sdelay $0x2  }
0x142: {  	s14 =	sadd.s32 $0x1, s14  }
.LBB2_10:
0x143: {  	v12 =	vld [tilespmem:s14+$0x0];
	_ =	sdelay $0x4  }
0x144: {  	(v2sf) =	vpush v12, $0x0;
	_ =	sdelay $0x9  }
0x145: {  	s4 =	smul.u32 $0xCD, s15;
	_ =	sdelay $0x1  }
0x146: {  	s4 =	sshrl.u32 s4, $0xB  }
0x147: {  	s4 =	sand.u32 $0x1F, s4  }
0x148: {  	s4 =	smul.u32 $0xA, s4  }
0x149: {  	s5 =	spop (v2sf)  }
0x14a: {  	s4 =	ssub.s32 s15, s4;
	p0 =	sgt.s32 s5, $0xF41FF  }
.Ltmp12:
0x14b: {  	s4 =	sand.u32 $0xFF, s4;
	(pc) =	sbr.rel @p0 .LBB2_12-.Ltmp12, $4  }
0x14c: {  	s18 =	sadd.s32 $0x1, s4  }
0x14d: {  	_ =	swait.ge [sflag:s18], $0x2000  }
0x14e: {  	s4 =	sshll.u32 s4, $0xD;
	[sflag:s18] =	ssyncset.done $0x0  }
0x14f: {  	s4 =	sor.u32 $0x500, s4;
	[sflag:s18] =	ssyncadd.s32 $0xFFFFE000  }
0x150: {  	s7 =	sand.u32 $0xFFFFFF80, s5  }
0x151: {  	p0 =	slt.s32 s7, $0xF4180  }
0x152: {  	s7 =	simm.s32 @!p0 $0xF4180  }
0x153: {  	s7 =	ssub.s32 s5, s7  }
0x154: {  	v12 =	vadd.s32 s7, v1;
	_ =	sdelay $0x3  }
0x155: {  	s9 =	sshll.u32 s15, $0x7  }
0x156: {  	v13 =	vor.u32 s9, v0;
	v12 =	vld.idx.msk [tilespmem:v12+s4+$0x0], $0xffff  }
0x157: {  	v14 =	vadd.s32 s7, v2;
	_ =	sdelay $0x3  }
0x158: {  	[tilespmem:v13+s6+$0x0] =	vst.idx.msk $0xffff, v12  }
0x159: {  	v13 =	vor.u32 s9, v3;
	v12 =	vld.idx.msk [tilespmem:v14+s4+$0x0], $0xffff  }
0x15a: {  	v14 =	vadd.s32 s7, v4;
	_ =	sdelay $0x3  }
0x15b: {  	[tilespmem:v13+s6+$0x0] =	vst.idx.msk $0xffff, v12  }
0x15c: {  	v13 =	vor.u32 s9, v5;
	v12 =	vld.idx.msk [tilespmem:v14+s4+$0x0], $0xffff  }
0x15d: {  	v14 =	vadd.s32 s7, v6  }
.Ltmp13:
0x15e: {  	_ = 	snop;
	(pc) =	sbr.rel .LBB2_13-.Ltmp13, $3  }
0x15f: {  	_ =	sdelay $0x1  }
0x160: {  	[tilespmem:v13+s6+$0x0] =	vst.idx.msk $0xffff, v12  }
0x161: {  	v12 =	vmov s9;
	v13 =	vld.idx.msk [tilespmem:v14+s4+$0x0], $0xffff  }
.LBB2_15:
.Ltmp14:
0x162: {  	(pc) =	sbr.rel .LBB2_16-.Ltmp14, $2  }
0x163: {  	_ =	sdelay $0x2  }
0x164: {  	s13 =	simm.s32 $0x0  }
.LBB2_21:
0x165: {  	s4 =	sadd.s32 s10, s12;
	s13 =	sadd.s32 $0x1, s13  }
0x166: {  	s5 =	rddreg [dreg:$0x7];
	s4 =	sshll.u32 s4, $0x4;
	p0 =	sne.s32 s13, $0x8  }
.Ltmp15:
0x167: {  	s12 =	simm.s32 $0x0;
	s4 =	sadd.s32 s5, s4;
	(pc) =	sbr.rel @!p0 .LBB2_22-.Ltmp15, $4  }
0x168: {  	[hbm4b:s4+s12] =	stream.linear.scatter [tilespmem:s6], [sflag:$0xB], $0x2000, $0x38;
	[tilespmem:$0x1A500] =	vst v63  }
0x169: {  	_ =	swait.ge [sflag:s17], $0x2000  }
0x16a: {  	[sflag:s17] =	ssyncset.done $0x0  }
0x16b: {  	s19 =	sadd.s32 $0x40, s19;
	[sflag:s17] =	ssyncadd.s32 $0xFFFFE000  }
.LBB2_16:
0x16c: {  	s12 =	sshll.u32 s13, $0x6  }
0x16d: {  	v12 =	vld [tilespmem:s12+$0x0];
	_ =	sdelay $0x4  }
0x16e: {  	(v2sf) =	vpush v12, $0x0;
	_ =	sdelay $0xe  }
0x16f: {  	s4 =	spop (v2sf)  }
0x170: {  	s4 =	sand.u32 $0xFFFFFF80, s4  }
0x171: {  	p0 =	slt.s32 s4, $0xF4180  }
0x172: {  	s4 =	simm.s32 @!p0 $0xF4180  }
0x173: {  	s4 =	sadd.s32 s2, s4  }
0x174: {  	[tilespmem:s22], [sflag:$0x1] =	stream.strided.gather [hbm4b:s4+s16], $0x2000, s21, s16, $0x38;
	[tilespmem:$0x1A500] =	vst v63  }
0x175: {  	v55 =	vld [tilespmem:s12+$0x1];
	_ =	sdelay $0x4  }
0x176: {  	(v2sf) =	vpush v55, $0x0;
	_ =	sdelay $0xe  }
0x177: {  	s14 =	spop (v2sf)  }
0x178: {  	s4 =	sand.u32 $0xFFFFFF80, s14  }
0x179: {  	p0 =	slt.s32 s4, $0xF4180  }
0x17a: {  	s4 =	simm.s32 @!p0 $0xF4180  }
0x17b: {  	s4 =	sadd.s32 s2, s4  }
0x17c: {  	[tilespmem:s23], [sflag:$0x2] =	stream.strided.gather [hbm4b:s4+s16], $0x2000, s21, s16, $0x38;
	[tilespmem:$0x1A500] =	vst v63  }
0x17d: {  	v56 =	vld [tilespmem:s12+$0x2];
	_ =	sdelay $0x4  }
0x17e: {  	(v2sf) =	vpush v56, $0x0;
	_ =	sdelay $0xe  }
0x17f: {  	s15 =	spop (v2sf)  }
0x180: {  	s4 =	sand.u32 $0xFFFFFF80, s15  }
0x181: {  	p0 =	slt.s32 s4, $0xF4180  }
0x182: {  	s4 =	simm.s32 @!p0 $0xF4180  }
0x183: {  	s4 =	sadd.s32 s2, s4  }
0x184: {  	[tilespmem:s24], [sflag:$0x3] =	stream.strided.gather [hbm4b:s4+s16], $0x2000, s21, s16, $0x38;
	[tilespmem:$0x1A500] =	vst v63  }
0x185: {  	v57 =	vld [tilespmem:s12+$0x3];
	_ =	sdelay $0x4  }
0x186: {  	(v2sf) =	vpush v57, $0x0;
	_ =	sdelay $0xe  }
0x187: {  	s18 =	spop (v2sf)  }
0x188: {  	s4 =	sand.u32 $0xFFFFFF80, s18  }
0x189: {  	p0 =	slt.s32 s4, $0xF4180  }
0x18a: {  	s4 =	simm.s32 @!p0 $0xF4180  }
0x18b: {  	s4 =	sadd.s32 s2, s4  }
0x18c: {  	[tilespmem:s25], [sflag:$0x4] =	stream.strided.gather [hbm4b:s4+s16], $0x2000, s21, s16, $0x38;
	[tilespmem:$0x1A500] =	vst v63  }
0x18d: {  	v58 =	vld [tilespmem:s12+$0x4];
	_ =	sdelay $0x4  }
0x18e: {  	(v2sf) =	vpush v58, $0x0;
	_ =	sdelay $0xe  }
0x18f: {  	s5 =	spop (v2sf)  }
0x190: {  	s4 =	sand.u32 $0xFFFFFF80, s5  }
0x191: {  	p0 =	slt.s32 s4, $0xF4180  }
0x192: {  	s4 =	simm.s32 @!p0 $0xF4180  }
0x193: {  	s4 =	sadd.s32 s2, s4  }
0x194: {  	[tilespmem:s26], [sflag:$0x5] =	stream.strided.gather [hbm4b:s4+s16], $0x2000, s21, s16, $0x38;
	[tilespmem:$0x1A500] =	vst v63  }
0x195: {  	v59 =	vld [tilespmem:s12+$0x5];
	_ =	sdelay $0x4  }
0x196: {  	(v2sf) =	vpush v59, $0x0;
	_ =	sdelay $0xe  }
0x197: {  	s7 =	spop (v2sf)  }
0x198: {  	s4 =	sand.u32 $0xFFFFFF80, s7  }
0x199: {  	p0 =	slt.s32 s4, $0xF4180  }
0x19a: {  	s4 =	simm.s32 @!p0 $0xF4180  }
0x19b: {  	s4 =	sadd.s32 s2, s4  }
0x19c: {  	[tilespmem:s28], [sflag:$0x6] =	stream.strided.gather [hbm4b:s4+s16], $0x2000, s21, s16, $0x38;
	[tilespmem:$0x1A500] =	vst v63  }
0x19d: {  	v60 =	vld [tilespmem:s12+$0x6];
	_ =	sdelay $0x4  }
0x19e: {  	(v2sf) =	vpush v60, $0x0;
	_ =	sdelay $0xe  }
0x19f: {  	s9 =	spop (v2sf)  }
0x1a0: {  	s4 =	sand.u32 $0xFFFFFF80, s9  }
0x1a1: {  	p0 =	slt.s32 s4, $0xF4180  }
0x1a2: {  	s4 =	simm.s32 @!p0 $0xF4180  }
0x1a3: {  	s4 =	sadd.s32 s2, s4  }
0x1a4: {  	[tilespmem:s29], [sflag:$0x7] =	stream.strided.gather [hbm4b:s4+s16], $0x2000, s21, s16, $0x38;
	[tilespmem:$0x1A500] =	vst v63  }
0x1a5: {  	v61 =	vld [tilespmem:s12+$0x7];
	_ =	sdelay $0x4  }
0x1a6: {  	(v2sf) =	vpush v61, $0x0;
	_ =	sdelay $0xe  }
0x1a7: {  	s14 =	spop (v2sf)  }
0x1a8: {  	s4 =	sand.u32 $0xFFFFFF80, s14  }
0x1a9: {  	p0 =	slt.s32 s4, $0xF4180  }
0x1aa: {  	s4 =	simm.s32 @!p0 $0xF4180  }
0x1ab: {  	s4 =	sadd.s32 s2, s4  }
0x1ac: {  	[tilespmem:s30], [sflag:$0x8] =	stream.strided.gather [hbm4b:s4+s16], $0x2000, s21, s16, $0x38;
	[tilespmem:$0x1A500] =	vst v63  }
0x1ad: {  	v62 =	vld [tilespmem:s12+$0x8];
	_ =	sdelay $0x4  }
0x1ae: {  	(v2sf) =	vpush v62, $0x0;
	_ =	sdelay $0xe  }
0x1af: {  	s15 =	spop (v2sf)  }
0x1b0: {  	s4 =	sand.u32 $0xFFFFFF80, s15  }
0x1b1: {  	p0 =	slt.s32 s4, $0xF4180  }
0x1b2: {  	s4 =	simm.s32 @!p0 $0xF4180  }
0x1b3: {  	s4 =	sadd.s32 s2, s4  }
0x1b4: {  	[tilespmem:s31], [sflag:$0x9] =	stream.strided.gather [hbm4b:s4+s16], $0x2000, s21, s16, $0x38;
	[tilespmem:$0x1A500] =	vst v63  }
0x1b5: {  	v63 =	vld [tilespmem:s12+$0x9];
	_ =	sdelay $0x4  }
0x1b6: {  	(v2sf) =	vpush v63, $0x0;
	_ =	sdelay $0xe  }
0x1b7: {  	s18 =	spop (v2sf)  }
.Ltmp16:
0x1b8: {  	s4 =	sand.u32 $0xFFFFFF80, s18;
	(pc) =	sbr.rel .LBB2_17-.Ltmp16, $4  }
0x1b9: {  	p0 =	slt.s32 s4, $0xF4180  }
0x1ba: {  	s4 =	simm.s32 @!p0 $0xF4180  }
0x1bb: {  	s14 =	smov.u32 s19;
	s15 =	simm.s32 $0x0;
	s4 =	sadd.s32 s2, s4  }
0x1bc: {  	[tilespmem:s8], [sflag:$0xA] =	stream.strided.gather [hbm4b:s4+s16], $0x2000, s21, s16, $0x38;
	[tilespmem:$0x1A500] =	vst v63  }
.LBB2_19:
0x1bd: {  	s5 =	sadd.s32 $0xFFF0BE80, s5  }
0x1be: {  	v12 =	vmov s5  }
0x1bf: {  	v13 =	vshll.u32 v12, $0x3  }
0x1c0: {  	v12 =	vand.u32 $0x7F, v12;
	v13 =	vand.u32 $0xFFFFFC00, v13  }
0x1c1: {  	v12 =	vor.u32 v12, v13  }
0x1c2: {  	v13 =	vadd.s32 v8, v12;
	_ =	sdelay $0x3  }
0x1c3: {  	s9 =	sshll.u32 s15, $0x7  }
0x1c4: {  	v14 =	vor.u32 s9, v0;
	v13 =	vld.idx.msk [tilespmem:v13+s20+$0x0], $0xffff  }
0x1c5: {  	v15 =	vadd.s32 v9, v12;
	_ =	sdelay $0x3  }
0x1c6: {  	[tilespmem:v14+s6+$0x0] =	vst.idx.msk $0xffff, v13  }
0x1c7: {  	v14 =	vor.u32 s9, v3;
	v13 =	vld.idx.msk [tilespmem:v15+s20+$0x0], $0xffff  }
0x1c8: {  	v15 =	vadd.s32 v10, v12;
	_ =	sdelay $0x3  }
0x1c9: {  	[tilespmem:v14+s6+$0x0] =	vst.idx.msk $0xffff, v13  }
0x1ca: {  	v14 =	vor.u32 s9, v5;
	v13 =	vld.idx.msk [tilespmem:v15+s20+$0x0], $0xffff  }
0x1cb: {  	v15 =	vadd.s32 v11, v12;
	_ =	sdelay $0x3  }
0x1cc: {  	[tilespmem:v14+s6+$0x0] =	vst.idx.msk $0xffff, v13  }
0x1cd: {  	v12 =	vmov s9;
	v13 =	vld.idx.msk [tilespmem:v15+s20+$0x0], $0xffff  }
.LBB2_20:
0x1ce: {  	v12 =	vor.u32 v7, v12;
	_ =	sdelay $0x4  }
0x1cf: {  	p0 =	sgt.u32 s15, $0x35;
	[tilespmem:v12+s6+$0x0] =	vst.idx.msk $0xffff, v13  }
0x1d0: {  	v12 =	vld @!p0 [tilespmem:s14+$0xA];
	_ =	sdelay $0x4  }
0x1d1: {  	(v2sf) =	vpush @!p0 v12, $0x0;
	_ =	sdelay $0xe  }
0x1d2: {  	s5 =	spop @!p0 (v2sf)  }
0x1d3: {  	s5 =	sand.u32 @!p0 $0xFFFFFF80, s5  }
0x1d4: {  	p1 =	slt.s32 @!p0 s5, $0xF4180  }
0x1d5: {  	p1 =	por !p1, p0  }
0x1d6: {  	s15 =	sadd.s32 $0x1, s15;
	s5 =	simm.s32 @p1 $0xF4180  }
0x1d7: {  	s7 =	simm.s32 @!p0 $0x400;
	s9 =	simm.s32 @!p0 $0x7A1400;
	s5 =	sadd.s32 @!p0 s2, s5  }
0x1d8: {  	[tilespmem:s4], [sflag:s18] =	stream.strided.gather @!p0 [hbm4b:s5+s7], $0x2000, s9, s7, $0x38;
	[tilespmem:$0x1A500] =	vst v63  }
0x1d9: {  	p0 =	sne.s32 s15, $0x40  }
.Ltmp17:
0x1da: {  	_ = 	snop;
	(pc) =	sbr.rel @!p0 .LBB2_21-.Ltmp17, $2  }
0x1db: {  	_ =	sdelay $0x2  }
0x1dc: {  	s14 =	sadd.s32 $0x1, s14  }
.LBB2_17:
0x1dd: {  	v12 =	vld [tilespmem:s14+$0x0];
	_ =	sdelay $0x4  }
0x1de: {  	(v2sf) =	vpush v12, $0x0;
	_ =	sdelay $0x9  }
0x1df: {  	s4 =	smul.u32 $0xCD, s15;
	_ =	sdelay $0x1  }
0x1e0: {  	s4 =	sshrl.u32 s4, $0xB  }
0x1e1: {  	s4 =	sand.u32 $0x1F, s4  }
0x1e2: {  	s4 =	smul.u32 $0xA, s4  }
0x1e3: {  	s5 =	spop (v2sf)  }
0x1e4: {  	s4 =	ssub.s32 s15, s4;
	p0 =	sgt.s32 s5, $0xF41FF  }
.Ltmp18:
0x1e5: {  	s4 =	sand.u32 $0xFF, s4;
	(pc) =	sbr.rel @p0 .LBB2_19-.Ltmp18, $4  }
0x1e6: {  	s18 =	sadd.s32 $0x1, s4  }
0x1e7: {  	_ =	swait.ge [sflag:s18], $0x2000  }
0x1e8: {  	s4 =	sshll.u32 s4, $0xD;
	[sflag:s18] =	ssyncset.done $0x0  }
0x1e9: {  	s4 =	sor.u32 $0x500, s4;
	[sflag:s18] =	ssyncadd.s32 $0xFFFFE000  }
0x1ea: {  	s7 =	sand.u32 $0xFFFFFF80, s5  }
0x1eb: {  	p0 =	slt.s32 s7, $0xF4180  }
0x1ec: {  	s7 =	simm.s32 @!p0 $0xF4180  }
0x1ed: {  	s7 =	ssub.s32 s5, s7  }
0x1ee: {  	v12 =	vadd.s32 s7, v1;
	_ =	sdelay $0x3  }
0x1ef: {  	s9 =	sshll.u32 s15, $0x7  }
0x1f0: {  	v13 =	vor.u32 s9, v0;
	v12 =	vld.idx.msk [tilespmem:v12+s4+$0x0], $0xffff  }
0x1f1: {  	v14 =	vadd.s32 s7, v2;
	_ =	sdelay $0x3  }
0x1f2: {  	[tilespmem:v13+s6+$0x0] =	vst.idx.msk $0xffff, v12  }
0x1f3: {  	v13 =	vor.u32 s9, v3;
	v12 =	vld.idx.msk [tilespmem:v14+s4+$0x0], $0xffff  }
0x1f4: {  	v14 =	vadd.s32 s7, v4;
	_ =	sdelay $0x3  }
0x1f5: {  	[tilespmem:v13+s6+$0x0] =	vst.idx.msk $0xffff, v12  }
0x1f6: {  	v13 =	vor.u32 s9, v5;
	v12 =	vld.idx.msk [tilespmem:v14+s4+$0x0], $0xffff  }
0x1f7: {  	v14 =	vadd.s32 s7, v6  }
.Ltmp19:
0x1f8: {  	_ = 	snop;
	(pc) =	sbr.rel .LBB2_20-.Ltmp19, $3  }
0x1f9: {  	_ =	sdelay $0x1  }
0x1fa: {  	[tilespmem:v13+s6+$0x0] =	vst.idx.msk $0xffff, v12  }
0x1fb: {  	v12 =	vmov s9;
	v13 =	vld.idx.msk [tilespmem:v14+s4+$0x0], $0xffff  }
.LBB2_22:
.Ltmp20:
0x1fc: {  	(pc) =	sbr.rel .LBB2_23-.Ltmp20, $2  }
0x1fd: {  	_ =	sdelay $0x2  }
0x1fe: {  	s13 =	simm.s32 $0x280  }
.LBB2_28:
0x1ff: {  	s4 =	sadd.s32 s10, s19;
	s12 =	sadd.s32 $0x1, s12  }
0x200: {  	s5 =	rddreg [dreg:$0x8];
	s4 =	sshll.u32 s4, $0x4;
	p0 =	sne.s32 s12, $0x8  }
.Ltmp21:
0x201: {  	s4 =	sadd.s32 s5, s4;
	(pc) =	sbr.rel @!p0 .LBB2_29-.Ltmp21, $4  }
0x202: {  	[hbm4b:s4+s11] =	stream.linear.scatter [tilespmem:s6], [sflag:$0xB], $0x2000, $0x38;
	[tilespmem:$0x1A500] =	vst v63  }
0x203: {  	_ =	swait.ge [sflag:s17], $0x2000  }
0x204: {  	[sflag:s17] =	ssyncset.done $0x0  }
0x205: {  	s13 =	sadd.s32 $0x40, s13;
	[sflag:s17] =	ssyncadd.s32 $0xFFFFE000  }
.LBB2_23:
0x206: {  	s19 =	sshll.u32 s12, $0x6  }
0x207: {  	v12 =	vld [tilespmem:s19+$0x280];
	_ =	sdelay $0x4  }
0x208: {  	(v2sf) =	vpush v12, $0x0;
	_ =	sdelay $0xe  }
0x209: {  	s4 =	spop (v2sf)  }
0x20a: {  	s4 =	sand.u32 $0xFFFFFF80, s4  }
0x20b: {  	p0 =	slt.s32 s4, $0xF4180  }
0x20c: {  	s4 =	simm.s32 @!p0 $0xF4180  }
0x20d: {  	s4 =	sadd.s32 s3, s4  }
0x20e: {  	[tilespmem:s22], [sflag:$0x1] =	stream.strided.gather [hbm4b:s4+s16], $0x2000, s21, s16, $0x38;
	[tilespmem:$0x1A500] =	vst v63  }
0x20f: {  	v55 =	vld [tilespmem:s19+$0x281];
	_ =	sdelay $0x4  }
0x210: {  	(v2sf) =	vpush v55, $0x0;
	_ =	sdelay $0xe  }
0x211: {  	s14 =	spop (v2sf)  }
0x212: {  	s4 =	sand.u32 $0xFFFFFF80, s14  }
0x213: {  	p0 =	slt.s32 s4, $0xF4180  }
0x214: {  	s4 =	simm.s32 @!p0 $0xF4180  }
0x215: {  	s4 =	sadd.s32 s3, s4  }
0x216: {  	[tilespmem:s23], [sflag:$0x2] =	stream.strided.gather [hbm4b:s4+s16], $0x2000, s21, s16, $0x38;
	[tilespmem:$0x1A500] =	vst v63  }
0x217: {  	v56 =	vld [tilespmem:s19+$0x282];
	_ =	sdelay $0x4  }
0x218: {  	(v2sf) =	vpush v56, $0x0;
	_ =	sdelay $0xe  }
0x219: {  	s15 =	spop (v2sf)  }
0x21a: {  	s4 =	sand.u32 $0xFFFFFF80, s15  }
0x21b: {  	p0 =	slt.s32 s4, $0xF4180  }
0x21c: {  	s4 =	simm.s32 @!p0 $0xF4180  }
0x21d: {  	s4 =	sadd.s32 s3, s4  }
0x21e: {  	[tilespmem:s24], [sflag:$0x3] =	stream.strided.gather [hbm4b:s4+s16], $0x2000, s21, s16, $0x38;
	[tilespmem:$0x1A500] =	vst v63  }
0x21f: {  	v57 =	vld [tilespmem:s19+$0x283];
	_ =	sdelay $0x4  }
0x220: {  	(v2sf) =	vpush v57, $0x0;
	_ =	sdelay $0xe  }
0x221: {  	s18 =	spop (v2sf)  }
0x222: {  	s4 =	sand.u32 $0xFFFFFF80, s18  }
0x223: {  	p0 =	slt.s32 s4, $0xF4180  }
0x224: {  	s4 =	simm.s32 @!p0 $0xF4180  }
0x225: {  	s4 =	sadd.s32 s3, s4  }
0x226: {  	[tilespmem:s25], [sflag:$0x4] =	stream.strided.gather [hbm4b:s4+s16], $0x2000, s21, s16, $0x38;
	[tilespmem:$0x1A500] =	vst v63  }
0x227: {  	v58 =	vld [tilespmem:s19+$0x284];
	_ =	sdelay $0x4  }
0x228: {  	(v2sf) =	vpush v58, $0x0;
	_ =	sdelay $0xe  }
0x229: {  	s5 =	spop (v2sf)  }
0x22a: {  	s4 =	sand.u32 $0xFFFFFF80, s5  }
0x22b: {  	p0 =	slt.s32 s4, $0xF4180  }
0x22c: {  	s4 =	simm.s32 @!p0 $0xF4180  }
0x22d: {  	s4 =	sadd.s32 s3, s4  }
0x22e: {  	[tilespmem:s26], [sflag:$0x5] =	stream.strided.gather [hbm4b:s4+s16], $0x2000, s21, s16, $0x38;
	[tilespmem:$0x1A500] =	vst v63  }
0x22f: {  	v59 =	vld [tilespmem:s19+$0x285];
	_ =	sdelay $0x4  }
0x230: {  	(v2sf) =	vpush v59, $0x0;
	_ =	sdelay $0xe  }
0x231: {  	s7 =	spop (v2sf)  }
0x232: {  	s4 =	sand.u32 $0xFFFFFF80, s7  }
0x233: {  	p0 =	slt.s32 s4, $0xF4180  }
0x234: {  	s4 =	simm.s32 @!p0 $0xF4180  }
0x235: {  	s4 =	sadd.s32 s3, s4  }
0x236: {  	[tilespmem:s28], [sflag:$0x6] =	stream.strided.gather [hbm4b:s4+s16], $0x2000, s21, s16, $0x38;
	[tilespmem:$0x1A500] =	vst v63  }
0x237: {  	v60 =	vld [tilespmem:s19+$0x286];
	_ =	sdelay $0x4  }
0x238: {  	(v2sf) =	vpush v60, $0x0;
	_ =	sdelay $0xe  }
0x239: {  	s9 =	spop (v2sf)  }
0x23a: {  	s4 =	sand.u32 $0xFFFFFF80, s9  }
0x23b: {  	p0 =	slt.s32 s4, $0xF4180  }
0x23c: {  	s4 =	simm.s32 @!p0 $0xF4180  }
0x23d: {  	s4 =	sadd.s32 s3, s4  }
0x23e: {  	[tilespmem:s29], [sflag:$0x7] =	stream.strided.gather [hbm4b:s4+s16], $0x2000, s21, s16, $0x38;
	[tilespmem:$0x1A500] =	vst v63  }
0x23f: {  	v61 =	vld [tilespmem:s19+$0x287];
	_ =	sdelay $0x4  }
0x240: {  	(v2sf) =	vpush v61, $0x0;
	_ =	sdelay $0xe  }
0x241: {  	s14 =	spop (v2sf)  }
0x242: {  	s4 =	sand.u32 $0xFFFFFF80, s14  }
0x243: {  	p0 =	slt.s32 s4, $0xF4180  }
0x244: {  	s4 =	simm.s32 @!p0 $0xF4180  }
0x245: {  	s4 =	sadd.s32 s3, s4  }
0x246: {  	[tilespmem:s30], [sflag:$0x8] =	stream.strided.gather [hbm4b:s4+s16], $0x2000, s21, s16, $0x38;
	[tilespmem:$0x1A500] =	vst v63  }
0x247: {  	v62 =	vld [tilespmem:s19+$0x288];
	_ =	sdelay $0x4  }
0x248: {  	(v2sf) =	vpush v62, $0x0;
	_ =	sdelay $0xe  }
0x249: {  	s15 =	spop (v2sf)  }
0x24a: {  	s4 =	sand.u32 $0xFFFFFF80, s15  }
0x24b: {  	p0 =	slt.s32 s4, $0xF4180  }
0x24c: {  	s4 =	simm.s32 @!p0 $0xF4180  }
0x24d: {  	s4 =	sadd.s32 s3, s4  }
0x24e: {  	[tilespmem:s31], [sflag:$0x9] =	stream.strided.gather [hbm4b:s4+s16], $0x2000, s21, s16, $0x38;
	[tilespmem:$0x1A500] =	vst v63  }
0x24f: {  	v63 =	vld [tilespmem:s19+$0x289];
	_ =	sdelay $0x4  }
0x250: {  	(v2sf) =	vpush v63, $0x0;
	_ =	sdelay $0xe  }
0x251: {  	s18 =	spop (v2sf)  }
.Ltmp22:
0x252: {  	s4 =	sand.u32 $0xFFFFFF80, s18;
	(pc) =	sbr.rel .LBB2_24-.Ltmp22, $4  }
0x253: {  	p0 =	slt.s32 s4, $0xF4180  }
0x254: {  	s4 =	simm.s32 @!p0 $0xF4180  }
0x255: {  	s14 =	smov.u32 s13;
	s15 =	simm.s32 $0x0;
	s4 =	sadd.s32 s3, s4  }
0x256: {  	[tilespmem:s8], [sflag:$0xA] =	stream.strided.gather [hbm4b:s4+s16], $0x2000, s21, s16, $0x38;
	[tilespmem:$0x1A500] =	vst v63  }
.LBB2_26:
0x257: {  	s5 =	sadd.s32 $0xFFF0BEC0, s5  }
0x258: {  	v12 =	vmov s5  }
0x259: {  	v13 =	vshll.u32 v12, $0x3  }
0x25a: {  	v12 =	vand.u32 $0x7F, v12;
	v13 =	vand.u32 $0xFFFFFC00, v13  }
0x25b: {  	v12 =	vor.u32 v12, v13  }
0x25c: {  	v13 =	vadd.s32 v8, v12;
	_ =	sdelay $0x3  }
0x25d: {  	s9 =	sshll.u32 s15, $0x7  }
0x25e: {  	v14 =	vor.u32 s9, v0;
	v13 =	vld.idx.msk [tilespmem:v13+s20+$0x0], $0xffff  }
0x25f: {  	v15 =	vadd.s32 v9, v12;
	_ =	sdelay $0x3  }
0x260: {  	[tilespmem:v14+s6+$0x0] =	vst.idx.msk $0xffff, v13  }
0x261: {  	v14 =	vor.u32 s9, v3;
	v13 =	vld.idx.msk [tilespmem:v15+s20+$0x0], $0xffff  }
0x262: {  	v15 =	vadd.s32 v10, v12;
	_ =	sdelay $0x3  }
0x263: {  	[tilespmem:v14+s6+$0x0] =	vst.idx.msk $0xffff, v13  }
0x264: {  	v14 =	vor.u32 s9, v5;
	v13 =	vld.idx.msk [tilespmem:v15+s20+$0x0], $0xffff  }
0x265: {  	v15 =	vadd.s32 v11, v12;
	_ =	sdelay $0x3  }
0x266: {  	[tilespmem:v14+s6+$0x0] =	vst.idx.msk $0xffff, v13  }
0x267: {  	v12 =	vmov s9;
	v13 =	vld.idx.msk [tilespmem:v15+s20+$0x0], $0xffff  }
.LBB2_27:
0x268: {  	v12 =	vor.u32 v7, v12;
	_ =	sdelay $0x4  }
0x269: {  	p0 =	sgt.u32 s15, $0x35;
	[tilespmem:v12+s6+$0x0] =	vst.idx.msk $0xffff, v13  }
0x26a: {  	v12 =	vld @!p0 [tilespmem:s14+$0xA];
	_ =	sdelay $0x4  }
0x26b: {  	(v2sf) =	vpush @!p0 v12, $0x0;
	_ =	sdelay $0xe  }
0x26c: {  	s5 =	spop @!p0 (v2sf)  }
0x26d: {  	s5 =	sand.u32 @!p0 $0xFFFFFF80, s5  }
0x26e: {  	p1 =	slt.s32 @!p0 s5, $0xF4180  }
0x26f: {  	p1 =	por !p1, p0  }
0x270: {  	s15 =	sadd.s32 $0x1, s15;
	s5 =	simm.s32 @p1 $0xF4180  }
0x271: {  	s7 =	simm.s32 @!p0 $0x400;
	s9 =	simm.s32 @!p0 $0x7A1400;
	s5 =	sadd.s32 @!p0 s3, s5  }
0x272: {  	[tilespmem:s4], [sflag:s18] =	stream.strided.gather @!p0 [hbm4b:s5+s7], $0x2000, s9, s7, $0x38;
	[tilespmem:$0x1A500] =	vst v63  }
0x273: {  	p0 =	sne.s32 s15, $0x40  }
.Ltmp23:
0x274: {  	_ = 	snop;
	(pc) =	sbr.rel @!p0 .LBB2_28-.Ltmp23, $2  }
0x275: {  	_ =	sdelay $0x2  }
0x276: {  	s14 =	sadd.s32 $0x1, s14  }
.LBB2_24:
0x277: {  	v12 =	vld [tilespmem:s14+$0x0];
	_ =	sdelay $0x4  }
0x278: {  	(v2sf) =	vpush v12, $0x0;
	_ =	sdelay $0x9  }
0x279: {  	s4 =	smul.u32 $0xCD, s15;
	_ =	sdelay $0x1  }
0x27a: {  	s4 =	sshrl.u32 s4, $0xB  }
0x27b: {  	s4 =	sand.u32 $0x1F, s4  }
0x27c: {  	s4 =	smul.u32 $0xA, s4  }
0x27d: {  	s5 =	spop (v2sf)  }
0x27e: {  	s4 =	ssub.s32 s15, s4;
	p0 =	sgt.s32 s5, $0xF41FF  }
.Ltmp24:
0x27f: {  	s4 =	sand.u32 $0xFF, s4;
	(pc) =	sbr.rel @p0 .LBB2_26-.Ltmp24, $4  }
0x280: {  	s18 =	sadd.s32 $0x1, s4  }
0x281: {  	_ =	swait.ge [sflag:s18], $0x2000  }
0x282: {  	s4 =	sshll.u32 s4, $0xD;
	[sflag:s18] =	ssyncset.done $0x0  }
0x283: {  	s4 =	sor.u32 $0x500, s4;
	[sflag:s18] =	ssyncadd.s32 $0xFFFFE000  }
0x284: {  	s7 =	sand.u32 $0xFFFFFF80, s5  }
0x285: {  	p0 =	slt.s32 s7, $0xF4180  }
0x286: {  	s7 =	simm.s32 @!p0 $0xF4180  }
0x287: {  	s7 =	ssub.s32 s5, s7  }
0x288: {  	v12 =	vadd.s32 s7, v1;
	_ =	sdelay $0x3  }
0x289: {  	s9 =	sshll.u32 s15, $0x7  }
0x28a: {  	v13 =	vor.u32 s9, v0;
	v12 =	vld.idx.msk [tilespmem:v12+s4+$0x0], $0xffff  }
0x28b: {  	v14 =	vadd.s32 s7, v2;
	_ =	sdelay $0x3  }
0x28c: {  	[tilespmem:v13+s6+$0x0] =	vst.idx.msk $0xffff, v12  }
0x28d: {  	v13 =	vor.u32 s9, v3;
	v12 =	vld.idx.msk [tilespmem:v14+s4+$0x0], $0xffff  }
0x28e: {  	v14 =	vadd.s32 s7, v4;
	_ =	sdelay $0x3  }
0x28f: {  	[tilespmem:v13+s6+$0x0] =	vst.idx.msk $0xffff, v12  }
0x290: {  	v13 =	vor.u32 s9, v5;
	v12 =	vld.idx.msk [tilespmem:v14+s4+$0x0], $0xffff  }
0x291: {  	v14 =	vadd.s32 s7, v6  }
.Ltmp25:
0x292: {  	_ = 	snop;
	(pc) =	sbr.rel .LBB2_27-.Ltmp25, $3  }
0x293: {  	_ =	sdelay $0x1  }
0x294: {  	[tilespmem:v13+s6+$0x0] =	vst.idx.msk $0xffff, v12  }
0x295: {  	v12 =	vmov s9;
	v13 =	vld.idx.msk [tilespmem:v14+s4+$0x0], $0xffff  }
.LBB2_30:
0x296: {  	_ =	sfence.sel $0x180000  }
0x297: {  	[bflag:$0x0] =	sbarrier.arrive $0xFFFF  }
0x298: {  	_ =	strace $0x90000047  }
0x299: {  	s0 =	stileid.u32;
	[bflag:$0x2] =	sbarrier.arrive $0xFFFF  }
0x29a: {  	p0 =	sne.s32 s0, $0x0;
	s0 =	rddreg [dreg:$0x9]  }
0x29b: {  	s0 =	sadd.s32 @!p0 $0x100000, s0  }
0x29c: {  	[sflag:s0] =	ssyncadd.tile.s32 @!p0 $0x1;
	_ =	shalt  }
.Lfunc_end2:
_tile_overlayer_lowered:
.L_overlay_start_2:
0x29d: {  	(tag) =	ssettag $0x2  }
0x29e: {  	s0 =	rddreg [dreg:$0x0];
	s2 =	stileid.u32  }
0x29f: {  	s1 =	rddreg [dreg:$0x1];
	p0 =	sne.s32 s2, $0x0  }
0x2a0: {  	s3 =	rddreg [dreg:$0x2];
	[bflag:$0x3] =	sbarrier.arrive $0xFFFF;
	s2 =	simm.s32 @!p0 $0x1C0B  }
0x2a1: {  	[timem:s3], [sflag:s2] =	dma.local @!p0 [hbm:s0], s1  }
0x2a2: {  	s0 =	simm.s32 @!p0 $0xB  }
0x2a3: {  	_ =	swait.ge @!p0 [sflag:s0], s1  }
0x2a4: {  	s1 =	ssub.s32 @!p0 $0x0, s1;
	[sflag:s0] =	ssyncset.done @!p0 $0x0  }
0x2a5: {  	[sflag:s0] =	ssyncadd.s32 @!p0 s1  }
0x2a6: {  	[bflag:$0x3] =	sbarrier.arrive $0xFFFF  }
0x2a7: {  	_ =	shalt  }

</sc_bundles>
